<compile_context>
chip_gen: v7x
topology: tpu7x:2x2x1
jax: 0.10.2.dev20260603
libtpu: 0.0.44.dev20260713+nightly
codegen_flags: <defaults>
</compile_context>

<pallas_src>
import functools

import jax
import jax.numpy as jnp
from jax import lax
from jax.experimental import pallas as pl
from jax.experimental.pallas import tpu as pltpu
from jax.experimental.pallas import tpu_sc as plsc

_BIG = 2e30
_MASKED = 3e30
_PADV = 1e30
_IBIG = 2**31 - 1
_EPS = 1e-5


def _topk_body(n_valid, k_sel, cc, xrow_ref, xtt_ref, xxr_ref, xxc_ref,
               w1t_ref, w2t_ref, idx_ref, y1_ref, y2_ref):
    xrow = xrow_ref[...]
    dot_hi = functools.partial(
        jax.lax.dot_general,
        dimension_numbers=(((1,), (0,)), ((), ())),
        precision=jax.lax.Precision.HIGHEST,
        preferred_element_type=jnp.float32,
    )
    dot_lo = functools.partial(
        jax.lax.dot_general,
        dimension_numbers=(((1,), (0,)), ((), ())),
        preferred_element_type=jnp.float32,
    )
    y1_ref[...] = dot_hi(xrow, w1t_ref[...])
    y2_ref[...] = dot_hi(xrow, w2t_ref[...])

    rb = xrow.shape[0]
    np_ = xtt_ref.shape[1]
    half = np_ // 2
    xxr = xxr_ref[...]
    inner = dot_lo(xrow, xtt_ref[...])
    xxc = xxc_ref[...]
    colv = jax.lax.broadcasted_iota(jnp.int32, (1, np_), 1)
    d = (xxr + xxc) - 2.0 * inner
    d = jnp.where(colv >= n_valid, _PADV, d)

    ngrp = 2
    grb = rb // ngrp
    ia = jax.lax.broadcasted_iota(jnp.int32, (grb, half), 1)
    ib = ia + half
    isum = ia + ib
    pmin, pmax, pmin_i, new_i = [], [], [], []
    for g in range(ngrp):
        dg = d[g * grb:(g + 1) * grb, :]
        a, b = dg[:, :half], dg[:, half:]
        sel_a = a <= b
        pmin.append(jnp.where(sel_a, a, b))
        pmax.append(jnp.where(sel_a, b, a))
        pmin_i.append(jnp.where(sel_a, ia, ib))
        new_i.append([])
    for _ in range(k_sel):
        for g in range(ngrp):
            m = jnp.min(pmin[g], axis=1, keepdims=True)
            cand = jnp.where(pmin[g] == m, pmin_i[g], _IBIG)
            am = jnp.min(cand, axis=1, keepdims=True)
            hit = cand == am
            pmin[g] = jnp.where(hit, pmax[g], pmin[g])
            pmin_i[g] = jnp.where(hit, isum - pmin_i[g], pmin_i[g])
            pmax[g] = jnp.where(hit, _MASKED, pmax[g])
            new_i[g].append(am)
    for g in range(ngrp):
        idx_ref[g * grb:(g + 1) * grb, :] = jnp.concatenate(new_i[g], axis=1)


def _build_topk(np_, c, o, rb, cc, k_sel, n_valid, interpret=False):
    body = functools.partial(_topk_body, n_valid, k_sel, cc)
    return pl.pallas_call(
        body,
        grid=(np_ // rb,),
        in_specs=[
            pl.BlockSpec((rb, c), lambda i: (i, 0)),
            pl.BlockSpec((c, np_), lambda i: (0, 0)),
            pl.BlockSpec((rb, 1), lambda i: (i, 0)),
            pl.BlockSpec((1, np_), lambda i: (0, 0)),
            pl.BlockSpec((c, o), lambda i: (0, 0)),
            pl.BlockSpec((c, o), lambda i: (0, 0)),
        ],
        out_specs=[
            pl.BlockSpec((rb, k_sel), lambda i: (i, 0)),
            pl.BlockSpec((rb, o), lambda i: (i, 0)),
            pl.BlockSpec((rb, o), lambda i: (i, 0)),
        ],
        out_shape=[
            jax.ShapeDtypeStruct((np_, k_sel), jnp.int32),
            jax.ShapeDtypeStruct((np_, o), jnp.float32),
            jax.ShapeDtypeStruct((np_, o), jnp.float32),
        ],
        interpret=interpret,
    )


def _build_sc_gather(np_, o, k_sel, n_valid):
    nw = 32
    rpc = 8
    gpr = o // 16
    rpw = np_ // nw
    nchunks = rpw // rpc
    mesh = plsc.VectorSubcoreMesh(core_axis_name="c", subcore_axis_name="s")

    @functools.partial(
        pl.kernel,
        mesh=mesh,
        out_type=[
            jax.ShapeDtypeStruct((np_, o), jnp.float32),
            jax.ShapeDtypeStruct((np_, o), jnp.float32),
            jax.ShapeDtypeStruct((2 * nw, o), jnp.float32),
        ],
        scratch_types=[
            pltpu.VMEM((rpc * k_sel,), jnp.int32),
            pltpu.VMEM((rpc * k_sel, o), jnp.float32),
            pltpu.VMEM((rpc, o), jnp.float32),
            pltpu.VMEM((rpc, o), jnp.float32),
            pltpu.VMEM((rpc, o), jnp.float32),
            pltpu.VMEM((o,), jnp.float32),
            pltpu.VMEM((o,), jnp.float32),
            pltpu.SemaphoreType.DMA,
        ],
    )
    def sc_gather(y1_hbm, y2_hbm, idx_hbm, mx_hbm, mn_hbm, part_hbm,
                  idx_v, rows_v, y2_v, mx_v, mn_v, s_v, s2_v, sem):
        wid = lax.axis_index("s") * 2 + lax.axis_index("c")
        row0 = wid * rpw
        for g in range(gpr):
            s_v[pl.ds(g * 16, 16)] = jnp.zeros((16,), jnp.float32)
            s2_v[pl.ds(g * 16, 16)] = jnp.zeros((16,), jnp.float32)

        def chunk_body(ch, _):
            n0 = row0 + ch * rpc
            pltpu.sync_copy(idx_hbm.at[pl.ds(n0 * k_sel, rpc * k_sel)],
                            idx_v)
            pltpu.async_copy(y1_hbm.at[idx_v], rows_v, sem).wait()
            pltpu.sync_copy(y2_hbm.at[pl.ds(n0, rpc)], y2_v)

            def row_body(r, valid):
                for g in range(gpr):
                    cs = pl.ds(g * 16, 16)
                    y2g = y2_v[r, cs]
                    z = rows_v[r * k_sel, cs] + y2g
                    mx, mn, s, s2 = z, z, z, z * z
                    for k in range(1, k_sel):
                        z = rows_v[r * k_sel + k, cs] + y2g
                        mx = jnp.maximum(mx, z)
                        mn = jnp.minimum(mn, z)
                        s = s + z
                        s2 = s2 + z * z
                    mx_v[r, cs] = mx
                    mn_v[r, cs] = mn

                    @pl.when(valid)
                    def _():
                        s_v[cs] = s_v[cs] + s
                        s2_v[cs] = s2_v[cs] + s2
                return valid

            lax.fori_loop(0, rpc, row_body, n0 < n_valid)
            pltpu.sync_copy(mx_v, mx_hbm.at[pl.ds(n0, rpc)])
            pltpu.sync_copy(mn_v, mn_hbm.at[pl.ds(n0, rpc)])
            return ()

        lax.fori_loop(0, nchunks, chunk_body, ())
        pltpu.sync_copy(s_v, part_hbm.at[wid])
        pltpu.sync_copy(s2_v, part_hbm.at[nw + wid])

    return sc_gather


def _fin_body(m_count, mx_ref, mn_ref, part_ref, gamma_ref, beta_ref, out_ref):
    part = part_ref[...]
    wk = part.shape[0] // 2
    s = jnp.sum(part[:wk, :], axis=0, keepdims=True)
    s2 = jnp.sum(part[wk:, :], axis=0, keepdims=True)
    mean = s / m_count
    var = s2 / m_count - mean * mean
    scale = gamma_ref[...] * jax.lax.rsqrt(var + _EPS)
    shift = beta_ref[...] - mean * scale
    pick = jnp.where(scale >= 0.0, mx_ref[...], mn_ref[...])
    o = jnp.maximum(pick * scale + shift, 0.0)
    out_ref[0, ...] = o.T


def _build_fin(np_, o, rb, wk, m_count, interpret=False):
    body = functools.partial(_fin_body, float(m_count))
    return pl.pallas_call(
        body,
        grid=(np_ // rb,),
        in_specs=[
            pl.BlockSpec((rb, o), lambda i: (i, 0)),
            pl.BlockSpec((rb, o), lambda i: (i, 0)),
            pl.BlockSpec((2 * wk, o), lambda i: (0, 0)),
            pl.BlockSpec((1, o), lambda i: (0, 0)),
            pl.BlockSpec((1, o), lambda i: (0, 0)),
        ],
        out_specs=pl.BlockSpec((1, o, rb), lambda i: (0, 0, i)),
        out_shape=jax.ShapeDtypeStruct((1, o, np_), jnp.float32),
        interpret=interpret,
    )


def _edge_conv(x, W, gamma, beta, rb, cc, rb_fin, k_sel, interpret=False):
    b, c, n = x.shape
    o = W.shape[0]
    xt = jnp.transpose(x[0])
    np_ = -(-n // cc) * cc
    xtp = jnp.pad(xt, ((0, np_ - n), (0, 0)))
    xtt = jnp.transpose(xtp)
    xx = jnp.sum(xt * xt, axis=1)
    xxr = jnp.pad(xx, (0, np_ - n))[:, None]
    xxc = jnp.pad(xx, (0, np_ - n))[None, :]
    w1t = jnp.transpose(W[:, :c])
    w2t = jnp.transpose(W[:, c:] - W[:, :c])

    idx, y1, y2 = _build_topk(np_, c, o, rb, cc, k_sel, n,
                              interpret=interpret)(xtp, xtt, xxr, xxc,
                                                   w1t, w2t)

    idxf = idx.reshape(np_ * k_sel)
    mx, mn, partials = _build_sc_gather(np_, o, k_sel, n)(y1, y2, idxf)
    wk = 32

    out = _build_fin(np_, o, rb_fin, wk, n * k_sel, interpret=interpret)(
        mx, mn, partials, gamma[None, :], beta[None, :])
    return out[:, :, :n]


def kernel(x, W, gamma, beta):
    return _edge_conv(x, W, gamma, beta, rb=128, cc=2048, rb_fin=512,
                      k_sel=16)

# --- scband reference (transcript-rebuilt; emitter-appended) ---
"""Pipeline reference for scband-edge-conv-62354335203514 (READ-ONLY COPY).

The authoritative reference and input builder live on the scoring server;
editing this copy changes nothing except your own understanding.
"""

import jax, jax.numpy as jnp
import numpy as np

K = 16
EPS = 1e-5

def setup_inputs(seed: int = 0) -> dict:
    key = jax.random.key(seed)
    k1, k2 = jax.random.split(key, 2)
    x = jax.random.normal(k1, (1, 128, 10000), dtype=jnp.float32)
    # Conv2d(256 -> 128, kernel 1x1, bias=False) weight collapsed to (out, 2*in)
    W = jax.random.normal(k2, (128, 256), dtype=jnp.float32) * (1.0 / np.sqrt(256.0))
    gamma = jnp.ones((128,), dtype=jnp.float32)
    beta = jnp.zeros((128,), dtype=jnp.float32)
    return {"x": x, "W": W, "gamma": gamma, "beta": beta}


def reference(x, W, gamma, beta):
    # x: (B, C, N)
    B, C, N = x.shape
    xt = jnp.transpose(x, (0, 2, 1))  # (B, N, C)
    # knn: pairwise squared distances
    xx = jnp.sum(xt * xt, axis=2, keepdims=True)  # (B, N, 1)
    inner = jnp.einsum('bnc,bmc->bnm', xt, xt)  # (B, N, N)
    dist = xx + jnp.transpose(xx, (0, 2, 1)) - 2.0 * inner
    _, idx = jax.lax.top_k(-dist, K)  # smallest distances -> (B, N, K)
    # get_graph_feature: gather neighbors, build concat(x_j - x_i, x_i)
    neighbors = jax.vmap(lambda xb, ib: xb[ib])(xt, idx)  # (B, N, K, C)
    x_i = jnp.broadcast_to(xt[:, :, None, :], neighbors.shape)  # (B, N, K, C)
    edge = jnp.concatenate([neighbors - x_i, x_i], axis=3)  # (B, N, K, 2C)
    # 1x1 Conv2d == per-(n,k) linear over channels
    out = jnp.einsum('bnkc,oc->bnko', edge, W)  # (B, N, K, out)
    # BatchNorm2d (training-mode batch stats over B, N, K per channel)
    mean = jnp.mean(out, axis=(0, 1, 2), keepdims=True)
    var = jnp.mean((out - mean) ** 2, axis=(0, 1, 2), keepdims=True)
    out = (out - mean) / jnp.sqrt(var + EPS) * gamma + beta
    out = jax.nn.relu(out)
    out = jnp.max(out, axis=2)  # max over k -> (B, N, out)
    return jnp.transpose(out, (0, 2, 1))  # (B, out, N)

if __name__ == "__main__":
    import jax
    _d = setup_inputs()
    print(jax.jit(kernel)(*tuple(_d.values())))

</pallas_src>

<mosaic_0001>
#map = affine_map<(d0, d1) -> (0, 0)>
#map1 = affine_map<(d0, d1) -> (0)>
module attributes {stable_mosaic.version = 14 : i64} {
  func.func @sc_gather(%arg0: i32, %arg1: i32, %arg2: memref<10240x128xf32, #tpu.memory_space<hbm>>, %arg3: memref<10240x128xf32, #tpu.memory_space<hbm>>, %arg4: memref<163840xi32, #tpu.memory_space<hbm>>, %arg5: memref<10240x128xf32, #tpu.memory_space<hbm>>, %arg6: memref<10240x128xf32, #tpu.memory_space<hbm>>, %arg7: memref<64x128xf32, #tpu.memory_space<hbm>>, %arg8: memref<128xi32, #tpu.memory_space<vmem>>, %arg9: memref<128x128xf32, #tpu.memory_space<vmem>>, %arg10: memref<8x128xf32, #tpu.memory_space<vmem>>, %arg11: memref<8x128xf32, #tpu.memory_space<vmem>>, %arg12: memref<8x128xf32, #tpu.memory_space<vmem>>, %arg13: memref<128xf32, #tpu.memory_space<vmem>>, %arg14: memref<128xf32, #tpu.memory_space<vmem>>, %arg15: memref<!tpu.dma_semaphore, #tpu.memory_space<semaphore_mem>>) attributes {dimension_semantics = [#tpu.dimension_semantics<core_parallel>, #tpu.dimension_semantics<subcore_parallel>], iteration_bounds = array<i64: 2, 16>, scalar_prefetch = 0 : i64, scratch_operands = 8 : i64, tpu.core_type = #tpu.core_type<sc_vector_subcore>, window_params = [{transform_indices = #map}, {transform_indices = #map}, {transform_indices = #map1}, {transform_indices = #map}, {transform_indices = #map}, {transform_indices = #map}]} {
    %mul3A = arith.constant 2 : i32
    %mul3A_0 = arith.muli %arg1, %mul3A : i32
    %add3A = arith.addi %mul3A_0, %arg0 : i32
    %mul3A_1 = arith.constant 320 : i32
    %mul3A_2 = arith.muli %add3A, %mul3A_1 : i32
    %broadcast_in_dim3A = arith.constant 0.000000e+00 : f32
    %broadcast_in_dim3A_3 = vector.broadcast %broadcast_in_dim3A : f32 to vector<16xf32>
    %swap3A = arith.constant 0 : index
    %swap3A_4 = tpu.vector_load %arg13[%swap3A] {strides = array<i32>} : memref<128xf32, #tpu.memory_space<vmem>>, vector<16xf32>,
    %swap3A_5 = vector.shape_cast %swap3A_4 : vector<16xf32> to vector<16xf32>
    %swap3A_6 = vector.shape_cast %broadcast_in_dim3A_3 : vector<16xf32> to vector<16xf32>
    tpu.vector_store %arg13[%swap3A], %swap3A_6 {strides = array<i32>} : memref<128xf32, #tpu.memory_space<vmem>>, vector<16xf32>,
    %broadcast_in_dim3A_7 = arith.constant 0.000000e+00 : f32
    %broadcast_in_dim3A_8 = vector.broadcast %broadcast_in_dim3A_7 : f32 to vector<16xf32>
    %swap3A_9 = arith.constant 0 : index
    %swap3A_10 = tpu.vector_load %arg14[%swap3A_9] {strides = array<i32>} : memref<128xf32, #tpu.memory_space<vmem>>, vector<16xf32>,
    %swap3A_11 = vector.shape_cast %swap3A_10 : vector<16xf32> to vector<16xf32>
    %swap3A_12 = vector.shape_cast %broadcast_in_dim3A_8 : vector<16xf32> to vector<16xf32>
    tpu.vector_store %arg14[%swap3A_9], %swap3A_12 {strides = array<i32>} : memref<128xf32, #tpu.memory_space<vmem>>, vector<16xf32>,
    %broadcast_in_dim3A_13 = arith.constant 0.000000e+00 : f32
    %broadcast_in_dim3A_14 = vector.broadcast %broadcast_in_dim3A_13 : f32 to vector<16xf32>
    %swap3A_15 = arith.constant 16 : index
    %swap3A_16 = tpu.vector_load %arg13[%swap3A_15] {strides = array<i32>} : memref<128xf32, #tpu.memory_space<vmem>>, vector<16xf32>,
    %swap3A_17 = vector.shape_cast %swap3A_16 : vector<16xf32> to vector<16xf32>
    %swap3A_18 = vector.shape_cast %broadcast_in_dim3A_14 : vector<16xf32> to vector<16xf32>
    tpu.vector_store %arg13[%swap3A_15], %swap3A_18 {strides = array<i32>} : memref<128xf32, #tpu.memory_space<vmem>>, vector<16xf32>,
    %broadcast_in_dim3A_19 = arith.constant 0.000000e+00 : f32
    %broadcast_in_dim3A_20 = vector.broadcast %broadcast_in_dim3A_19 : f32 to vector<16xf32>
    %swap3A_21 = arith.constant 16 : index
    %swap3A_22 = tpu.vector_load %arg14[%swap3A_21] {strides = array<i32>} : memref<128xf32, #tpu.memory_space<vmem>>, vector<16xf32>,
    %swap3A_23 = vector.shape_cast %swap3A_22 : vector<16xf32> to vector<16xf32>
    %swap3A_24 = vector.shape_cast %broadcast_in_dim3A_20 : vector<16xf32> to vector<16xf32>
    tpu.vector_store %arg14[%swap3A_21], %swap3A_24 {strides = array<i32>} : memref<128xf32, #tpu.memory_space<vmem>>, vector<16xf32>,
    %broadcast_in_dim3A_25 = arith.constant 0.000000e+00 : f32
    %broadcast_in_dim3A_26 = vector.broadcast %broadcast_in_dim3A_25 : f32 to vector<16xf32>
    %swap3A_27 = arith.constant 32 : index
    %swap3A_28 = tpu.vector_load %arg13[%swap3A_27] {strides = array<i32>} : memref<128xf32, #tpu.memory_space<vmem>>, vector<16xf32>,
    %swap3A_29 = vector.shape_cast %swap3A_28 : vector<16xf32> to vector<16xf32>
    %swap3A_30 = vector.shape_cast %broadcast_in_dim3A_26 : vector<16xf32> to vector<16xf32>
    tpu.vector_store %arg13[%swap3A_27], %swap3A_30 {strides = array<i32>} : memref<128xf32, #tpu.memory_space<vmem>>, vector<16xf32>,
    %broadcast_in_dim3A_31 = arith.constant 0.000000e+00 : f32
    %broadcast_in_dim3A_32 = vector.broadcast %broadcast_in_dim3A_31 : f32 to vector<16xf32>
    %swap3A_33 = arith.constant 32 : index
    %swap3A_34 = tpu.vector_load %arg14[%swap3A_33] {strides = array<i32>} : memref<128xf32, #tpu.memory_space<vmem>>, vector<16xf32>,
    %swap3A_35 = vector.shape_cast %swap3A_34 : vector<16xf32> to vector<16xf32>
    %swap3A_36 = vector.shape_cast %broadcast_in_dim3A_32 : vector<16xf32> to vector<16xf32>
    tpu.vector_store %arg14[%swap3A_33], %swap3A_36 {strides = array<i32>} : memref<128xf32, #tpu.memory_space<vmem>>, vector<16xf32>,
    %broadcast_in_dim3A_37 = arith.constant 0.000000e+00 : f32
    %broadcast_in_dim3A_38 = vector.broadcast %broadcast_in_dim3A_37 : f32 to vector<16xf32>
    %swap3A_39 = arith.constant 48 : index
    %swap3A_40 = tpu.vector_load %arg13[%swap3A_39] {strides = array<i32>} : memref<128xf32, #tpu.memory_space<vmem>>, vector<16xf32>,
    %swap3A_41 = vector.shape_cast %swap3A_40 : vector<16xf32> to vector<16xf32>
    %swap3A_42 = vector.shape_cast %broadcast_in_dim3A_38 : vector<16xf32> to vector<16xf32>
    tpu.vector_store %arg13[%swap3A_39], %swap3A_42 {strides = array<i32>} : memref<128xf32, #tpu.memory_space<vmem>>, vector<16xf32>,
    %broadcast_in_dim3A_43 = arith.constant 0.000000e+00 : f32
    %broadcast_in_dim3A_44 = vector.broadcast %broadcast_in_dim3A_43 : f32 to vector<16xf32>
    %swap3A_45 = arith.constant 48 : index
    %swap3A_46 = tpu.vector_load %arg14[%swap3A_45] {strides = array<i32>} : memref<128xf32, #tpu.memory_space<vmem>>, vector<16xf32>,
    %swap3A_47 = vector.shape_cast %swap3A_46 : vector<16xf32> to vector<16xf32>
    %swap3A_48 = vector.shape_cast %broadcast_in_dim3A_44 : vector<16xf32> to vector<16xf32>
    tpu.vector_store %arg14[%swap3A_45], %swap3A_48 {strides = array<i32>} : memref<128xf32, #tpu.memory_space<vmem>>, vector<16xf32>,
    %broadcast_in_dim3A_49 = arith.constant 0.000000e+00 : f32
    %broadcast_in_dim3A_50 = vector.broadcast %broadcast_in_dim3A_49 : f32 to vector<16xf32>
    %swap3A_51 = arith.constant 64 : index
    %swap3A_52 = tpu.vector_load %arg13[%swap3A_51] {strides = array<i32>} : memref<128xf32, #tpu.memory_space<vmem>>, vector<16xf32>,
    %swap3A_53 = vector.shape_cast %swap3A_52 : vector<16xf32> to vector<16xf32>
    %swap3A_54 = vector.shape_cast %broadcast_in_dim3A_50 : vector<16xf32> to vector<16xf32>
    tpu.vector_store %arg13[%swap3A_51], %swap3A_54 {strides = array<i32>} : memref<128xf32, #tpu.memory_space<vmem>>, vector<16xf32>,
    %broadcast_in_dim3A_55 = arith.constant 0.000000e+00 : f32
    %broadcast_in_dim3A_56 = vector.broadcast %broadcast_in_dim3A_55 : f32 to vector<16xf32>
    %swap3A_57 = arith.constant 64 : index
    %swap3A_58 = tpu.vector_load %arg14[%swap3A_57] {strides = array<i32>} : memref<128xf32, #tpu.memory_space<vmem>>, vector<16xf32>,
    %swap3A_59 = vector.shape_cast %swap3A_58 : vector<16xf32> to vector<16xf32>
    %swap3A_60 = vector.shape_cast %broadcast_in_dim3A_56 : vector<16xf32> to vector<16xf32>
    tpu.vector_store %arg14[%swap3A_57], %swap3A_60 {strides = array<i32>} : memref<128xf32, #tpu.memory_space<vmem>>, vector<16xf32>,
    %broadcast_in_dim3A_61 = arith.constant 0.000000e+00 : f32
    %broadcast_in_dim3A_62 = vector.broadcast %broadcast_in_dim3A_61 : f32 to vector<16xf32>
    %swap3A_63 = arith.constant 80 : index
    %swap3A_64 = tpu.vector_load %arg13[%swap3A_63] {strides = array<i32>} : memref<128xf32, #tpu.memory_space<vmem>>, vector<16xf32>,
    %swap3A_65 = vector.shape_cast %swap3A_64 : vector<16xf32> to vector<16xf32>
    %swap3A_66 = vector.shape_cast %broadcast_in_dim3A_62 : vector<16xf32> to vector<16xf32>
    tpu.vector_store %arg13[%swap3A_63], %swap3A_66 {strides = array<i32>} : memref<128xf32, #tpu.memory_space<vmem>>, vector<16xf32>,
    %broadcast_in_dim3A_67 = arith.constant 0.000000e+00 : f32
    %broadcast_in_dim3A_68 = vector.broadcast %broadcast_in_dim3A_67 : f32 to vector<16xf32>
    %swap3A_69 = arith.constant 80 : index
    %swap3A_70 = tpu.vector_load %arg14[%swap3A_69] {strides = array<i32>} : memref<128xf32, #tpu.memory_space<vmem>>, vector<16xf32>,
    %swap3A_71 = vector.shape_cast %swap3A_70 : vector<16xf32> to vector<16xf32>
    %swap3A_72 = vector.shape_cast %broadcast_in_dim3A_68 : vector<16xf32> to vector<16xf32>
    tpu.vector_store %arg14[%swap3A_69], %swap3A_72 {strides = array<i32>} : memref<128xf32, #tpu.memory_space<vmem>>, vector<16xf32>,
    %broadcast_in_dim3A_73 = arith.constant 0.000000e+00 : f32
    %broadcast_in_dim3A_74 = vector.broadcast %broadcast_in_dim3A_73 : f32 to vector<16xf32>
    %swap3A_75 = arith.constant 96 : index
    %swap3A_76 = tpu.vector_load %arg13[%swap3A_75] {strides = array<i32>} : memref<128xf32, #tpu.memory_space<vmem>>, vector<16xf32>,
    %swap3A_77 = vector.shape_cast %swap3A_76 : vector<16xf32> to vector<16xf32>
    %swap3A_78 = vector.shape_cast %broadcast_in_dim3A_74 : vector<16xf32> to vector<16xf32>
    tpu.vector_store %arg13[%swap3A_75], %swap3A_78 {strides = array<i32>} : memref<128xf32, #tpu.memory_space<vmem>>, vector<16xf32>,
    %broadcast_in_dim3A_79 = arith.constant 0.000000e+00 : f32
    %broadcast_in_dim3A_80 = vector.broadcast %broadcast_in_dim3A_79 : f32 to vector<16xf32>
    %swap3A_81 = arith.constant 96 : index
    %swap3A_82 = tpu.vector_load %arg14[%swap3A_81] {strides = array<i32>} : memref<128xf32, #tpu.memory_space<vmem>>, vector<16xf32>,
    %swap3A_83 = vector.shape_cast %swap3A_82 : vector<16xf32> to vector<16xf32>
    %swap3A_84 = vector.shape_cast %broadcast_in_dim3A_80 : vector<16xf32> to vector<16xf32>
    tpu.vector_store %arg14[%swap3A_81], %swap3A_84 {strides = array<i32>} : memref<128xf32, #tpu.memory_space<vmem>>, vector<16xf32>,
    %broadcast_in_dim3A_85 = arith.constant 0.000000e+00 : f32
    %broadcast_in_dim3A_86 = vector.broadcast %broadcast_in_dim3A_85 : f32 to vector<16xf32>
    %swap3A_87 = arith.constant 112 : index
    %swap3A_88 = tpu.vector_load %arg13[%swap3A_87] {strides = array<i32>} : memref<128xf32, #tpu.memory_space<vmem>>, vector<16xf32>,
    %swap3A_89 = vector.shape_cast %swap3A_88 : vector<16xf32> to vector<16xf32>
    %swap3A_90 = vector.shape_cast %broadcast_in_dim3A_86 : vector<16xf32> to vector<16xf32>
    tpu.vector_store %arg13[%swap3A_87], %swap3A_90 {strides = array<i32>} : memref<128xf32, #tpu.memory_space<vmem>>, vector<16xf32>,
    %broadcast_in_dim3A_91 = arith.constant 0.000000e+00 : f32
    %broadcast_in_dim3A_92 = vector.broadcast %broadcast_in_dim3A_91 : f32 to vector<16xf32>
    %swap3A_93 = arith.constant 112 : index
    %swap3A_94 = tpu.vector_load %arg14[%swap3A_93] {strides = array<i32>} : memref<128xf32, #tpu.memory_space<vmem>>, vector<16xf32>,
    %swap3A_95 = vector.shape_cast %swap3A_94 : vector<16xf32> to vector<16xf32>
    %swap3A_96 = vector.shape_cast %broadcast_in_dim3A_92 : vector<16xf32> to vector<16xf32>
    tpu.vector_store %arg14[%swap3A_93], %swap3A_96 {strides = array<i32>} : memref<128xf32, #tpu.memory_space<vmem>>, vector<16xf32>,
    %scan3A = arith.constant 0 : i32
    %scan3A_97 = arith.constant 40 : i32
    %scan3A_98 = arith.addi %scan3A, %scan3A_97 : i32
    %scan3A_99 = arith.constant 1 : i32
    scf.for %scan3A_103 = %scan3A to %scan3A_98 step %scan3A_99  : i32 {
      %mul3A_104 = arith.constant 8 : i32
      %mul3A_105 = arith.muli %scan3A_103, %mul3A_104 : i32
      %add3A_106 = arith.addi %mul3A_2, %mul3A_105 : i32
      %mul3A_107 = arith.constant 16 : i32
      %mul3A_108 = arith.muli %add3A_106, %mul3A_107 : i32
      "tpu.region"() ({
        %run_scoped3A = tpu.sem_alloc : memref<!tpu.dma_semaphore, #tpu.memory_space<semaphore_mem>>
        %dma_start3A_119 = tpu.memref_slice %arg4[%mul3A_108] : memref<163840xi32, #tpu.memory_space<hbm>> -> memref<128xi32, #tpu.memory_space<hbm>>
        %dma_start3A_120 = tpu.memref_slice %arg4[%mul3A_108] : memref<163840xi32, #tpu.memory_space<hbm>> -> memref<128xi32, #tpu.memory_space<hbm>>
        tpu.enqueue_dma source(%dma_start3A_120 : memref<128xi32, #tpu.memory_space<hbm>>) target(%arg8 : memref<128xi32, #tpu.memory_space<vmem>>) target_semaphore(%run_scoped3A : memref<!tpu.dma_semaphore, #tpu.memory_space<semaphore_mem>>)
        %dma_wait3A_121 = tpu.memref_slice %arg4[%mul3A_108] : memref<163840xi32, #tpu.memory_space<hbm>> -> memref<128xi32, #tpu.memory_space<hbm>>
        %dma_wait3A_122 = tpu.memref_slice %arg4[%mul3A_108] : memref<163840xi32, #tpu.memory_space<hbm>> -> memref<128xi32, #tpu.memory_space<hbm>>
        tpu.wait_dma2 semaphore(%run_scoped3A : memref<!tpu.dma_semaphore, #tpu.memory_space<semaphore_mem>>) src(%dma_wait3A_122 : memref<128xi32, #tpu.memory_space<hbm>>) dst(%arg8 : memref<128xi32, #tpu.memory_space<vmem>>)
        tpu.yield
      }) : () -> ()
      %dma_start3A = arith.constant 0 : i32
      %dma_start3A_109 = arith.constant 0 : i32
      %dma_start3A_110 = tpu.memref_slice %arg2[%dma_start3A, %dma_start3A_109] : memref<10240x128xf32, #tpu.memory_space<hbm>> -> memref<10240x128xf32, #tpu.memory_space<hbm>>
      tpu.enqueue_indirect_dma source(%dma_start3A_110 : memref<10240x128xf32, #tpu.memory_space<hbm>>) target(%arg9 : memref<128x128xf32, #tpu.memory_space<vmem>>) offsets(%arg8 : memref<128xi32, #tpu.memory_space<vmem>>) semaphore(%arg15 : memref<!tpu.dma_semaphore, #tpu.memory_space<semaphore_mem>>)
      %dma_wait3A = arith.constant 0 : i32
      %dma_wait3A_111 = arith.constant 0 : i32
      %dma_wait3A_112 = tpu.memref_slice %arg2[%dma_wait3A, %dma_wait3A_111] : memref<10240x128xf32, #tpu.memory_space<hbm>> -> memref<10240x128xf32, #tpu.memory_space<hbm>>
      tpu.wait_indirect_dma semaphore(%arg15 : memref<!tpu.dma_semaphore, #tpu.memory_space<semaphore_mem>>) src(%dma_wait3A_112 : memref<10240x128xf32, #tpu.memory_space<hbm>>) dst(%arg9 : memref<128x128xf32, #tpu.memory_space<vmem>>)
      "tpu.region"() ({
        %run_scoped3A = tpu.sem_alloc : memref<!tpu.dma_semaphore, #tpu.memory_space<semaphore_mem>>
        %dma_start3A_119 = arith.constant 0 : i32
        %dma_start3A_120 = tpu.memref_slice %arg3[%add3A_106, %dma_start3A_119] : memref<10240x128xf32, #tpu.memory_space<hbm>> -> memref<8x128xf32, #tpu.memory_space<hbm>>
        %dma_start3A_121 = arith.constant 0 : i32
        %dma_start3A_122 = tpu.memref_slice %arg3[%add3A_106, %dma_start3A_121] : memref<10240x128xf32, #tpu.memory_space<hbm>> -> memref<8x128xf32, #tpu.memory_space<hbm>>
        tpu.enqueue_dma source(%dma_start3A_122 : memref<8x128xf32, #tpu.memory_space<hbm>>) target(%arg10 : memref<8x128xf32, #tpu.memory_space<vmem>>) target_semaphore(%run_scoped3A : memref<!tpu.dma_semaphore, #tpu.memory_space<semaphore_mem>>)
        %dma_wait3A_123 = arith.constant 0 : i32
        %dma_wait3A_124 = tpu.memref_slice %arg3[%add3A_106, %dma_wait3A_123] : memref<10240x128xf32, #tpu.memory_space<hbm>> -> memref<8x128xf32, #tpu.memory_space<hbm>>
        %dma_wait3A_125 = arith.constant 0 : i32
        %dma_wait3A_126 = tpu.memref_slice %arg3[%add3A_106, %dma_wait3A_125] : memref<10240x128xf32, #tpu.memory_space<hbm>> -> memref<8x128xf32, #tpu.memory_space<hbm>>
        tpu.wait_dma2 semaphore(%run_scoped3A : memref<!tpu.dma_semaphore, #tpu.memory_space<semaphore_mem>>) src(%dma_wait3A_126 : memref<8x128xf32, #tpu.memory_space<hbm>>) dst(%arg10 : memref<8x128xf32, #tpu.memory_space<vmem>>)
        tpu.yield
      }) : () -> ()
      %lt3A = arith.constant 10000 : i32
      %lt3A_113 = arith.cmpi slt, %add3A_106, %lt3A : i32
      %scan3A_114 = arith.constant 0 : i32
      %scan3A_115 = arith.constant 8 : i32
      %scan3A_116 = arith.addi %scan3A_114, %scan3A_115 : i32
      %scan3A_117 = arith.constant 1 : i32
      scf.for %scan3A_119 = %scan3A_114 to %scan3A_116 step %scan3A_117  : i32 {
        %get3A = arith.index_cast %scan3A_119 : i32 to index
        %get3A_120 = arith.constant 0 : index
        %get3A_121 = tpu.vector_load %arg10[%get3A, %get3A_120] {strides = array<i32>} : memref<8x128xf32, #tpu.memory_space<vmem>>, vector<1x16xf32>,
        %get3A_122 = vector.shape_cast %get3A_121 : vector<1x16xf32> to vector<16xf32>
        %mul3A_123 = arith.constant 16 : i32
        %mul3A_124 = arith.muli %scan3A_119, %mul3A_123 : i32
        %get3A_125 = arith.index_cast %mul3A_124 : i32 to index
        %get3A_126 = arith.constant 0 : index
        %get3A_127 = tpu.vector_load %arg9[%get3A_125, %get3A_126] {strides = array<i32>} : memref<128x128xf32, #tpu.memory_space<vmem>>, vector<1x16xf32>,
        %get3A_128 = vector.shape_cast %get3A_127 : vector<1x16xf32> to vector<16xf32>
        %add3A_129 = arith.addf %get3A_128, %get3A_122 : vector<16xf32>
        %mul3A_130 = arith.mulf %add3A_129, %add3A_129 : vector<16xf32>
        %mul3A_131 = arith.constant 16 : i32
        %mul3A_132 = arith.muli %scan3A_119, %mul3A_131 : i32
        %add3A_133 = arith.constant 1 : i32
        %add3A_134 = arith.addi %mul3A_132, %add3A_133 : i32
        %get3A_135 = arith.index_cast %add3A_134 : i32 to index
        %get3A_136 = arith.constant 0 : index
        %get3A_137 = tpu.vector_load %arg9[%get3A_135, %get3A_136] {strides = array<i32>} : memref<128x128xf32, #tpu.memory_space<vmem>>, vector<1x16xf32>,
        %get3A_138 = vector.shape_cast %get3A_137 : vector<1x16xf32> to vector<16xf32>
        %add3A_139 = arith.addf %get3A_138, %get3A_122 : vector<16xf32>
        %max3A = arith.maximumf %add3A_129, %add3A_139 : vector<16xf32>
        %min3A = arith.minimumf %add3A_129, %add3A_139 : vector<16xf32>
        %add3A_140 = arith.addf %add3A_129, %add3A_139 : vector<16xf32>
        %mul3A_141 = arith.mulf %add3A_139, %add3A_139 : vector<16xf32>
        %add3A_142 = arith.addf %mul3A_130, %mul3A_141 : vector<16xf32>
        %mul3A_143 = arith.constant 16 : i32
        %mul3A_144 = arith.muli %scan3A_119, %mul3A_143 : i32
        %add3A_145 = arith.constant 2 : i32
        %add3A_146 = arith.addi %mul3A_144, %add3A_145 : i32
        %get3A_147 = arith.index_cast %add3A_146 : i32 to index
        %get3A_148 = arith.constant 0 : index
        %get3A_149 = tpu.vector_load %arg9[%get3A_147, %get3A_148] {strides = array<i32>} : memref<128x128xf32, #tpu.memory_space<vmem>>, vector<1x16xf32>,
        %get3A_150 = vector.shape_cast %get3A_149 : vector<1x16xf32> to vector<16xf32>
        %add3A_151 = arith.addf %get3A_150, %get3A_122 : vector<16xf32>
        %max3A_152 = arith.maximumf %max3A, %add3A_151 : vector<16xf32>
        %min3A_153 = arith.minimumf %min3A, %add3A_151 : vector<16xf32>
        %add3A_154 = arith.addf %add3A_140, %add3A_151 : vector<16xf32>
        %mul3A_155 = arith.mulf %add3A_151, %add3A_151 : vector<16xf32>
        %add3A_156 = arith.addf %add3A_142, %mul3A_155 : vector<16xf32>
        %mul3A_157 = arith.constant 16 : i32
        %mul3A_158 = arith.muli %scan3A_119, %mul3A_157 : i32
        %add3A_159 = arith.constant 3 : i32
        %add3A_160 = arith.addi %mul3A_158, %add3A_159 : i32
        %get3A_161 = arith.index_cast %add3A_160 : i32 to index
        %get3A_162 = arith.constant 0 : index
        %get3A_163 = tpu.vector_load %arg9[%get3A_161, %get3A_162] {strides = array<i32>} : memref<128x128xf32, #tpu.memory_space<vmem>>, vector<1x16xf32>,
        %get3A_164 = vector.shape_cast %get3A_163 : vector<1x16xf32> to vector<16xf32>
        %add3A_165 = arith.addf %get3A_164, %get3A_122 : vector<16xf32>
        %max3A_166 = arith.maximumf %max3A_152, %add3A_165 : vector<16xf32>
        %min3A_167 = arith.minimumf %min3A_153, %add3A_165 : vector<16xf32>
        %add3A_168 = arith.addf %add3A_154, %add3A_165 : vector<16xf32>
        %mul3A_169 = arith.mulf %add3A_165, %add3A_165 : vector<16xf32>
        %add3A_170 = arith.addf %add3A_156, %mul3A_169 : vector<16xf32>
        %mul3A_171 = arith.constant 16 : i32
        %mul3A_172 = arith.muli %scan3A_119, %mul3A_171 : i32
        %add3A_173 = arith.constant 4 : i32
        %add3A_174 = arith.addi %mul3A_172, %add3A_173 : i32
        %get3A_175 = arith.index_cast %add3A_174 : i32 to index
        %get3A_176 = arith.constant 0 : index
        %get3A_177 = tpu.vector_load %arg9[%get3A_175, %get3A_176] {strides = array<i32>} : memref<128x128xf32, #tpu.memory_space<vmem>>, vector<1x16xf32>,
        %get3A_178 = vector.shape_cast %get3A_177 : vector<1x16xf32> to vector<16xf32>
        %add3A_179 = arith.addf %get3A_178, %get3A_122 : vector<16xf32>
        %max3A_180 = arith.maximumf %max3A_166, %add3A_179 : vector<16xf32>
        %min3A_181 = arith.minimumf %min3A_167, %add3A_179 : vector<16xf32>
        %add3A_182 = arith.addf %add3A_168, %add3A_179 : vector<16xf32>
        %mul3A_183 = arith.mulf %add3A_179, %add3A_179 : vector<16xf32>
        %add3A_184 = arith.addf %add3A_170, %mul3A_183 : vector<16xf32>
        %mul3A_185 = arith.constant 16 : i32
        %mul3A_186 = arith.muli %scan3A_119, %mul3A_185 : i32
        %add3A_187 = arith.constant 5 : i32
        %add3A_188 = arith.addi %mul3A_186, %add3A_187 : i32
        %get3A_189 = arith.index_cast %add3A_188 : i32 to index
        %get3A_190 = arith.constant 0 : index
        %get3A_191 = tpu.vector_load %arg9[%get3A_189, %get3A_190] {strides = array<i32>} : memref<128x128xf32, #tpu.memory_space<vmem>>, vector<1x16xf32>,
        %get3A_192 = vector.shape_cast %get3A_191 : vector<1x16xf32> to vector<16xf32>
        %add3A_193 = arith.addf %get3A_192, %get3A_122 : vector<16xf32>
        %max3A_194 = arith.maximumf %max3A_180, %add3A_193 : vector<16xf32>
        %min3A_195 = arith.minimumf %min3A_181, %add3A_193 : vector<16xf32>
        %add3A_196 = arith.addf %add3A_182, %add3A_193 : vector<16xf32>
        %mul3A_197 = arith.mulf %add3A_193, %add3A_193 : vector<16xf32>
        %add3A_198 = arith.addf %add3A_184, %mul3A_197 : vector<16xf32>
        %mul3A_199 = arith.constant 16 : i32
        %mul3A_200 = arith.muli %scan3A_119, %mul3A_199 : i32
        %add3A_201 = arith.constant 6 : i32
        %add3A_202 = arith.addi %mul3A_200, %add3A_201 : i32
        %get3A_203 = arith.index_cast %add3A_202 : i32 to index
        %get3A_204 = arith.constant 0 : index
        %get3A_205 = tpu.vector_load %arg9[%get3A_203, %get3A_204] {strides = array<i32>} : memref<128x128xf32, #tpu.memory_space<vmem>>, vector<1x16xf32>,
        %get3A_206 = vector.shape_cast %get3A_205 : vector<1x16xf32> to vector<16xf32>
        %add3A_207 = arith.addf %get3A_206, %get3A_122 : vector<16xf32>
        %max3A_208 = arith.maximumf %max3A_194, %add3A_207 : vector<16xf32>
        %min3A_209 = arith.minimumf %min3A_195, %add3A_207 : vector<16xf32>
        %add3A_210 = arith.addf %add3A_196, %add3A_207 : vector<16xf32>
        %mul3A_211 = arith.mulf %add3A_207, %add3A_207 : vector<16xf32>
        %add3A_212 = arith.addf %add3A_198, %mul3A_211 : vector<16xf32>
        %mul3A_213 = arith.constant 16 : i32
        %mul3A_214 = arith.muli %scan3A_119, %mul3A_213 : i32
        %add3A_215 = arith.constant 7 : i32
        %add3A_216 = arith.addi %mul3A_214, %add3A_215 : i32
        %get3A_217 = arith.index_cast %add3A_216 : i32 to index
        %get3A_218 = arith.constant 0 : index
        %get3A_219 = tpu.vector_load %arg9[%get3A_217, %get3A_218] {strides = array<i32>} : memref<128x128xf32, #tpu.memory_space<vmem>>, vector<1x16xf32>,
        %get3A_220 = vector.shape_cast %get3A_219 : vector<1x16xf32> to vector<16xf32>
        %add3A_221 = arith.addf %get3A_220, %get3A_122 : vector<16xf32>
        %max3A_222 = arith.maximumf %max3A_208, %add3A_221 : vector<16xf32>
        %min3A_223 = arith.minimumf %min3A_209, %add3A_221 : vector<16xf32>
        %add3A_224 = arith.addf %add3A_210, %add3A_221 : vector<16xf32>
        %mul3A_225 = arith.mulf %add3A_221, %add3A_221 : vector<16xf32>
        %add3A_226 = arith.addf %add3A_212, %mul3A_225 : vector<16xf32>
        %mul3A_227 = arith.constant 16 : i32
        %mul3A_228 = arith.muli %scan3A_119, %mul3A_227 : i32
        %add3A_229 = arith.constant 8 : i32
        %add3A_230 = arith.addi %mul3A_228, %add3A_229 : i32
        %get3A_231 = arith.index_cast %add3A_230 : i32 to index
        %get3A_232 = arith.constant 0 : index
        %get3A_233 = tpu.vector_load %arg9[%get3A_231, %get3A_232] {strides = array<i32>} : memref<128x128xf32, #tpu.memory_space<vmem>>, vector<1x16xf32>,
        %get3A_234 = vector.shape_cast %get3A_233 : vector<1x16xf32> to vector<16xf32>
        %add3A_235 = arith.addf %get3A_234, %get3A_122 : vector<16xf32>
        %max3A_236 = arith.maximumf %max3A_222, %add3A_235 : vector<16xf32>
        %min3A_237 = arith.minimumf %min3A_223, %add3A_235 : vector<16xf32>
        %add3A_238 = arith.addf %add3A_224, %add3A_235 : vector<16xf32>
        %mul3A_239 = arith.mulf %add3A_235, %add3A_235 : vector<16xf32>
        %add3A_240 = arith.addf %add3A_226, %mul3A_239 : vector<16xf32>
        %mul3A_241 = arith.constant 16 : i32
        %mul3A_242 = arith.muli %scan3A_119, %mul3A_241 : i32
        %add3A_243 = arith.constant 9 : i32
        %add3A_244 = arith.addi %mul3A_242, %add3A_243 : i32
        %get3A_245 = arith.index_cast %add3A_244 : i32 to index
        %get3A_246 = arith.constant 0 : index
        %get3A_247 = tpu.vector_load %arg9[%get3A_245, %get3A_246] {strides = array<i32>} : memref<128x128xf32, #tpu.memory_space<vmem>>, vector<1x16xf32>,
        %get3A_248 = vector.shape_cast %get3A_247 : vector<1x16xf32> to vector<16xf32>
        %add3A_249 = arith.addf %get3A_248, %get3A_122 : vector<16xf32>
        %max3A_250 = arith.maximumf %max3A_236, %add3A_249 : vector<16xf32>
        %min3A_251 = arith.minimumf %min3A_237, %add3A_249 : vector<16xf32>
        %add3A_252 = arith.addf %add3A_238, %add3A_249 : vector<16xf32>
        %mul3A_253 = arith.mulf %add3A_249, %add3A_249 : vector<16xf32>
        %add3A_254 = arith.addf %add3A_240, %mul3A_253 : vector<16xf32>
        %mul3A_255 = arith.constant 16 : i32
        %mul3A_256 = arith.muli %scan3A_119, %mul3A_255 : i32
        %add3A_257 = arith.constant 10 : i32
        %add3A_258 = arith.addi %mul3A_256, %add3A_257 : i32
        %get3A_259 = arith.index_cast %add3A_258 : i32 to index
        %get3A_260 = arith.constant 0 : index
        %get3A_261 = tpu.vector_load %arg9[%get3A_259, %get3A_260] {strides = array<i32>} : memref<128x128xf32, #tpu.memory_space<vmem>>, vector<1x16xf32>,
        %get3A_262 = vector.shape_cast %get3A_261 : vector<1x16xf32> to vector<16xf32>
        %add3A_263 = arith.addf %get3A_262, %get3A_122 : vector<16xf32>
        %max3A_264 = arith.maximumf %max3A_250, %add3A_263 : vector<16xf32>
        %min3A_265 = arith.minimumf %min3A_251, %add3A_263 : vector<16xf32>
        %add3A_266 = arith.addf %add3A_252, %add3A_263 : vector<16xf32>
        %mul3A_267 = arith.mulf %add3A_263, %add3A_263 : vector<16xf32>
        %add3A_268 = arith.addf %add3A_254, %mul3A_267 : vector<16xf32>
        %mul3A_269 = arith.constant 16 : i32
        %mul3A_270 = arith.muli %scan3A_119, %mul3A_269 : i32
        %add3A_271 = arith.constant 11 : i32
        %add3A_272 = arith.addi %mul3A_270, %add3A_271 : i32
        %get3A_273 = arith.index_cast %add3A_272 : i32 to index
        %get3A_274 = arith.constant 0 : index
        %get3A_275 = tpu.vector_load %arg9[%get3A_273, %get3A_274] {strides = array<i32>} : memref<128x128xf32, #tpu.memory_space<vmem>>, vector<1x16xf32>,
        %get3A_276 = vector.shape_cast %get3A_275 : vector<1x16xf32> to vector<16xf32>
        %add3A_277 = arith.addf %get3A_276, %get3A_122 : vector<16xf32>
        %max3A_278 = arith.maximumf %max3A_264, %add3A_277 : vector<16xf32>
        %min3A_279 = arith.minimumf %min3A_265, %add3A_277 : vector<16xf32>
        %add3A_280 = arith.addf %add3A_266, %add3A_277 : vector<16xf32>
        %mul3A_281 = arith.mulf %add3A_277, %add3A_277 : vector<16xf32>
        %add3A_282 = arith.addf %add3A_268, %mul3A_281 : vector<16xf32>
        %mul3A_283 = arith.constant 16 : i32
        %mul3A_284 = arith.muli %scan3A_119, %mul3A_283 : i32
        %add3A_285 = arith.constant 12 : i32
        %add3A_286 = arith.addi %mul3A_284, %add3A_285 : i32
        %get3A_287 = arith.index_cast %add3A_286 : i32 to index
        %get3A_288 = arith.constant 0 : index
        %get3A_289 = tpu.vector_load %arg9[%get3A_287, %get3A_288] {strides = array<i32>} : memref<128x128xf32, #tpu.memory_space<vmem>>, vector<1x16xf32>,
        %get3A_290 = vector.shape_cast %get3A_289 : vector<1x16xf32> to vector<16xf32>
        %add3A_291 = arith.addf %get3A_290, %get3A_122 : vector<16xf32>
        %max3A_292 = arith.maximumf %max3A_278, %add3A_291 : vector<16xf32>
        %min3A_293 = arith.minimumf %min3A_279, %add3A_291 : vector<16xf32>
        %add3A_294 = arith.addf %add3A_280, %add3A_291 : vector<16xf32>
        %mul3A_295 = arith.mulf %add3A_291, %add3A_291 : vector<16xf32>
        %add3A_296 = arith.addf %add3A_282, %mul3A_295 : vector<16xf32>
        %mul3A_297 = arith.constant 16 : i32
        %mul3A_298 = arith.muli %scan3A_119, %mul3A_297 : i32
        %add3A_299 = arith.constant 13 : i32
        %add3A_300 = arith.addi %mul3A_298, %add3A_299 : i32
        %get3A_301 = arith.index_cast %add3A_300 : i32 to index
        %get3A_302 = arith.constant 0 : index
        %get3A_303 = tpu.vector_load %arg9[%get3A_301, %get3A_302] {strides = array<i32>} : memref<128x128xf32, #tpu.memory_space<vmem>>, vector<1x16xf32>,
        %get3A_304 = vector.shape_cast %get3A_303 : vector<1x16xf32> to vector<16xf32>
        %add3A_305 = arith.addf %get3A_304, %get3A_122 : vector<16xf32>
        %max3A_306 = arith.maximumf %max3A_292, %add3A_305 : vector<16xf32>
        %min3A_307 = arith.minimumf %min3A_293, %add3A_305 : vector<16xf32>
        %add3A_308 = arith.addf %add3A_294, %add3A_305 : vector<16xf32>
        %mul3A_309 = arith.mulf %add3A_305, %add3A_305 : vector<16xf32>
        %add3A_310 = arith.addf %add3A_296, %mul3A_309 : vector<16xf32>
        %mul3A_311 = arith.constant 16 : i32
        %mul3A_312 = arith.muli %scan3A_119, %mul3A_311 : i32
        %add3A_313 = arith.constant 14 : i32
        %add3A_314 = arith.addi %mul3A_312, %add3A_313 : i32
        %get3A_315 = arith.index_cast %add3A_314 : i32 to index
        %get3A_316 = arith.constant 0 : index
        %get3A_317 = tpu.vector_load %arg9[%get3A_315, %get3A_316] {strides = array<i32>} : memref<128x128xf32, #tpu.memory_space<vmem>>, vector<1x16xf32>,
        %get3A_318 = vector.shape_cast %get3A_317 : vector<1x16xf32> to vector<16xf32>
        %add3A_319 = arith.addf %get3A_318, %get3A_122 : vector<16xf32>
        %max3A_320 = arith.maximumf %max3A_306, %add3A_319 : vector<16xf32>
        %min3A_321 = arith.minimumf %min3A_307, %add3A_319 : vector<16xf32>
        %add3A_322 = arith.addf %add3A_308, %add3A_319 : vector<16xf32>
        %mul3A_323 = arith.mulf %add3A_319, %add3A_319 : vector<16xf32>
        %add3A_324 = arith.addf %add3A_310, %mul3A_323 : vector<16xf32>
        %mul3A_325 = arith.constant 16 : i32
        %mul3A_326 = arith.muli %scan3A_119, %mul3A_325 : i32
        %add3A_327 = arith.constant 15 : i32
        %add3A_328 = arith.addi %mul3A_326, %add3A_327 : i32
        %get3A_329 = arith.index_cast %add3A_328 : i32 to index
        %get3A_330 = arith.constant 0 : index
        %get3A_331 = tpu.vector_load %arg9[%get3A_329, %get3A_330] {strides = array<i32>} : memref<128x128xf32, #tpu.memory_space<vmem>>, vector<1x16xf32>,
        %get3A_332 = vector.shape_cast %get3A_331 : vector<1x16xf32> to vector<16xf32>
        %add3A_333 = arith.addf %get3A_332, %get3A_122 : vector<16xf32>
        %max3A_334 = arith.maximumf %max3A_320, %add3A_333 : vector<16xf32>
        %min3A_335 = arith.minimumf %min3A_321, %add3A_333 : vector<16xf32>
        %add3A_336 = arith.addf %add3A_322, %add3A_333 : vector<16xf32>
        %mul3A_337 = arith.mulf %add3A_333, %add3A_333 : vector<16xf32>
        %add3A_338 = arith.addf %add3A_324, %mul3A_337 : vector<16xf32>
        %swap3A_339 = arith.index_cast %scan3A_119 : i32 to index
        %swap3A_340 = arith.constant 0 : index
        %swap3A_341 = tpu.vector_load %arg11[%swap3A_339, %swap3A_340] {strides = array<i32>} : memref<8x128xf32, #tpu.memory_space<vmem>>, vector<1x16xf32>,
        %swap3A_342 = vector.shape_cast %swap3A_341 : vector<1x16xf32> to vector<16xf32>
        %swap3A_343 = vector.shape_cast %max3A_334 : vector<16xf32> to vector<1x16xf32>
        tpu.vector_store %arg11[%swap3A_339, %swap3A_340], %swap3A_343 {strides = array<i32>} : memref<8x128xf32, #tpu.memory_space<vmem>>, vector<1x16xf32>,
        %swap3A_344 = arith.index_cast %scan3A_119 : i32 to index
        %swap3A_345 = arith.constant 0 : index
        %swap3A_346 = tpu.vector_load %arg12[%swap3A_344, %swap3A_345] {strides = array<i32>} : memref<8x128xf32, #tpu.memory_space<vmem>>, vector<1x16xf32>,
        %swap3A_347 = vector.shape_cast %swap3A_346 : vector<1x16xf32> to vector<16xf32>
        %swap3A_348 = vector.shape_cast %min3A_335 : vector<16xf32> to vector<1x16xf32>
        tpu.vector_store %arg12[%swap3A_344, %swap3A_345], %swap3A_348 {strides = array<i32>} : memref<8x128xf32, #tpu.memory_space<vmem>>, vector<1x16xf32>,
        %convert_element_type3A = arith.extui %lt3A_113 : i1 to i32
        %cond3A = arith.constant 0 : i32
        %cond3A_349 = arith.cmpi ne, %convert_element_type3A, %cond3A : i32
        scf.if %cond3A_349 {
          %get3A_1995 = arith.constant 0 : index
          %get3A_1996 = tpu.vector_load %arg13[%get3A_1995] {strides = array<i32>} : memref<128xf32, #tpu.memory_space<vmem>>, vector<16xf32>,
          %get3A_1997 = vector.shape_cast %get3A_1996 : vector<16xf32> to vector<16xf32>
          %add3A_1998 = arith.addf %get3A_1997, %add3A_336 : vector<16xf32>
          %swap3A_1999 = arith.constant 0 : index
          %swap3A_2000 = tpu.vector_load %arg13[%swap3A_1999] {strides = array<i32>} : memref<128xf32, #tpu.memory_space<vmem>>, vector<16xf32>,
          %swap3A_2001 = vector.shape_cast %swap3A_2000 : vector<16xf32> to vector<16xf32>
          %swap3A_2002 = vector.shape_cast %add3A_1998 : vector<16xf32> to vector<16xf32>
          tpu.vector_store %arg13[%swap3A_1999], %swap3A_2002 {strides = array<i32>} : memref<128xf32, #tpu.memory_space<vmem>>, vector<16xf32>,
          %get3A_2003 = arith.constant 0 : index
          %get3A_2004 = tpu.vector_load %arg14[%get3A_2003] {strides = array<i32>} : memref<128xf32, #tpu.memory_space<vmem>>, vector<16xf32>,
          %get3A_2005 = vector.shape_cast %get3A_2004 : vector<16xf32> to vector<16xf32>
          %add3A_2006 = arith.addf %get3A_2005, %add3A_338 : vector<16xf32>
          %swap3A_2007 = arith.constant 0 : index
          %swap3A_2008 = tpu.vector_load %arg14[%swap3A_2007] {strides = array<i32>} : memref<128xf32, #tpu.memory_space<vmem>>, vector<16xf32>,
          %swap3A_2009 = vector.shape_cast %swap3A_2008 : vector<16xf32> to vector<16xf32>
          %swap3A_2010 = vector.shape_cast %add3A_2006 : vector<16xf32> to vector<16xf32>
          tpu.vector_store %arg14[%swap3A_2007], %swap3A_2010 {strides = array<i32>} : memref<128xf32, #tpu.memory_space<vmem>>, vector<16xf32>,
        } else {
        }
        %get3A_350 = arith.index_cast %scan3A_119 : i32 to index
        %get3A_351 = arith.constant 16 : index
        %get3A_352 = tpu.vector_load %arg10[%get3A_350, %get3A_351] {strides = array<i32>} : memref<8x128xf32, #tpu.memory_space<vmem>>, vector<1x16xf32>,
        %get3A_353 = vector.shape_cast %get3A_352 : vector<1x16xf32> to vector<16xf32>
        %mul3A_354 = arith.constant 16 : i32
        %mul3A_355 = arith.muli %scan3A_119, %mul3A_354 : i32
        %get3A_356 = arith.index_cast %mul3A_355 : i32 to index
        %get3A_357 = arith.constant 16 : index
        %get3A_358 = tpu.vector_load %arg9[%get3A_356, %get3A_357] {strides = array<i32>} : memref<128x128xf32, #tpu.memory_space<vmem>>, vector<1x16xf32>,
        %get3A_359 = vector.shape_cast %get3A_358 : vector<1x16xf32> to vector<16xf32>
        %add3A_360 = arith.addf %get3A_359, %get3A_353 : vector<16xf32>
        %mul3A_361 = arith.mulf %add3A_360, %add3A_360 : vector<16xf32>
        %mul3A_362 = arith.constant 16 : i32
        %mul3A_363 = arith.muli %scan3A_119, %mul3A_362 : i32
        %add3A_364 = arith.constant 1 : i32
        %add3A_365 = arith.addi %mul3A_363, %add3A_364 : i32
        %get3A_366 = arith.index_cast %add3A_365 : i32 to index
        %get3A_367 = arith.constant 16 : index
        %get3A_368 = tpu.vector_load %arg9[%get3A_366, %get3A_367] {strides = array<i32>} : memref<128x128xf32, #tpu.memory_space<vmem>>, vector<1x16xf32>,
        %get3A_369 = vector.shape_cast %get3A_368 : vector<1x16xf32> to vector<16xf32>
        %add3A_370 = arith.addf %get3A_369, %get3A_353 : vector<16xf32>
        %max3A_371 = arith.maximumf %add3A_360, %add3A_370 : vector<16xf32>
        %min3A_372 = arith.minimumf %add3A_360, %add3A_370 : vector<16xf32>
        %add3A_373 = arith.addf %add3A_360, %add3A_370 : vector<16xf32>
        %mul3A_374 = arith.mulf %add3A_370, %add3A_370 : vector<16xf32>
        %add3A_375 = arith.addf %mul3A_361, %mul3A_374 : vector<16xf32>
        %mul3A_376 = arith.constant 16 : i32
        %mul3A_377 = arith.muli %scan3A_119, %mul3A_376 : i32
        %add3A_378 = arith.constant 2 : i32
        %add3A_379 = arith.addi %mul3A_377, %add3A_378 : i32
        %get3A_380 = arith.index_cast %add3A_379 : i32 to index
        %get3A_381 = arith.constant 16 : index
        %get3A_382 = tpu.vector_load %arg9[%get3A_380, %get3A_381] {strides = array<i32>} : memref<128x128xf32, #tpu.memory_space<vmem>>, vector<1x16xf32>,
        %get3A_383 = vector.shape_cast %get3A_382 : vector<1x16xf32> to vector<16xf32>
        %add3A_384 = arith.addf %get3A_383, %get3A_353 : vector<16xf32>
        %max3A_385 = arith.maximumf %max3A_371, %add3A_384 : vector<16xf32>
        %min3A_386 = arith.minimumf %min3A_372, %add3A_384 : vector<16xf32>
        %add3A_387 = arith.addf %add3A_373, %add3A_384 : vector<16xf32>
        %mul3A_388 = arith.mulf %add3A_384, %add3A_384 : vector<16xf32>
        %add3A_389 = arith.addf %add3A_375, %mul3A_388 : vector<16xf32>
        %mul3A_390 = arith.constant 16 : i32
        %mul3A_391 = arith.muli %scan3A_119, %mul3A_390 : i32
        %add3A_392 = arith.constant 3 : i32
        %add3A_393 = arith.addi %mul3A_391, %add3A_392 : i32
        %get3A_394 = arith.index_cast %add3A_393 : i32 to index
        %get3A_395 = arith.constant 16 : index
        %get3A_396 = tpu.vector_load %arg9[%get3A_394, %get3A_395] {strides = array<i32>} : memref<128x128xf32, #tpu.memory_space<vmem>>, vector<1x16xf32>,
        %get3A_397 = vector.shape_cast %get3A_396 : vector<1x16xf32> to vector<16xf32>
        %add3A_398 = arith.addf %get3A_397, %get3A_353 : vector<16xf32>
        %max3A_399 = arith.maximumf %max3A_385, %add3A_398 : vector<16xf32>
        %min3A_400 = arith.minimumf %min3A_386, %add3A_398 : vector<16xf32>
        %add3A_401 = arith.addf %add3A_387, %add3A_398 : vector<16xf32>
        %mul3A_402 = arith.mulf %add3A_398, %add3A_398 : vector<16xf32>
        %add3A_403 = arith.addf %add3A_389, %mul3A_402 : vector<16xf32>
        %mul3A_404 = arith.constant 16 : i32
        %mul3A_405 = arith.muli %scan3A_119, %mul3A_404 : i32
        %add3A_406 = arith.constant 4 : i32
        %add3A_407 = arith.addi %mul3A_405, %add3A_406 : i32
        %get3A_408 = arith.index_cast %add3A_407 : i32 to index
        %get3A_409 = arith.constant 16 : index
        %get3A_410 = tpu.vector_load %arg9[%get3A_408, %get3A_409] {strides = array<i32>} : memref<128x128xf32, #tpu.memory_space<vmem>>, vector<1x16xf32>,
        %get3A_411 = vector.shape_cast %get3A_410 : vector<1x16xf32> to vector<16xf32>
        %add3A_412 = arith.addf %get3A_411, %get3A_353 : vector<16xf32>
        %max3A_413 = arith.maximumf %max3A_399, %add3A_412 : vector<16xf32>
        %min3A_414 = arith.minimumf %min3A_400, %add3A_412 : vector<16xf32>
        %add3A_415 = arith.addf %add3A_401, %add3A_412 : vector<16xf32>
        %mul3A_416 = arith.mulf %add3A_412, %add3A_412 : vector<16xf32>
        %add3A_417 = arith.addf %add3A_403, %mul3A_416 : vector<16xf32>
        %mul3A_418 = arith.constant 16 : i32
        %mul3A_419 = arith.muli %scan3A_119, %mul3A_418 : i32
        %add3A_420 = arith.constant 5 : i32
        %add3A_421 = arith.addi %mul3A_419, %add3A_420 : i32
        %get3A_422 = arith.index_cast %add3A_421 : i32 to index
        %get3A_423 = arith.constant 16 : index
        %get3A_424 = tpu.vector_load %arg9[%get3A_422, %get3A_423] {strides = array<i32>} : memref<128x128xf32, #tpu.memory_space<vmem>>, vector<1x16xf32>,
        %get3A_425 = vector.shape_cast %get3A_424 : vector<1x16xf32> to vector<16xf32>
        %add3A_426 = arith.addf %get3A_425, %get3A_353 : vector<16xf32>
        %max3A_427 = arith.maximumf %max3A_413, %add3A_426 : vector<16xf32>
        %min3A_428 = arith.minimumf %min3A_414, %add3A_426 : vector<16xf32>
        %add3A_429 = arith.addf %add3A_415, %add3A_426 : vector<16xf32>
        %mul3A_430 = arith.mulf %add3A_426, %add3A_426 : vector<16xf32>
        %add3A_431 = arith.addf %add3A_417, %mul3A_430 : vector<16xf32>
        %mul3A_432 = arith.constant 16 : i32
        %mul3A_433 = arith.muli %scan3A_119, %mul3A_432 : i32
        %add3A_434 = arith.constant 6 : i32
        %add3A_435 = arith.addi %mul3A_433, %add3A_434 : i32
        %get3A_436 = arith.index_cast %add3A_435 : i32 to index
        %get3A_437 = arith.constant 16 : index
        %get3A_438 = tpu.vector_load %arg9[%get3A_436, %get3A_437] {strides = array<i32>} : memref<128x128xf32, #tpu.memory_space<vmem>>, vector<1x16xf32>,
        %get3A_439 = vector.shape_cast %get3A_438 : vector<1x16xf32> to vector<16xf32>
        %add3A_440 = arith.addf %get3A_439, %get3A_353 : vector<16xf32>
        %max3A_441 = arith.maximumf %max3A_427, %add3A_440 : vector<16xf32>
        %min3A_442 = arith.minimumf %min3A_428, %add3A_440 : vector<16xf32>
        %add3A_443 = arith.addf %add3A_429, %add3A_440 : vector<16xf32>
        %mul3A_444 = arith.mulf %add3A_440, %add3A_440 : vector<16xf32>
        %add3A_445 = arith.addf %add3A_431, %mul3A_444 : vector<16xf32>
        %mul3A_446 = arith.constant 16 : i32
        %mul3A_447 = arith.muli %scan3A_119, %mul3A_446 : i32
        %add3A_448 = arith.constant 7 : i32
        %add3A_449 = arith.addi %mul3A_447, %add3A_448 : i32
        %get3A_450 = arith.index_cast %add3A_449 : i32 to index
        %get3A_451 = arith.constant 16 : index
        %get3A_452 = tpu.vector_load %arg9[%get3A_450, %get3A_451] {strides = array<i32>} : memref<128x128xf32, #tpu.memory_space<vmem>>, vector<1x16xf32>,
        %get3A_453 = vector.shape_cast %get3A_452 : vector<1x16xf32> to vector<16xf32>
        %add3A_454 = arith.addf %get3A_453, %get3A_353 : vector<16xf32>
        %max3A_455 = arith.maximumf %max3A_441, %add3A_454 : vector<16xf32>
        %min3A_456 = arith.minimumf %min3A_442, %add3A_454 : vector<16xf32>
        %add3A_457 = arith.addf %add3A_443, %add3A_454 : vector<16xf32>
        %mul3A_458 = arith.mulf %add3A_454, %add3A_454 : vector<16xf32>
        %add3A_459 = arith.addf %add3A_445, %mul3A_458 : vector<16xf32>
        %mul3A_460 = arith.constant 16 : i32
        %mul3A_461 = arith.muli %scan3A_119, %mul3A_460 : i32
        %add3A_462 = arith.constant 8 : i32
        %add3A_463 = arith.addi %mul3A_461, %add3A_462 : i32
        %get3A_464 = arith.index_cast %add3A_463 : i32 to index
        %get3A_465 = arith.constant 16 : index
        %get3A_466 = tpu.vector_load %arg9[%get3A_464, %get3A_465] {strides = array<i32>} : memref<128x128xf32, #tpu.memory_space<vmem>>, vector<1x16xf32>,
        %get3A_467 = vector.shape_cast %get3A_466 : vector<1x16xf32> to vector<16xf32>
        %add3A_468 = arith.addf %get3A_467, %get3A_353 : vector<16xf32>
        %max3A_469 = arith.maximumf %max3A_455, %add3A_468 : vector<16xf32>
        %min3A_470 = arith.minimumf %min3A_456, %add3A_468 : vector<16xf32>
        %add3A_471 = arith.addf %add3A_457, %add3A_468 : vector<16xf32>
        %mul3A_472 = arith.mulf %add3A_468, %add3A_468 : vector<16xf32>
        %add3A_473 = arith.addf %add3A_459, %mul3A_472 : vector<16xf32>
        %mul3A_474 = arith.constant 16 : i32
        %mul3A_475 = arith.muli %scan3A_119, %mul3A_474 : i32
        %add3A_476 = arith.constant 9 : i32
        %add3A_477 = arith.addi %mul3A_475, %add3A_476 : i32
        %get3A_478 = arith.index_cast %add3A_477 : i32 to index
        %get3A_479 = arith.constant 16 : index
        %get3A_480 = tpu.vector_load %arg9[%get3A_478, %get3A_479] {strides = array<i32>} : memref<128x128xf32, #tpu.memory_space<vmem>>, vector<1x16xf32>,
        %get3A_481 = vector.shape_cast %get3A_480 : vector<1x16xf32> to vector<16xf32>
        %add3A_482 = arith.addf %get3A_481, %get3A_353 : vector<16xf32>
        %max3A_483 = arith.maximumf %max3A_469, %add3A_482 : vector<16xf32>
        %min3A_484 = arith.minimumf %min3A_470, %add3A_482 : vector<16xf32>
        %add3A_485 = arith.addf %add3A_471, %add3A_482 : vector<16xf32>
        %mul3A_486 = arith.mulf %add3A_482, %add3A_482 : vector<16xf32>
        %add3A_487 = arith.addf %add3A_473, %mul3A_486 : vector<16xf32>
        %mul3A_488 = arith.constant 16 : i32
        %mul3A_489 = arith.muli %scan3A_119, %mul3A_488 : i32
        %add3A_490 = arith.constant 10 : i32
        %add3A_491 = arith.addi %mul3A_489, %add3A_490 : i32
        %get3A_492 = arith.index_cast %add3A_491 : i32 to index
        %get3A_493 = arith.constant 16 : index
        %get3A_494 = tpu.vector_load %arg9[%get3A_492, %get3A_493] {strides = array<i32>} : memref<128x128xf32, #tpu.memory_space<vmem>>, vector<1x16xf32>,
        %get3A_495 = vector.shape_cast %get3A_494 : vector<1x16xf32> to vector<16xf32>
        %add3A_496 = arith.addf %get3A_495, %get3A_353 : vector<16xf32>
        %max3A_497 = arith.maximumf %max3A_483, %add3A_496 : vector<16xf32>
        %min3A_498 = arith.minimumf %min3A_484, %add3A_496 : vector<16xf32>
        %add3A_499 = arith.addf %add3A_485, %add3A_496 : vector<16xf32>
        %mul3A_500 = arith.mulf %add3A_496, %add3A_496 : vector<16xf32>
        %add3A_501 = arith.addf %add3A_487, %mul3A_500 : vector<16xf32>
        %mul3A_502 = arith.constant 16 : i32
        %mul3A_503 = arith.muli %scan3A_119, %mul3A_502 : i32
        %add3A_504 = arith.constant 11 : i32
        %add3A_505 = arith.addi %mul3A_503, %add3A_504 : i32
        %get3A_506 = arith.index_cast %add3A_505 : i32 to index
        %get3A_507 = arith.constant 16 : index
        %get3A_508 = tpu.vector_load %arg9[%get3A_506, %get3A_507] {strides = array<i32>} : memref<128x128xf32, #tpu.memory_space<vmem>>, vector<1x16xf32>,
        %get3A_509 = vector.shape_cast %get3A_508 : vector<1x16xf32> to vector<16xf32>
        %add3A_510 = arith.addf %get3A_509, %get3A_353 : vector<16xf32>
        %max3A_511 = arith.maximumf %max3A_497, %add3A_510 : vector<16xf32>
        %min3A_512 = arith.minimumf %min3A_498, %add3A_510 : vector<16xf32>
        %add3A_513 = arith.addf %add3A_499, %add3A_510 : vector<16xf32>
        %mul3A_514 = arith.mulf %add3A_510, %add3A_510 : vector<16xf32>
        %add3A_515 = arith.addf %add3A_501, %mul3A_514 : vector<16xf32>
        %mul3A_516 = arith.constant 16 : i32
        %mul3A_517 = arith.muli %scan3A_119, %mul3A_516 : i32
        %add3A_518 = arith.constant 12 : i32
        %add3A_519 = arith.addi %mul3A_517, %add3A_518 : i32
        %get3A_520 = arith.index_cast %add3A_519 : i32 to index
        %get3A_521 = arith.constant 16 : index
        %get3A_522 = tpu.vector_load %arg9[%get3A_520, %get3A_521] {strides = array<i32>} : memref<128x128xf32, #tpu.memory_space<vmem>>, vector<1x16xf32>,
        %get3A_523 = vector.shape_cast %get3A_522 : vector<1x16xf32> to vector<16xf32>
        %add3A_524 = arith.addf %get3A_523, %get3A_353 : vector<16xf32>
        %max3A_525 = arith.maximumf %max3A_511, %add3A_524 : vector<16xf32>
        %min3A_526 = arith.minimumf %min3A_512, %add3A_524 : vector<16xf32>
        %add3A_527 = arith.addf %add3A_513, %add3A_524 : vector<16xf32>
        %mul3A_528 = arith.mulf %add3A_524, %add3A_524 : vector<16xf32>
        %add3A_529 = arith.addf %add3A_515, %mul3A_528 : vector<16xf32>
        %mul3A_530 = arith.constant 16 : i32
        %mul3A_531 = arith.muli %scan3A_119, %mul3A_530 : i32
        %add3A_532 = arith.constant 13 : i32
        %add3A_533 = arith.addi %mul3A_531, %add3A_532 : i32
        %get3A_534 = arith.index_cast %add3A_533 : i32 to index
        %get3A_535 = arith.constant 16 : index
        %get3A_536 = tpu.vector_load %arg9[%get3A_534, %get3A_535] {strides = array<i32>} : memref<128x128xf32, #tpu.memory_space<vmem>>, vector<1x16xf32>,
        %get3A_537 = vector.shape_cast %get3A_536 : vector<1x16xf32> to vector<16xf32>
        %add3A_538 = arith.addf %get3A_537, %get3A_353 : vector<16xf32>
        %max3A_539 = arith.maximumf %max3A_525, %add3A_538 : vector<16xf32>
        %min3A_540 = arith.minimumf %min3A_526, %add3A_538 : vector<16xf32>
        %add3A_541 = arith.addf %add3A_527, %add3A_538 : vector<16xf32>
        %mul3A_542 = arith.mulf %add3A_538, %add3A_538 : vector<16xf32>
        %add3A_543 = arith.addf %add3A_529, %mul3A_542 : vector<16xf32>
        %mul3A_544 = arith.constant 16 : i32
        %mul3A_545 = arith.muli %scan3A_119, %mul3A_544 : i32
        %add3A_546 = arith.constant 14 : i32
        %add3A_547 = arith.addi %mul3A_545, %add3A_546 : i32
        %get3A_548 = arith.index_cast %add3A_547 : i32 to index
        %get3A_549 = arith.constant 16 : index
        %get3A_550 = tpu.vector_load %arg9[%get3A_548, %get3A_549] {strides = array<i32>} : memref<128x128xf32, #tpu.memory_space<vmem>>, vector<1x16xf32>,
        %get3A_551 = vector.shape_cast %get3A_550 : vector<1x16xf32> to vector<16xf32>
        %add3A_552 = arith.addf %get3A_551, %get3A_353 : vector<16xf32>
        %max3A_553 = arith.maximumf %max3A_539, %add3A_552 : vector<16xf32>
        %min3A_554 = arith.minimumf %min3A_540, %add3A_552 : vector<16xf32>
        %add3A_555 = arith.addf %add3A_541, %add3A_552 : vector<16xf32>
        %mul3A_556 = arith.mulf %add3A_552, %add3A_552 : vector<16xf32>
        %add3A_557 = arith.addf %add3A_543, %mul3A_556 : vector<16xf32>
        %mul3A_558 = arith.constant 16 : i32
        %mul3A_559 = arith.muli %scan3A_119, %mul3A_558 : i32
        %add3A_560 = arith.constant 15 : i32
        %add3A_561 = arith.addi %mul3A_559, %add3A_560 : i32
        %get3A_562 = arith.index_cast %add3A_561 : i32 to index
        %get3A_563 = arith.constant 16 : index
        %get3A_564 = tpu.vector_load %arg9[%get3A_562, %get3A_563] {strides = array<i32>} : memref<128x128xf32, #tpu.memory_space<vmem>>, vector<1x16xf32>,
        %get3A_565 = vector.shape_cast %get3A_564 : vector<1x16xf32> to vector<16xf32>
        %add3A_566 = arith.addf %get3A_565, %get3A_353 : vector<16xf32>
        %max3A_567 = arith.maximumf %max3A_553, %add3A_566 : vector<16xf32>
        %min3A_568 = arith.minimumf %min3A_554, %add3A_566 : vector<16xf32>
        %add3A_569 = arith.addf %add3A_555, %add3A_566 : vector<16xf32>
        %mul3A_570 = arith.mulf %add3A_566, %add3A_566 : vector<16xf32>
        %add3A_571 = arith.addf %add3A_557, %mul3A_570 : vector<16xf32>
        %swap3A_572 = arith.index_cast %scan3A_119 : i32 to index
        %swap3A_573 = arith.constant 16 : index
        %swap3A_574 = tpu.vector_load %arg11[%swap3A_572, %swap3A_573] {strides = array<i32>} : memref<8x128xf32, #tpu.memory_space<vmem>>, vector<1x16xf32>,
        %swap3A_575 = vector.shape_cast %swap3A_574 : vector<1x16xf32> to vector<16xf32>
        %swap3A_576 = vector.shape_cast %max3A_567 : vector<16xf32> to vector<1x16xf32>
        tpu.vector_store %arg11[%swap3A_572, %swap3A_573], %swap3A_576 {strides = array<i32>} : memref<8x128xf32, #tpu.memory_space<vmem>>, vector<1x16xf32>,
        %swap3A_577 = arith.index_cast %scan3A_119 : i32 to index
        %swap3A_578 = arith.constant 16 : index
        %swap3A_579 = tpu.vector_load %arg12[%swap3A_577, %swap3A_578] {strides = array<i32>} : memref<8x128xf32, #tpu.memory_space<vmem>>, vector<1x16xf32>,
        %swap3A_580 = vector.shape_cast %swap3A_579 : vector<1x16xf32> to vector<16xf32>
        %swap3A_581 = vector.shape_cast %min3A_568 : vector<16xf32> to vector<1x16xf32>
        tpu.vector_store %arg12[%swap3A_577, %swap3A_578], %swap3A_581 {strides = array<i32>} : memref<8x128xf32, #tpu.memory_space<vmem>>, vector<1x16xf32>,
        %convert_element_type3A_582 = arith.extui %lt3A_113 : i1 to i32
        %cond3A_583 = arith.constant 0 : i32
        %cond3A_584 = arith.cmpi ne, %convert_element_type3A_582, %cond3A_583 : i32
        scf.if %cond3A_584 {
          %get3A_1995 = arith.constant 16 : index
          %get3A_1996 = tpu.vector_load %arg13[%get3A_1995] {strides = array<i32>} : memref<128xf32, #tpu.memory_space<vmem>>, vector<16xf32>,
          %get3A_1997 = vector.shape_cast %get3A_1996 : vector<16xf32> to vector<16xf32>
          %add3A_1998 = arith.addf %get3A_1997, %add3A_569 : vector<16xf32>
          %swap3A_1999 = arith.constant 16 : index
          %swap3A_2000 = tpu.vector_load %arg13[%swap3A_1999] {strides = array<i32>} : memref<128xf32, #tpu.memory_space<vmem>>, vector<16xf32>,
          %swap3A_2001 = vector.shape_cast %swap3A_2000 : vector<16xf32> to vector<16xf32>
          %swap3A_2002 = vector.shape_cast %add3A_1998 : vector<16xf32> to vector<16xf32>
          tpu.vector_store %arg13[%swap3A_1999], %swap3A_2002 {strides = array<i32>} : memref<128xf32, #tpu.memory_space<vmem>>, vector<16xf32>,
          %get3A_2003 = arith.constant 16 : index
          %get3A_2004 = tpu.vector_load %arg14[%get3A_2003] {strides = array<i32>} : memref<128xf32, #tpu.memory_space<vmem>>, vector<16xf32>,
          %get3A_2005 = vector.shape_cast %get3A_2004 : vector<16xf32> to vector<16xf32>
          %add3A_2006 = arith.addf %get3A_2005, %add3A_571 : vector<16xf32>
          %swap3A_2007 = arith.constant 16 : index
          %swap3A_2008 = tpu.vector_load %arg14[%swap3A_2007] {strides = array<i32>} : memref<128xf32, #tpu.memory_space<vmem>>, vector<16xf32>,
          %swap3A_2009 = vector.shape_cast %swap3A_2008 : vector<16xf32> to vector<16xf32>
          %swap3A_2010 = vector.shape_cast %add3A_2006 : vector<16xf32> to vector<16xf32>
          tpu.vector_store %arg14[%swap3A_2007], %swap3A_2010 {strides = array<i32>} : memref<128xf32, #tpu.memory_space<vmem>>, vector<16xf32>,
        } else {
        }
        %get3A_585 = arith.index_cast %scan3A_119 : i32 to index
        %get3A_586 = arith.constant 32 : index
        %get3A_587 = tpu.vector_load %arg10[%get3A_585, %get3A_586] {strides = array<i32>} : memref<8x128xf32, #tpu.memory_space<vmem>>, vector<1x16xf32>,
        %get3A_588 = vector.shape_cast %get3A_587 : vector<1x16xf32> to vector<16xf32>
        %mul3A_589 = arith.constant 16 : i32
        %mul3A_590 = arith.muli %scan3A_119, %mul3A_589 : i32
        %get3A_591 = arith.index_cast %mul3A_590 : i32 to index
        %get3A_592 = arith.constant 32 : index
        %get3A_593 = tpu.vector_load %arg9[%get3A_591, %get3A_592] {strides = array<i32>} : memref<128x128xf32, #tpu.memory_space<vmem>>, vector<1x16xf32>,
        %get3A_594 = vector.shape_cast %get3A_593 : vector<1x16xf32> to vector<16xf32>
        %add3A_595 = arith.addf %get3A_594, %get3A_588 : vector<16xf32>
        %mul3A_596 = arith.mulf %add3A_595, %add3A_595 : vector<16xf32>
        %mul3A_597 = arith.constant 16 : i32
        %mul3A_598 = arith.muli %scan3A_119, %mul3A_597 : i32
        %add3A_599 = arith.constant 1 : i32
        %add3A_600 = arith.addi %mul3A_598, %add3A_599 : i32
        %get3A_601 = arith.index_cast %add3A_600 : i32 to index
        %get3A_602 = arith.constant 32 : index
        %get3A_603 = tpu.vector_load %arg9[%get3A_601, %get3A_602] {strides = array<i32>} : memref<128x128xf32, #tpu.memory_space<vmem>>, vector<1x16xf32>,
        %get3A_604 = vector.shape_cast %get3A_603 : vector<1x16xf32> to vector<16xf32>
        %add3A_605 = arith.addf %get3A_604, %get3A_588 : vector<16xf32>
        %max3A_606 = arith.maximumf %add3A_595, %add3A_605 : vector<16xf32>
        %min3A_607 = arith.minimumf %add3A_595, %add3A_605 : vector<16xf32>
        %add3A_608 = arith.addf %add3A_595, %add3A_605 : vector<16xf32>
        %mul3A_609 = arith.mulf %add3A_605, %add3A_605 : vector<16xf32>
        %add3A_610 = arith.addf %mul3A_596, %mul3A_609 : vector<16xf32>
        %mul3A_611 = arith.constant 16 : i32
        %mul3A_612 = arith.muli %scan3A_119, %mul3A_611 : i32
        %add3A_613 = arith.constant 2 : i32
        %add3A_614 = arith.addi %mul3A_612, %add3A_613 : i32
        %get3A_615 = arith.index_cast %add3A_614 : i32 to index
        %get3A_616 = arith.constant 32 : index
        %get3A_617 = tpu.vector_load %arg9[%get3A_615, %get3A_616] {strides = array<i32>} : memref<128x128xf32, #tpu.memory_space<vmem>>, vector<1x16xf32>,
        %get3A_618 = vector.shape_cast %get3A_617 : vector<1x16xf32> to vector<16xf32>
        %add3A_619 = arith.addf %get3A_618, %get3A_588 : vector<16xf32>
        %max3A_620 = arith.maximumf %max3A_606, %add3A_619 : vector<16xf32>
        %min3A_621 = arith.minimumf %min3A_607, %add3A_619 : vector<16xf32>
        %add3A_622 = arith.addf %add3A_608, %add3A_619 : vector<16xf32>
        %mul3A_623 = arith.mulf %add3A_619, %add3A_619 : vector<16xf32>
        %add3A_624 = arith.addf %add3A_610, %mul3A_623 : vector<16xf32>
        %mul3A_625 = arith.constant 16 : i32
        %mul3A_626 = arith.muli %scan3A_119, %mul3A_625 : i32
        %add3A_627 = arith.constant 3 : i32
        %add3A_628 = arith.addi %mul3A_626, %add3A_627 : i32
        %get3A_629 = arith.index_cast %add3A_628 : i32 to index
        %get3A_630 = arith.constant 32 : index
        %get3A_631 = tpu.vector_load %arg9[%get3A_629, %get3A_630] {strides = array<i32>} : memref<128x128xf32, #tpu.memory_space<vmem>>, vector<1x16xf32>,
        %get3A_632 = vector.shape_cast %get3A_631 : vector<1x16xf32> to vector<16xf32>
        %add3A_633 = arith.addf %get3A_632, %get3A_588 : vector<16xf32>
        %max3A_634 = arith.maximumf %max3A_620, %add3A_633 : vector<16xf32>
        %min3A_635 = arith.minimumf %min3A_621, %add3A_633 : vector<16xf32>
        %add3A_636 = arith.addf %add3A_622, %add3A_633 : vector<16xf32>
        %mul3A_637 = arith.mulf %add3A_633, %add3A_633 : vector<16xf32>
        %add3A_638 = arith.addf %add3A_624, %mul3A_637 : vector<16xf32>
        %mul3A_639 = arith.constant 16 : i32
        %mul3A_640 = arith.muli %scan3A_119, %mul3A_639 : i32
        %add3A_641 = arith.constant 4 : i32
        %add3A_642 = arith.addi %mul3A_640, %add3A_641 : i32
        %get3A_643 = arith.index_cast %add3A_642 : i32 to index
        %get3A_644 = arith.constant 32 : index
        %get3A_645 = tpu.vector_load %arg9[%get3A_643, %get3A_644] {strides = array<i32>} : memref<128x128xf32, #tpu.memory_space<vmem>>, vector<1x16xf32>,
        %get3A_646 = vector.shape_cast %get3A_645 : vector<1x16xf32> to vector<16xf32>
        %add3A_647 = arith.addf %get3A_646, %get3A_588 : vector<16xf32>
        %max3A_648 = arith.maximumf %max3A_634, %add3A_647 : vector<16xf32>
        %min3A_649 = arith.minimumf %min3A_635, %add3A_647 : vector<16xf32>
        %add3A_650 = arith.addf %add3A_636, %add3A_647 : vector<16xf32>
        %mul3A_651 = arith.mulf %add3A_647, %add3A_647 : vector<16xf32>
        %add3A_652 = arith.addf %add3A_638, %mul3A_651 : vector<16xf32>
        %mul3A_653 = arith.constant 16 : i32
        %mul3A_654 = arith.muli %scan3A_119, %mul3A_653 : i32
        %add3A_655 = arith.constant 5 : i32
        %add3A_656 = arith.addi %mul3A_654, %add3A_655 : i32
        %get3A_657 = arith.index_cast %add3A_656 : i32 to index
        %get3A_658 = arith.constant 32 : index
        %get3A_659 = tpu.vector_load %arg9[%get3A_657, %get3A_658] {strides = array<i32>} : memref<128x128xf32, #tpu.memory_space<vmem>>, vector<1x16xf32>,
        %get3A_660 = vector.shape_cast %get3A_659 : vector<1x16xf32> to vector<16xf32>
        %add3A_661 = arith.addf %get3A_660, %get3A_588 : vector<16xf32>
        %max3A_662 = arith.maximumf %max3A_648, %add3A_661 : vector<16xf32>
        %min3A_663 = arith.minimumf %min3A_649, %add3A_661 : vector<16xf32>
        %add3A_664 = arith.addf %add3A_650, %add3A_661 : vector<16xf32>
        %mul3A_665 = arith.mulf %add3A_661, %add3A_661 : vector<16xf32>
        %add3A_666 = arith.addf %add3A_652, %mul3A_665 : vector<16xf32>
        %mul3A_667 = arith.constant 16 : i32
        %mul3A_668 = arith.muli %scan3A_119, %mul3A_667 : i32
        %add3A_669 = arith.constant 6 : i32
        %add3A_670 = arith.addi %mul3A_668, %add3A_669 : i32
        %get3A_671 = arith.index_cast %add3A_670 : i32 to index
        %get3A_672 = arith.constant 32 : index
        %get3A_673 = tpu.vector_load %arg9[%get3A_671, %get3A_672] {strides = array<i32>} : memref<128x128xf32, #tpu.memory_space<vmem>>, vector<1x16xf32>,
        %get3A_674 = vector.shape_cast %get3A_673 : vector<1x16xf32> to vector<16xf32>
        %add3A_675 = arith.addf %get3A_674, %get3A_588 : vector<16xf32>
        %max3A_676 = arith.maximumf %max3A_662, %add3A_675 : vector<16xf32>
        %min3A_677 = arith.minimumf %min3A_663, %add3A_675 : vector<16xf32>
        %add3A_678 = arith.addf %add3A_664, %add3A_675 : vector<16xf32>
        %mul3A_679 = arith.mulf %add3A_675, %add3A_675 : vector<16xf32>
        %add3A_680 = arith.addf %add3A_666, %mul3A_679 : vector<16xf32>
        %mul3A_681 = arith.constant 16 : i32
        %mul3A_682 = arith.muli %scan3A_119, %mul3A_681 : i32
        %add3A_683 = arith.constant 7 : i32
        %add3A_684 = arith.addi %mul3A_682, %add3A_683 : i32
        %get3A_685 = arith.index_cast %add3A_684 : i32 to index
        %get3A_686 = arith.constant 32 : index
        %get3A_687 = tpu.vector_load %arg9[%get3A_685, %get3A_686] {strides = array<i32>} : memref<128x128xf32, #tpu.memory_space<vmem>>, vector<1x16xf32>,
        %get3A_688 = vector.shape_cast %get3A_687 : vector<1x16xf32> to vector<16xf32>
        %add3A_689 = arith.addf %get3A_688, %get3A_588 : vector<16xf32>
        %max3A_690 = arith.maximumf %max3A_676, %add3A_689 : vector<16xf32>
        %min3A_691 = arith.minimumf %min3A_677, %add3A_689 : vector<16xf32>
        %add3A_692 = arith.addf %add3A_678, %add3A_689 : vector<16xf32>
        %mul3A_693 = arith.mulf %add3A_689, %add3A_689 : vector<16xf32>
        %add3A_694 = arith.addf %add3A_680, %mul3A_693 : vector<16xf32>
        %mul3A_695 = arith.constant 16 : i32
        %mul3A_696 = arith.muli %scan3A_119, %mul3A_695 : i32
        %add3A_697 = arith.constant 8 : i32
        %add3A_698 = arith.addi %mul3A_696, %add3A_697 : i32
        %get3A_699 = arith.index_cast %add3A_698 : i32 to index
        %get3A_700 = arith.constant 32 : index
        %get3A_701 = tpu.vector_load %arg9[%get3A_699, %get3A_700] {strides = array<i32>} : memref<128x128xf32, #tpu.memory_space<vmem>>, vector<1x16xf32>,
        %get3A_702 = vector.shape_cast %get3A_701 : vector<1x16xf32> to vector<16xf32>
        %add3A_703 = arith.addf %get3A_702, %get3A_588 : vector<16xf32>
        %max3A_704 = arith.maximumf %max3A_690, %add3A_703 : vector<16xf32>
        %min3A_705 = arith.minimumf %min3A_691, %add3A_703 : vector<16xf32>
        %add3A_706 = arith.addf %add3A_692, %add3A_703 : vector<16xf32>
        %mul3A_707 = arith.mulf %add3A_703, %add3A_703 : vector<16xf32>
        %add3A_708 = arith.addf %add3A_694, %mul3A_707 : vector<16xf32>
        %mul3A_709 = arith.constant 16 : i32
        %mul3A_710 = arith.muli %scan3A_119, %mul3A_709 : i32
        %add3A_711 = arith.constant 9 : i32
        %add3A_712 = arith.addi %mul3A_710, %add3A_711 : i32
        %get3A_713 = arith.index_cast %add3A_712 : i32 to index
        %get3A_714 = arith.constant 32 : index
        %get3A_715 = tpu.vector_load %arg9[%get3A_713, %get3A_714] {strides = array<i32>} : memref<128x128xf32, #tpu.memory_space<vmem>>, vector<1x16xf32>,
        %get3A_716 = vector.shape_cast %get3A_715 : vector<1x16xf32> to vector<16xf32>
        %add3A_717 = arith.addf %get3A_716, %get3A_588 : vector<16xf32>
        %max3A_718 = arith.maximumf %max3A_704, %add3A_717 : vector<16xf32>
        %min3A_719 = arith.minimumf %min3A_705, %add3A_717 : vector<16xf32>
        %add3A_720 = arith.addf %add3A_706, %add3A_717 : vector<16xf32>
        %mul3A_721 = arith.mulf %add3A_717, %add3A_717 : vector<16xf32>
        %add3A_722 = arith.addf %add3A_708, %mul3A_721 : vector<16xf32>
        %mul3A_723 = arith.constant 16 : i32
        %mul3A_724 = arith.muli %scan3A_119, %mul3A_723 : i32
        %add3A_725 = arith.constant 10 : i32
        %add3A_726 = arith.addi %mul3A_724, %add3A_725 : i32
        %get3A_727 = arith.index_cast %add3A_726 : i32 to index
        %get3A_728 = arith.constant 32 : index
        %get3A_729 = tpu.vector_load %arg9[%get3A_727, %get3A_728] {strides = array<i32>} : memref<128x128xf32, #tpu.memory_space<vmem>>, vector<1x16xf32>,
        %get3A_730 = vector.shape_cast %get3A_729 : vector<1x16xf32> to vector<16xf32>
        %add3A_731 = arith.addf %get3A_730, %get3A_588 : vector<16xf32>
        %max3A_732 = arith.maximumf %max3A_718, %add3A_731 : vector<16xf32>
        %min3A_733 = arith.minimumf %min3A_719, %add3A_731 : vector<16xf32>
        %add3A_734 = arith.addf %add3A_720, %add3A_731 : vector<16xf32>
        %mul3A_735 = arith.mulf %add3A_731, %add3A_731 : vector<16xf32>
        %add3A_736 = arith.addf %add3A_722, %mul3A_735 : vector<16xf32>
        %mul3A_737 = arith.constant 16 : i32
        %mul3A_738 = arith.muli %scan3A_119, %mul3A_737 : i32
        %add3A_739 = arith.constant 11 : i32
        %add3A_740 = arith.addi %mul3A_738, %add3A_739 : i32
        %get3A_741 = arith.index_cast %add3A_740 : i32 to index
        %get3A_742 = arith.constant 32 : index
        %get3A_743 = tpu.vector_load %arg9[%get3A_741, %get3A_742] {strides = array<i32>} : memref<128x128xf32, #tpu.memory_space<vmem>>, vector<1x16xf32>,
        %get3A_744 = vector.shape_cast %get3A_743 : vector<1x16xf32> to vector<16xf32>
        %add3A_745 = arith.addf %get3A_744, %get3A_588 : vector<16xf32>
        %max3A_746 = arith.maximumf %max3A_732, %add3A_745 : vector<16xf32>
        %min3A_747 = arith.minimumf %min3A_733, %add3A_745 : vector<16xf32>
        %add3A_748 = arith.addf %add3A_734, %add3A_745 : vector<16xf32>
        %mul3A_749 = arith.mulf %add3A_745, %add3A_745 : vector<16xf32>
        %add3A_750 = arith.addf %add3A_736, %mul3A_749 : vector<16xf32>
        %mul3A_751 = arith.constant 16 : i32
        %mul3A_752 = arith.muli %scan3A_119, %mul3A_751 : i32
        %add3A_753 = arith.constant 12 : i32
        %add3A_754 = arith.addi %mul3A_752, %add3A_753 : i32
        %get3A_755 = arith.index_cast %add3A_754 : i32 to index
        %get3A_756 = arith.constant 32 : index
        %get3A_757 = tpu.vector_load %arg9[%get3A_755, %get3A_756] {strides = array<i32>} : memref<128x128xf32, #tpu.memory_space<vmem>>, vector<1x16xf32>,
        %get3A_758 = vector.shape_cast %get3A_757 : vector<1x16xf32> to vector<16xf32>
        %add3A_759 = arith.addf %get3A_758, %get3A_588 : vector<16xf32>
        %max3A_760 = arith.maximumf %max3A_746, %add3A_759 : vector<16xf32>
        %min3A_761 = arith.minimumf %min3A_747, %add3A_759 : vector<16xf32>
        %add3A_762 = arith.addf %add3A_748, %add3A_759 : vector<16xf32>
        %mul3A_763 = arith.mulf %add3A_759, %add3A_759 : vector<16xf32>
        %add3A_764 = arith.addf %add3A_750, %mul3A_763 : vector<16xf32>
        %mul3A_765 = arith.constant 16 : i32
        %mul3A_766 = arith.muli %scan3A_119, %mul3A_765 : i32
        %add3A_767 = arith.constant 13 : i32
        %add3A_768 = arith.addi %mul3A_766, %add3A_767 : i32
        %get3A_769 = arith.index_cast %add3A_768 : i32 to index
        %get3A_770 = arith.constant 32 : index
        %get3A_771 = tpu.vector_load %arg9[%get3A_769, %get3A_770] {strides = array<i32>} : memref<128x128xf32, #tpu.memory_space<vmem>>, vector<1x16xf32>,
        %get3A_772 = vector.shape_cast %get3A_771 : vector<1x16xf32> to vector<16xf32>
        %add3A_773 = arith.addf %get3A_772, %get3A_588 : vector<16xf32>
        %max3A_774 = arith.maximumf %max3A_760, %add3A_773 : vector<16xf32>
        %min3A_775 = arith.minimumf %min3A_761, %add3A_773 : vector<16xf32>
        %add3A_776 = arith.addf %add3A_762, %add3A_773 : vector<16xf32>
        %mul3A_777 = arith.mulf %add3A_773, %add3A_773 : vector<16xf32>
        %add3A_778 = arith.addf %add3A_764, %mul3A_777 : vector<16xf32>
        %mul3A_779 = arith.constant 16 : i32
        %mul3A_780 = arith.muli %scan3A_119, %mul3A_779 : i32
        %add3A_781 = arith.constant 14 : i32
        %add3A_782 = arith.addi %mul3A_780, %add3A_781 : i32
        %get3A_783 = arith.index_cast %add3A_782 : i32 to index
        %get3A_784 = arith.constant 32 : index
        %get3A_785 = tpu.vector_load %arg9[%get3A_783, %get3A_784] {strides = array<i32>} : memref<128x128xf32, #tpu.memory_space<vmem>>, vector<1x16xf32>,
        %get3A_786 = vector.shape_cast %get3A_785 : vector<1x16xf32> to vector<16xf32>
        %add3A_787 = arith.addf %get3A_786, %get3A_588 : vector<16xf32>
        %max3A_788 = arith.maximumf %max3A_774, %add3A_787 : vector<16xf32>
        %min3A_789 = arith.minimumf %min3A_775, %add3A_787 : vector<16xf32>
        %add3A_790 = arith.addf %add3A_776, %add3A_787 : vector<16xf32>
        %mul3A_791 = arith.mulf %add3A_787, %add3A_787 : vector<16xf32>
        %add3A_792 = arith.addf %add3A_778, %mul3A_791 : vector<16xf32>
        %mul3A_793 = arith.constant 16 : i32
        %mul3A_794 = arith.muli %scan3A_119, %mul3A_793 : i32
        %add3A_795 = arith.constant 15 : i32
        %add3A_796 = arith.addi %mul3A_794, %add3A_795 : i32
        %get3A_797 = arith.index_cast %add3A_796 : i32 to index
        %get3A_798 = arith.constant 32 : index
        %get3A_799 = tpu.vector_load %arg9[%get3A_797, %get3A_798] {strides = array<i32>} : memref<128x128xf32, #tpu.memory_space<vmem>>, vector<1x16xf32>,
        %get3A_800 = vector.shape_cast %get3A_799 : vector<1x16xf32> to vector<16xf32>
        %add3A_801 = arith.addf %get3A_800, %get3A_588 : vector<16xf32>
        %max3A_802 = arith.maximumf %max3A_788, %add3A_801 : vector<16xf32>
        %min3A_803 = arith.minimumf %min3A_789, %add3A_801 : vector<16xf32>
        %add3A_804 = arith.addf %add3A_790, %add3A_801 : vector<16xf32>
        %mul3A_805 = arith.mulf %add3A_801, %add3A_801 : vector<16xf32>
        %add3A_806 = arith.addf %add3A_792, %mul3A_805 : vector<16xf32>
        %swap3A_807 = arith.index_cast %scan3A_119 : i32 to index
        %swap3A_808 = arith.constant 32 : index
        %swap3A_809 = tpu.vector_load %arg11[%swap3A_807, %swap3A_808] {strides = array<i32>} : memref<8x128xf32, #tpu.memory_space<vmem>>, vector<1x16xf32>,
        %swap3A_810 = vector.shape_cast %swap3A_809 : vector<1x16xf32> to vector<16xf32>
        %swap3A_811 = vector.shape_cast %max3A_802 : vector<16xf32> to vector<1x16xf32>
        tpu.vector_store %arg11[%swap3A_807, %swap3A_808], %swap3A_811 {strides = array<i32>} : memref<8x128xf32, #tpu.memory_space<vmem>>, vector<1x16xf32>,
        %swap3A_812 = arith.index_cast %scan3A_119 : i32 to index
        %swap3A_813 = arith.constant 32 : index
        %swap3A_814 = tpu.vector_load %arg12[%swap3A_812, %swap3A_813] {strides = array<i32>} : memref<8x128xf32, #tpu.memory_space<vmem>>, vector<1x16xf32>,
        %swap3A_815 = vector.shape_cast %swap3A_814 : vector<1x16xf32> to vector<16xf32>
        %swap3A_816 = vector.shape_cast %min3A_803 : vector<16xf32> to vector<1x16xf32>
        tpu.vector_store %arg12[%swap3A_812, %swap3A_813], %swap3A_816 {strides = array<i32>} : memref<8x128xf32, #tpu.memory_space<vmem>>, vector<1x16xf32>,
        %convert_element_type3A_817 = arith.extui %lt3A_113 : i1 to i32
        %cond3A_818 = arith.constant 0 : i32
        %cond3A_819 = arith.cmpi ne, %convert_element_type3A_817, %cond3A_818 : i32
        scf.if %cond3A_819 {
          %get3A_1995 = arith.constant 32 : index
          %get3A_1996 = tpu.vector_load %arg13[%get3A_1995] {strides = array<i32>} : memref<128xf32, #tpu.memory_space<vmem>>, vector<16xf32>,
          %get3A_1997 = vector.shape_cast %get3A_1996 : vector<16xf32> to vector<16xf32>
          %add3A_1998 = arith.addf %get3A_1997, %add3A_804 : vector<16xf32>
          %swap3A_1999 = arith.constant 32 : index
          %swap3A_2000 = tpu.vector_load %arg13[%swap3A_1999] {strides = array<i32>} : memref<128xf32, #tpu.memory_space<vmem>>, vector<16xf32>,
          %swap3A_2001 = vector.shape_cast %swap3A_2000 : vector<16xf32> to vector<16xf32>
          %swap3A_2002 = vector.shape_cast %add3A_1998 : vector<16xf32> to vector<16xf32>
          tpu.vector_store %arg13[%swap3A_1999], %swap3A_2002 {strides = array<i32>} : memref<128xf32, #tpu.memory_space<vmem>>, vector<16xf32>,
          %get3A_2003 = arith.constant 32 : index
          %get3A_2004 = tpu.vector_load %arg14[%get3A_2003] {strides = array<i32>} : memref<128xf32, #tpu.memory_space<vmem>>, vector<16xf32>,
          %get3A_2005 = vector.shape_cast %get3A_2004 : vector<16xf32> to vector<16xf32>
          %add3A_2006 = arith.addf %get3A_2005, %add3A_806 : vector<16xf32>
          %swap3A_2007 = arith.constant 32 : index
          %swap3A_2008 = tpu.vector_load %arg14[%swap3A_2007] {strides = array<i32>} : memref<128xf32, #tpu.memory_space<vmem>>, vector<16xf32>,
          %swap3A_2009 = vector.shape_cast %swap3A_2008 : vector<16xf32> to vector<16xf32>
          %swap3A_2010 = vector.shape_cast %add3A_2006 : vector<16xf32> to vector<16xf32>
          tpu.vector_store %arg14[%swap3A_2007], %swap3A_2010 {strides = array<i32>} : memref<128xf32, #tpu.memory_space<vmem>>, vector<16xf32>,
        } else {
        }
        %get3A_820 = arith.index_cast %scan3A_119 : i32 to index
        %get3A_821 = arith.constant 48 : index
        %get3A_822 = tpu.vector_load %arg10[%get3A_820, %get3A_821] {strides = array<i32>} : memref<8x128xf32, #tpu.memory_space<vmem>>, vector<1x16xf32>,
        %get3A_823 = vector.shape_cast %get3A_822 : vector<1x16xf32> to vector<16xf32>
        %mul3A_824 = arith.constant 16 : i32
        %mul3A_825 = arith.muli %scan3A_119, %mul3A_824 : i32
        %get3A_826 = arith.index_cast %mul3A_825 : i32 to index
        %get3A_827 = arith.constant 48 : index
        %get3A_828 = tpu.vector_load %arg9[%get3A_826, %get3A_827] {strides = array<i32>} : memref<128x128xf32, #tpu.memory_space<vmem>>, vector<1x16xf32>,
        %get3A_829 = vector.shape_cast %get3A_828 : vector<1x16xf32> to vector<16xf32>
        %add3A_830 = arith.addf %get3A_829, %get3A_823 : vector<16xf32>
        %mul3A_831 = arith.mulf %add3A_830, %add3A_830 : vector<16xf32>
        %mul3A_832 = arith.constant 16 : i32
        %mul3A_833 = arith.muli %scan3A_119, %mul3A_832 : i32
        %add3A_834 = arith.constant 1 : i32
        %add3A_835 = arith.addi %mul3A_833, %add3A_834 : i32
        %get3A_836 = arith.index_cast %add3A_835 : i32 to index
        %get3A_837 = arith.constant 48 : index
        %get3A_838 = tpu.vector_load %arg9[%get3A_836, %get3A_837] {strides = array<i32>} : memref<128x128xf32, #tpu.memory_space<vmem>>, vector<1x16xf32>,
        %get3A_839 = vector.shape_cast %get3A_838 : vector<1x16xf32> to vector<16xf32>
        %add3A_840 = arith.addf %get3A_839, %get3A_823 : vector<16xf32>
        %max3A_841 = arith.maximumf %add3A_830, %add3A_840 : vector<16xf32>
        %min3A_842 = arith.minimumf %add3A_830, %add3A_840 : vector<16xf32>
        %add3A_843 = arith.addf %add3A_830, %add3A_840 : vector<16xf32>
        %mul3A_844 = arith.mulf %add3A_840, %add3A_840 : vector<16xf32>
        %add3A_845 = arith.addf %mul3A_831, %mul3A_844 : vector<16xf32>
        %mul3A_846 = arith.constant 16 : i32
        %mul3A_847 = arith.muli %scan3A_119, %mul3A_846 : i32
        %add3A_848 = arith.constant 2 : i32
        %add3A_849 = arith.addi %mul3A_847, %add3A_848 : i32
        %get3A_850 = arith.index_cast %add3A_849 : i32 to index
        %get3A_851 = arith.constant 48 : index
        %get3A_852 = tpu.vector_load %arg9[%get3A_850, %get3A_851] {strides = array<i32>} : memref<128x128xf32, #tpu.memory_space<vmem>>, vector<1x16xf32>,
        %get3A_853 = vector.shape_cast %get3A_852 : vector<1x16xf32> to vector<16xf32>
        %add3A_854 = arith.addf %get3A_853, %get3A_823 : vector<16xf32>
        %max3A_855 = arith.maximumf %max3A_841, %add3A_854 : vector<16xf32>
        %min3A_856 = arith.minimumf %min3A_842, %add3A_854 : vector<16xf32>
        %add3A_857 = arith.addf %add3A_843, %add3A_854 : vector<16xf32>
        %mul3A_858 = arith.mulf %add3A_854, %add3A_854 : vector<16xf32>
        %add3A_859 = arith.addf %add3A_845, %mul3A_858 : vector<16xf32>
        %mul3A_860 = arith.constant 16 : i32
        %mul3A_861 = arith.muli %scan3A_119, %mul3A_860 : i32
        %add3A_862 = arith.constant 3 : i32
        %add3A_863 = arith.addi %mul3A_861, %add3A_862 : i32
        %get3A_864 = arith.index_cast %add3A_863 : i32 to index
        %get3A_865 = arith.constant 48 : index
        %get3A_866 = tpu.vector_load %arg9[%get3A_864, %get3A_865] {strides = array<i32>} : memref<128x128xf32, #tpu.memory_space<vmem>>, vector<1x16xf32>,
        %get3A_867 = vector.shape_cast %get3A_866 : vector<1x16xf32> to vector<16xf32>
        %add3A_868 = arith.addf %get3A_867, %get3A_823 : vector<16xf32>
        %max3A_869 = arith.maximumf %max3A_855, %add3A_868 : vector<16xf32>
        %min3A_870 = arith.minimumf %min3A_856, %add3A_868 : vector<16xf32>
        %add3A_871 = arith.addf %add3A_857, %add3A_868 : vector<16xf32>
        %mul3A_872 = arith.mulf %add3A_868, %add3A_868 : vector<16xf32>
        %add3A_873 = arith.addf %add3A_859, %mul3A_872 : vector<16xf32>
        %mul3A_874 = arith.constant 16 : i32
        %mul3A_875 = arith.muli %scan3A_119, %mul3A_874 : i32
        %add3A_876 = arith.constant 4 : i32
        %add3A_877 = arith.addi %mul3A_875, %add3A_876 : i32
        %get3A_878 = arith.index_cast %add3A_877 : i32 to index
        %get3A_879 = arith.constant 48 : index
        %get3A_880 = tpu.vector_load %arg9[%get3A_878, %get3A_879] {strides = array<i32>} : memref<128x128xf32, #tpu.memory_space<vmem>>, vector<1x16xf32>,
        %get3A_881 = vector.shape_cast %get3A_880 : vector<1x16xf32> to vector<16xf32>
        %add3A_882 = arith.addf %get3A_881, %get3A_823 : vector<16xf32>
        %max3A_883 = arith.maximumf %max3A_869, %add3A_882 : vector<16xf32>
        %min3A_884 = arith.minimumf %min3A_870, %add3A_882 : vector<16xf32>
        %add3A_885 = arith.addf %add3A_871, %add3A_882 : vector<16xf32>
        %mul3A_886 = arith.mulf %add3A_882, %add3A_882 : vector<16xf32>
        %add3A_887 = arith.addf %add3A_873, %mul3A_886 : vector<16xf32>
        %mul3A_888 = arith.constant 16 : i32
        %mul3A_889 = arith.muli %scan3A_119, %mul3A_888 : i32
        %add3A_890 = arith.constant 5 : i32
        %add3A_891 = arith.addi %mul3A_889, %add3A_890 : i32
        %get3A_892 = arith.index_cast %add3A_891 : i32 to index
        %get3A_893 = arith.constant 48 : index
        %get3A_894 = tpu.vector_load %arg9[%get3A_892, %get3A_893] {strides = array<i32>} : memref<128x128xf32, #tpu.memory_space<vmem>>, vector<1x16xf32>,
        %get3A_895 = vector.shape_cast %get3A_894 : vector<1x16xf32> to vector<16xf32>
        %add3A_896 = arith.addf %get3A_895, %get3A_823 : vector<16xf32>
        %max3A_897 = arith.maximumf %max3A_883, %add3A_896 : vector<16xf32>
        %min3A_898 = arith.minimumf %min3A_884, %add3A_896 : vector<16xf32>
        %add3A_899 = arith.addf %add3A_885, %add3A_896 : vector<16xf32>
        %mul3A_900 = arith.mulf %add3A_896, %add3A_896 : vector<16xf32>
        %add3A_901 = arith.addf %add3A_887, %mul3A_900 : vector<16xf32>
        %mul3A_902 = arith.constant 16 : i32
        %mul3A_903 = arith.muli %scan3A_119, %mul3A_902 : i32
        %add3A_904 = arith.constant 6 : i32
        %add3A_905 = arith.addi %mul3A_903, %add3A_904 : i32
        %get3A_906 = arith.index_cast %add3A_905 : i32 to index
        %get3A_907 = arith.constant 48 : index
        %get3A_908 = tpu.vector_load %arg9[%get3A_906, %get3A_907] {strides = array<i32>} : memref<128x128xf32, #tpu.memory_space<vmem>>, vector<1x16xf32>,
        %get3A_909 = vector.shape_cast %get3A_908 : vector<1x16xf32> to vector<16xf32>
        %add3A_910 = arith.addf %get3A_909, %get3A_823 : vector<16xf32>
        %max3A_911 = arith.maximumf %max3A_897, %add3A_910 : vector<16xf32>
        %min3A_912 = arith.minimumf %min3A_898, %add3A_910 : vector<16xf32>
        %add3A_913 = arith.addf %add3A_899, %add3A_910 : vector<16xf32>
        %mul3A_914 = arith.mulf %add3A_910, %add3A_910 : vector<16xf32>
        %add3A_915 = arith.addf %add3A_901, %mul3A_914 : vector<16xf32>
        %mul3A_916 = arith.constant 16 : i32
        %mul3A_917 = arith.muli %scan3A_119, %mul3A_916 : i32
        %add3A_918 = arith.constant 7 : i32
        %add3A_919 = arith.addi %mul3A_917, %add3A_918 : i32
        %get3A_920 = arith.index_cast %add3A_919 : i32 to index
        %get3A_921 = arith.constant 48 : index
        %get3A_922 = tpu.vector_load %arg9[%get3A_920, %get3A_921] {strides = array<i32>} : memref<128x128xf32, #tpu.memory_space<vmem>>, vector<1x16xf32>,
        %get3A_923 = vector.shape_cast %get3A_922 : vector<1x16xf32> to vector<16xf32>
        %add3A_924 = arith.addf %get3A_923, %get3A_823 : vector<16xf32>
        %max3A_925 = arith.maximumf %max3A_911, %add3A_924 : vector<16xf32>
        %min3A_926 = arith.minimumf %min3A_912, %add3A_924 : vector<16xf32>
        %add3A_927 = arith.addf %add3A_913, %add3A_924 : vector<16xf32>
        %mul3A_928 = arith.mulf %add3A_924, %add3A_924 : vector<16xf32>
        %add3A_929 = arith.addf %add3A_915, %mul3A_928 : vector<16xf32>
        %mul3A_930 = arith.constant 16 : i32
        %mul3A_931 = arith.muli %scan3A_119, %mul3A_930 : i32
        %add3A_932 = arith.constant 8 : i32
        %add3A_933 = arith.addi %mul3A_931, %add3A_932 : i32
        %get3A_934 = arith.index_cast %add3A_933 : i32 to index
        %get3A_935 = arith.constant 48 : index
        %get3A_936 = tpu.vector_load %arg9[%get3A_934, %get3A_935] {strides = array<i32>} : memref<128x128xf32, #tpu.memory_space<vmem>>, vector<1x16xf32>,
        %get3A_937 = vector.shape_cast %get3A_936 : vector<1x16xf32> to vector<16xf32>
        %add3A_938 = arith.addf %get3A_937, %get3A_823 : vector<16xf32>
        %max3A_939 = arith.maximumf %max3A_925, %add3A_938 : vector<16xf32>
        %min3A_940 = arith.minimumf %min3A_926, %add3A_938 : vector<16xf32>
        %add3A_941 = arith.addf %add3A_927, %add3A_938 : vector<16xf32>
        %mul3A_942 = arith.mulf %add3A_938, %add3A_938 : vector<16xf32>
        %add3A_943 = arith.addf %add3A_929, %mul3A_942 : vector<16xf32>
        %mul3A_944 = arith.constant 16 : i32
        %mul3A_945 = arith.muli %scan3A_119, %mul3A_944 : i32
        %add3A_946 = arith.constant 9 : i32
        %add3A_947 = arith.addi %mul3A_945, %add3A_946 : i32
        %get3A_948 = arith.index_cast %add3A_947 : i32 to index
        %get3A_949 = arith.constant 48 : index
        %get3A_950 = tpu.vector_load %arg9[%get3A_948, %get3A_949] {strides = array<i32>} : memref<128x128xf32, #tpu.memory_space<vmem>>, vector<1x16xf32>,
        %get3A_951 = vector.shape_cast %get3A_950 : vector<1x16xf32> to vector<16xf32>
        %add3A_952 = arith.addf %get3A_951, %get3A_823 : vector<16xf32>
        %max3A_953 = arith.maximumf %max3A_939, %add3A_952 : vector<16xf32>
        %min3A_954 = arith.minimumf %min3A_940, %add3A_952 : vector<16xf32>
        %add3A_955 = arith.addf %add3A_941, %add3A_952 : vector<16xf32>
        %mul3A_956 = arith.mulf %add3A_952, %add3A_952 : vector<16xf32>
        %add3A_957 = arith.addf %add3A_943, %mul3A_956 : vector<16xf32>
        %mul3A_958 = arith.constant 16 : i32
        %mul3A_959 = arith.muli %scan3A_119, %mul3A_958 : i32
        %add3A_960 = arith.constant 10 : i32
        %add3A_961 = arith.addi %mul3A_959, %add3A_960 : i32
        %get3A_962 = arith.index_cast %add3A_961 : i32 to index
        %get3A_963 = arith.constant 48 : index
        %get3A_964 = tpu.vector_load %arg9[%get3A_962, %get3A_963] {strides = array<i32>} : memref<128x128xf32, #tpu.memory_space<vmem>>, vector<1x16xf32>,
        %get3A_965 = vector.shape_cast %get3A_964 : vector<1x16xf32> to vector<16xf32>
        %add3A_966 = arith.addf %get3A_965, %get3A_823 : vector<16xf32>
        %max3A_967 = arith.maximumf %max3A_953, %add3A_966 : vector<16xf32>
        %min3A_968 = arith.minimumf %min3A_954, %add3A_966 : vector<16xf32>
        %add3A_969 = arith.addf %add3A_955, %add3A_966 : vector<16xf32>
        %mul3A_970 = arith.mulf %add3A_966, %add3A_966 : vector<16xf32>
        %add3A_971 = arith.addf %add3A_957, %mul3A_970 : vector<16xf32>
        %mul3A_972 = arith.constant 16 : i32
        %mul3A_973 = arith.muli %scan3A_119, %mul3A_972 : i32
        %add3A_974 = arith.constant 11 : i32
        %add3A_975 = arith.addi %mul3A_973, %add3A_974 : i32
        %get3A_976 = arith.index_cast %add3A_975 : i32 to index
        %get3A_977 = arith.constant 48 : index
        %get3A_978 = tpu.vector_load %arg9[%get3A_976, %get3A_977] {strides = array<i32>} : memref<128x128xf32, #tpu.memory_space<vmem>>, vector<1x16xf32>,
        %get3A_979 = vector.shape_cast %get3A_978 : vector<1x16xf32> to vector<16xf32>
        %add3A_980 = arith.addf %get3A_979, %get3A_823 : vector<16xf32>
        %max3A_981 = arith.maximumf %max3A_967, %add3A_980 : vector<16xf32>
        %min3A_982 = arith.minimumf %min3A_968, %add3A_980 : vector<16xf32>
        %add3A_983 = arith.addf %add3A_969, %add3A_980 : vector<16xf32>
        %mul3A_984 = arith.mulf %add3A_980, %add3A_980 : vector<16xf32>
        %add3A_985 = arith.addf %add3A_971, %mul3A_984 : vector<16xf32>
        %mul3A_986 = arith.constant 16 : i32
        %mul3A_987 = arith.muli %scan3A_119, %mul3A_986 : i32
        %add3A_988 = arith.constant 12 : i32
        %add3A_989 = arith.addi %mul3A_987, %add3A_988 : i32
        %get3A_990 = arith.index_cast %add3A_989 : i32 to index
        %get3A_991 = arith.constant 48 : index
        %get3A_992 = tpu.vector_load %arg9[%get3A_990, %get3A_991] {strides = array<i32>} : memref<128x128xf32, #tpu.memory_space<vmem>>, vector<1x16xf32>,
        %get3A_993 = vector.shape_cast %get3A_992 : vector<1x16xf32> to vector<16xf32>
        %add3A_994 = arith.addf %get3A_993, %get3A_823 : vector<16xf32>
        %max3A_995 = arith.maximumf %max3A_981, %add3A_994 : vector<16xf32>
        %min3A_996 = arith.minimumf %min3A_982, %add3A_994 : vector<16xf32>
        %add3A_997 = arith.addf %add3A_983, %add3A_994 : vector<16xf32>
        %mul3A_998 = arith.mulf %add3A_994, %add3A_994 : vector<16xf32>
        %add3A_999 = arith.addf %add3A_985, %mul3A_998 : vector<16xf32>
        %mul3A_1000 = arith.constant 16 : i32
        %mul3A_1001 = arith.muli %scan3A_119, %mul3A_1000 : i32
        %add3A_1002 = arith.constant 13 : i32
        %add3A_1003 = arith.addi %mul3A_1001, %add3A_1002 : i32
        %get3A_1004 = arith.index_cast %add3A_1003 : i32 to index
        %get3A_1005 = arith.constant 48 : index
        %get3A_1006 = tpu.vector_load %arg9[%get3A_1004, %get3A_1005] {strides = array<i32>} : memref<128x128xf32, #tpu.memory_space<vmem>>, vector<1x16xf32>,
        %get3A_1007 = vector.shape_cast %get3A_1006 : vector<1x16xf32> to vector<16xf32>
        %add3A_1008 = arith.addf %get3A_1007, %get3A_823 : vector<16xf32>
        %max3A_1009 = arith.maximumf %max3A_995, %add3A_1008 : vector<16xf32>
        %min3A_1010 = arith.minimumf %min3A_996, %add3A_1008 : vector<16xf32>
        %add3A_1011 = arith.addf %add3A_997, %add3A_1008 : vector<16xf32>
        %mul3A_1012 = arith.mulf %add3A_1008, %add3A_1008 : vector<16xf32>
        %add3A_1013 = arith.addf %add3A_999, %mul3A_1012 : vector<16xf32>
        %mul3A_1014 = arith.constant 16 : i32
        %mul3A_1015 = arith.muli %scan3A_119, %mul3A_1014 : i32
        %add3A_1016 = arith.constant 14 : i32
        %add3A_1017 = arith.addi %mul3A_1015, %add3A_1016 : i32
        %get3A_1018 = arith.index_cast %add3A_1017 : i32 to index
        %get3A_1019 = arith.constant 48 : index
        %get3A_1020 = tpu.vector_load %arg9[%get3A_1018, %get3A_1019] {strides = array<i32>} : memref<128x128xf32, #tpu.memory_space<vmem>>, vector<1x16xf32>,
        %get3A_1021 = vector.shape_cast %get3A_1020 : vector<1x16xf32> to vector<16xf32>
        %add3A_1022 = arith.addf %get3A_1021, %get3A_823 : vector<16xf32>
        %max3A_1023 = arith.maximumf %max3A_1009, %add3A_1022 : vector<16xf32>
        %min3A_1024 = arith.minimumf %min3A_1010, %add3A_1022 : vector<16xf32>
        %add3A_1025 = arith.addf %add3A_1011, %add3A_1022 : vector<16xf32>
        %mul3A_1026 = arith.mulf %add3A_1022, %add3A_1022 : vector<16xf32>
        %add3A_1027 = arith.addf %add3A_1013, %mul3A_1026 : vector<16xf32>
        %mul3A_1028 = arith.constant 16 : i32
        %mul3A_1029 = arith.muli %scan3A_119, %mul3A_1028 : i32
        %add3A_1030 = arith.constant 15 : i32
        %add3A_1031 = arith.addi %mul3A_1029, %add3A_1030 : i32
        %get3A_1032 = arith.index_cast %add3A_1031 : i32 to index
        %get3A_1033 = arith.constant 48 : index
        %get3A_1034 = tpu.vector_load %arg9[%get3A_1032, %get3A_1033] {strides = array<i32>} : memref<128x128xf32, #tpu.memory_space<vmem>>, vector<1x16xf32>,
        %get3A_1035 = vector.shape_cast %get3A_1034 : vector<1x16xf32> to vector<16xf32>
        %add3A_1036 = arith.addf %get3A_1035, %get3A_823 : vector<16xf32>
        %max3A_1037 = arith.maximumf %max3A_1023, %add3A_1036 : vector<16xf32>
        %min3A_1038 = arith.minimumf %min3A_1024, %add3A_1036 : vector<16xf32>
        %add3A_1039 = arith.addf %add3A_1025, %add3A_1036 : vector<16xf32>
        %mul3A_1040 = arith.mulf %add3A_1036, %add3A_1036 : vector<16xf32>
        %add3A_1041 = arith.addf %add3A_1027, %mul3A_1040 : vector<16xf32>
        %swap3A_1042 = arith.index_cast %scan3A_119 : i32 to index
        %swap3A_1043 = arith.constant 48 : index
        %swap3A_1044 = tpu.vector_load %arg11[%swap3A_1042, %swap3A_1043] {strides = array<i32>} : memref<8x128xf32, #tpu.memory_space<vmem>>, vector<1x16xf32>,
        %swap3A_1045 = vector.shape_cast %swap3A_1044 : vector<1x16xf32> to vector<16xf32>
        %swap3A_1046 = vector.shape_cast %max3A_1037 : vector<16xf32> to vector<1x16xf32>
        tpu.vector_store %arg11[%swap3A_1042, %swap3A_1043], %swap3A_1046 {strides = array<i32>} : memref<8x128xf32, #tpu.memory_space<vmem>>, vector<1x16xf32>,
        %swap3A_1047 = arith.index_cast %scan3A_119 : i32 to index
        %swap3A_1048 = arith.constant 48 : index
        %swap3A_1049 = tpu.vector_load %arg12[%swap3A_1047, %swap3A_1048] {strides = array<i32>} : memref<8x128xf32, #tpu.memory_space<vmem>>, vector<1x16xf32>,
        %swap3A_1050 = vector.shape_cast %swap3A_1049 : vector<1x16xf32> to vector<16xf32>
        %swap3A_1051 = vector.shape_cast %min3A_1038 : vector<16xf32> to vector<1x16xf32>
        tpu.vector_store %arg12[%swap3A_1047, %swap3A_1048], %swap3A_1051 {strides = array<i32>} : memref<8x128xf32, #tpu.memory_space<vmem>>, vector<1x16xf32>,
        %convert_element_type3A_1052 = arith.extui %lt3A_113 : i1 to i32
        %cond3A_1053 = arith.constant 0 : i32
        %cond3A_1054 = arith.cmpi ne, %convert_element_type3A_1052, %cond3A_1053 : i32
        scf.if %cond3A_1054 {
          %get3A_1995 = arith.constant 48 : index
          %get3A_1996 = tpu.vector_load %arg13[%get3A_1995] {strides = array<i32>} : memref<128xf32, #tpu.memory_space<vmem>>, vector<16xf32>,
          %get3A_1997 = vector.shape_cast %get3A_1996 : vector<16xf32> to vector<16xf32>
          %add3A_1998 = arith.addf %get3A_1997, %add3A_1039 : vector<16xf32>
          %swap3A_1999 = arith.constant 48 : index
          %swap3A_2000 = tpu.vector_load %arg13[%swap3A_1999] {strides = array<i32>} : memref<128xf32, #tpu.memory_space<vmem>>, vector<16xf32>,
          %swap3A_2001 = vector.shape_cast %swap3A_2000 : vector<16xf32> to vector<16xf32>
          %swap3A_2002 = vector.shape_cast %add3A_1998 : vector<16xf32> to vector<16xf32>
          tpu.vector_store %arg13[%swap3A_1999], %swap3A_2002 {strides = array<i32>} : memref<128xf32, #tpu.memory_space<vmem>>, vector<16xf32>,
          %get3A_2003 = arith.constant 48 : index
          %get3A_2004 = tpu.vector_load %arg14[%get3A_2003] {strides = array<i32>} : memref<128xf32, #tpu.memory_space<vmem>>, vector<16xf32>,
          %get3A_2005 = vector.shape_cast %get3A_2004 : vector<16xf32> to vector<16xf32>
          %add3A_2006 = arith.addf %get3A_2005, %add3A_1041 : vector<16xf32>
          %swap3A_2007 = arith.constant 48 : index
          %swap3A_2008 = tpu.vector_load %arg14[%swap3A_2007] {strides = array<i32>} : memref<128xf32, #tpu.memory_space<vmem>>, vector<16xf32>,
          %swap3A_2009 = vector.shape_cast %swap3A_2008 : vector<16xf32> to vector<16xf32>
          %swap3A_2010 = vector.shape_cast %add3A_2006 : vector<16xf32> to vector<16xf32>
          tpu.vector_store %arg14[%swap3A_2007], %swap3A_2010 {strides = array<i32>} : memref<128xf32, #tpu.memory_space<vmem>>, vector<16xf32>,
        } else {
        }
        %get3A_1055 = arith.index_cast %scan3A_119 : i32 to index
        %get3A_1056 = arith.constant 64 : index
        %get3A_1057 = tpu.vector_load %arg10[%get3A_1055, %get3A_1056] {strides = array<i32>} : memref<8x128xf32, #tpu.memory_space<vmem>>, vector<1x16xf32>,
        %get3A_1058 = vector.shape_cast %get3A_1057 : vector<1x16xf32> to vector<16xf32>
        %mul3A_1059 = arith.constant 16 : i32
        %mul3A_1060 = arith.muli %scan3A_119, %mul3A_1059 : i32
        %get3A_1061 = arith.index_cast %mul3A_1060 : i32 to index
        %get3A_1062 = arith.constant 64 : index
        %get3A_1063 = tpu.vector_load %arg9[%get3A_1061, %get3A_1062] {strides = array<i32>} : memref<128x128xf32, #tpu.memory_space<vmem>>, vector<1x16xf32>,
        %get3A_1064 = vector.shape_cast %get3A_1063 : vector<1x16xf32> to vector<16xf32>
        %add3A_1065 = arith.addf %get3A_1064, %get3A_1058 : vector<16xf32>
        %mul3A_1066 = arith.mulf %add3A_1065, %add3A_1065 : vector<16xf32>
        %mul3A_1067 = arith.constant 16 : i32
        %mul3A_1068 = arith.muli %scan3A_119, %mul3A_1067 : i32
        %add3A_1069 = arith.constant 1 : i32
        %add3A_1070 = arith.addi %mul3A_1068, %add3A_1069 : i32
        %get3A_1071 = arith.index_cast %add3A_1070 : i32 to index
        %get3A_1072 = arith.constant 64 : index
        %get3A_1073 = tpu.vector_load %arg9[%get3A_1071, %get3A_1072] {strides = array<i32>} : memref<128x128xf32, #tpu.memory_space<vmem>>, vector<1x16xf32>,
        %get3A_1074 = vector.shape_cast %get3A_1073 : vector<1x16xf32> to vector<16xf32>
        %add3A_1075 = arith.addf %get3A_1074, %get3A_1058 : vector<16xf32>
        %max3A_1076 = arith.maximumf %add3A_1065, %add3A_1075 : vector<16xf32>
        %min3A_1077 = arith.minimumf %add3A_1065, %add3A_1075 : vector<16xf32>
        %add3A_1078 = arith.addf %add3A_1065, %add3A_1075 : vector<16xf32>
        %mul3A_1079 = arith.mulf %add3A_1075, %add3A_1075 : vector<16xf32>
        %add3A_1080 = arith.addf %mul3A_1066, %mul3A_1079 : vector<16xf32>
        %mul3A_1081 = arith.constant 16 : i32
        %mul3A_1082 = arith.muli %scan3A_119, %mul3A_1081 : i32
        %add3A_1083 = arith.constant 2 : i32
        %add3A_1084 = arith.addi %mul3A_1082, %add3A_1083 : i32
        %get3A_1085 = arith.index_cast %add3A_1084 : i32 to index
        %get3A_1086 = arith.constant 64 : index
        %get3A_1087 = tpu.vector_load %arg9[%get3A_1085, %get3A_1086] {strides = array<i32>} : memref<128x128xf32, #tpu.memory_space<vmem>>, vector<1x16xf32>,
        %get3A_1088 = vector.shape_cast %get3A_1087 : vector<1x16xf32> to vector<16xf32>
        %add3A_1089 = arith.addf %get3A_1088, %get3A_1058 : vector<16xf32>
        %max3A_1090 = arith.maximumf %max3A_1076, %add3A_1089 : vector<16xf32>
        %min3A_1091 = arith.minimumf %min3A_1077, %add3A_1089 : vector<16xf32>
        %add3A_1092 = arith.addf %add3A_1078, %add3A_1089 : vector<16xf32>
        %mul3A_1093 = arith.mulf %add3A_1089, %add3A_1089 : vector<16xf32>
        %add3A_1094 = arith.addf %add3A_1080, %mul3A_1093 : vector<16xf32>
        %mul3A_1095 = arith.constant 16 : i32
        %mul3A_1096 = arith.muli %scan3A_119, %mul3A_1095 : i32
        %add3A_1097 = arith.constant 3 : i32
        %add3A_1098 = arith.addi %mul3A_1096, %add3A_1097 : i32
        %get3A_1099 = arith.index_cast %add3A_1098 : i32 to index
        %get3A_1100 = arith.constant 64 : index
        %get3A_1101 = tpu.vector_load %arg9[%get3A_1099, %get3A_1100] {strides = array<i32>} : memref<128x128xf32, #tpu.memory_space<vmem>>, vector<1x16xf32>,
        %get3A_1102 = vector.shape_cast %get3A_1101 : vector<1x16xf32> to vector<16xf32>
        %add3A_1103 = arith.addf %get3A_1102, %get3A_1058 : vector<16xf32>
        %max3A_1104 = arith.maximumf %max3A_1090, %add3A_1103 : vector<16xf32>
        %min3A_1105 = arith.minimumf %min3A_1091, %add3A_1103 : vector<16xf32>
        %add3A_1106 = arith.addf %add3A_1092, %add3A_1103 : vector<16xf32>
        %mul3A_1107 = arith.mulf %add3A_1103, %add3A_1103 : vector<16xf32>
        %add3A_1108 = arith.addf %add3A_1094, %mul3A_1107 : vector<16xf32>
        %mul3A_1109 = arith.constant 16 : i32
        %mul3A_1110 = arith.muli %scan3A_119, %mul3A_1109 : i32
        %add3A_1111 = arith.constant 4 : i32
        %add3A_1112 = arith.addi %mul3A_1110, %add3A_1111 : i32
        %get3A_1113 = arith.index_cast %add3A_1112 : i32 to index
        %get3A_1114 = arith.constant 64 : index
        %get3A_1115 = tpu.vector_load %arg9[%get3A_1113, %get3A_1114] {strides = array<i32>} : memref<128x128xf32, #tpu.memory_space<vmem>>, vector<1x16xf32>,
        %get3A_1116 = vector.shape_cast %get3A_1115 : vector<1x16xf32> to vector<16xf32>
        %add3A_1117 = arith.addf %get3A_1116, %get3A_1058 : vector<16xf32>
        %max3A_1118 = arith.maximumf %max3A_1104, %add3A_1117 : vector<16xf32>
        %min3A_1119 = arith.minimumf %min3A_1105, %add3A_1117 : vector<16xf32>
        %add3A_1120 = arith.addf %add3A_1106, %add3A_1117 : vector<16xf32>
        %mul3A_1121 = arith.mulf %add3A_1117, %add3A_1117 : vector<16xf32>
        %add3A_1122 = arith.addf %add3A_1108, %mul3A_1121 : vector<16xf32>
        %mul3A_1123 = arith.constant 16 : i32
        %mul3A_1124 = arith.muli %scan3A_119, %mul3A_1123 : i32
        %add3A_1125 = arith.constant 5 : i32
        %add3A_1126 = arith.addi %mul3A_1124, %add3A_1125 : i32
        %get3A_1127 = arith.index_cast %add3A_1126 : i32 to index
        %get3A_1128 = arith.constant 64 : index
        %get3A_1129 = tpu.vector_load %arg9[%get3A_1127, %get3A_1128] {strides = array<i32>} : memref<128x128xf32, #tpu.memory_space<vmem>>, vector<1x16xf32>,
        %get3A_1130 = vector.shape_cast %get3A_1129 : vector<1x16xf32> to vector<16xf32>
        %add3A_1131 = arith.addf %get3A_1130, %get3A_1058 : vector<16xf32>
        %max3A_1132 = arith.maximumf %max3A_1118, %add3A_1131 : vector<16xf32>
        %min3A_1133 = arith.minimumf %min3A_1119, %add3A_1131 : vector<16xf32>
        %add3A_1134 = arith.addf %add3A_1120, %add3A_1131 : vector<16xf32>
        %mul3A_1135 = arith.mulf %add3A_1131, %add3A_1131 : vector<16xf32>
        %add3A_1136 = arith.addf %add3A_1122, %mul3A_1135 : vector<16xf32>
        %mul3A_1137 = arith.constant 16 : i32
        %mul3A_1138 = arith.muli %scan3A_119, %mul3A_1137 : i32
        %add3A_1139 = arith.constant 6 : i32
        %add3A_1140 = arith.addi %mul3A_1138, %add3A_1139 : i32
        %get3A_1141 = arith.index_cast %add3A_1140 : i32 to index
        %get3A_1142 = arith.constant 64 : index
        %get3A_1143 = tpu.vector_load %arg9[%get3A_1141, %get3A_1142] {strides = array<i32>} : memref<128x128xf32, #tpu.memory_space<vmem>>, vector<1x16xf32>,
        %get3A_1144 = vector.shape_cast %get3A_1143 : vector<1x16xf32> to vector<16xf32>
        %add3A_1145 = arith.addf %get3A_1144, %get3A_1058 : vector<16xf32>
        %max3A_1146 = arith.maximumf %max3A_1132, %add3A_1145 : vector<16xf32>
        %min3A_1147 = arith.minimumf %min3A_1133, %add3A_1145 : vector<16xf32>
        %add3A_1148 = arith.addf %add3A_1134, %add3A_1145 : vector<16xf32>
        %mul3A_1149 = arith.mulf %add3A_1145, %add3A_1145 : vector<16xf32>
        %add3A_1150 = arith.addf %add3A_1136, %mul3A_1149 : vector<16xf32>
        %mul3A_1151 = arith.constant 16 : i32
        %mul3A_1152 = arith.muli %scan3A_119, %mul3A_1151 : i32
        %add3A_1153 = arith.constant 7 : i32
        %add3A_1154 = arith.addi %mul3A_1152, %add3A_1153 : i32
        %get3A_1155 = arith.index_cast %add3A_1154 : i32 to index
        %get3A_1156 = arith.constant 64 : index
        %get3A_1157 = tpu.vector_load %arg9[%get3A_1155, %get3A_1156] {strides = array<i32>} : memref<128x128xf32, #tpu.memory_space<vmem>>, vector<1x16xf32>,
        %get3A_1158 = vector.shape_cast %get3A_1157 : vector<1x16xf32> to vector<16xf32>
        %add3A_1159 = arith.addf %get3A_1158, %get3A_1058 : vector<16xf32>
        %max3A_1160 = arith.maximumf %max3A_1146, %add3A_1159 : vector<16xf32>
        %min3A_1161 = arith.minimumf %min3A_1147, %add3A_1159 : vector<16xf32>
        %add3A_1162 = arith.addf %add3A_1148, %add3A_1159 : vector<16xf32>
        %mul3A_1163 = arith.mulf %add3A_1159, %add3A_1159 : vector<16xf32>
        %add3A_1164 = arith.addf %add3A_1150, %mul3A_1163 : vector<16xf32>
        %mul3A_1165 = arith.constant 16 : i32
        %mul3A_1166 = arith.muli %scan3A_119, %mul3A_1165 : i32
        %add3A_1167 = arith.constant 8 : i32
        %add3A_1168 = arith.addi %mul3A_1166, %add3A_1167 : i32
        %get3A_1169 = arith.index_cast %add3A_1168 : i32 to index
        %get3A_1170 = arith.constant 64 : index
        %get3A_1171 = tpu.vector_load %arg9[%get3A_1169, %get3A_1170] {strides = array<i32>} : memref<128x128xf32, #tpu.memory_space<vmem>>, vector<1x16xf32>,
        %get3A_1172 = vector.shape_cast %get3A_1171 : vector<1x16xf32> to vector<16xf32>
        %add3A_1173 = arith.addf %get3A_1172, %get3A_1058 : vector<16xf32>
        %max3A_1174 = arith.maximumf %max3A_1160, %add3A_1173 : vector<16xf32>
        %min3A_1175 = arith.minimumf %min3A_1161, %add3A_1173 : vector<16xf32>
        %add3A_1176 = arith.addf %add3A_1162, %add3A_1173 : vector<16xf32>
        %mul3A_1177 = arith.mulf %add3A_1173, %add3A_1173 : vector<16xf32>
        %add3A_1178 = arith.addf %add3A_1164, %mul3A_1177 : vector<16xf32>
        %mul3A_1179 = arith.constant 16 : i32
        %mul3A_1180 = arith.muli %scan3A_119, %mul3A_1179 : i32
        %add3A_1181 = arith.constant 9 : i32
        %add3A_1182 = arith.addi %mul3A_1180, %add3A_1181 : i32
        %get3A_1183 = arith.index_cast %add3A_1182 : i32 to index
        %get3A_1184 = arith.constant 64 : index
        %get3A_1185 = tpu.vector_load %arg9[%get3A_1183, %get3A_1184] {strides = array<i32>} : memref<128x128xf32, #tpu.memory_space<vmem>>, vector<1x16xf32>,
        %get3A_1186 = vector.shape_cast %get3A_1185 : vector<1x16xf32> to vector<16xf32>
        %add3A_1187 = arith.addf %get3A_1186, %get3A_1058 : vector<16xf32>
        %max3A_1188 = arith.maximumf %max3A_1174, %add3A_1187 : vector<16xf32>
        %min3A_1189 = arith.minimumf %min3A_1175, %add3A_1187 : vector<16xf32>
        %add3A_1190 = arith.addf %add3A_1176, %add3A_1187 : vector<16xf32>
        %mul3A_1191 = arith.mulf %add3A_1187, %add3A_1187 : vector<16xf32>
        %add3A_1192 = arith.addf %add3A_1178, %mul3A_1191 : vector<16xf32>
        %mul3A_1193 = arith.constant 16 : i32
        %mul3A_1194 = arith.muli %scan3A_119, %mul3A_1193 : i32
        %add3A_1195 = arith.constant 10 : i32
        %add3A_1196 = arith.addi %mul3A_1194, %add3A_1195 : i32
        %get3A_1197 = arith.index_cast %add3A_1196 : i32 to index
        %get3A_1198 = arith.constant 64 : index
        %get3A_1199 = tpu.vector_load %arg9[%get3A_1197, %get3A_1198] {strides = array<i32>} : memref<128x128xf32, #tpu.memory_space<vmem>>, vector<1x16xf32>,
        %get3A_1200 = vector.shape_cast %get3A_1199 : vector<1x16xf32> to vector<16xf32>
        %add3A_1201 = arith.addf %get3A_1200, %get3A_1058 : vector<16xf32>
        %max3A_1202 = arith.maximumf %max3A_1188, %add3A_1201 : vector<16xf32>
        %min3A_1203 = arith.minimumf %min3A_1189, %add3A_1201 : vector<16xf32>
        %add3A_1204 = arith.addf %add3A_1190, %add3A_1201 : vector<16xf32>
        %mul3A_1205 = arith.mulf %add3A_1201, %add3A_1201 : vector<16xf32>
        %add3A_1206 = arith.addf %add3A_1192, %mul3A_1205 : vector<16xf32>
        %mul3A_1207 = arith.constant 16 : i32
        %mul3A_1208 = arith.muli %scan3A_119, %mul3A_1207 : i32
        %add3A_1209 = arith.constant 11 : i32
        %add3A_1210 = arith.addi %mul3A_1208, %add3A_1209 : i32
        %get3A_1211 = arith.index_cast %add3A_1210 : i32 to index
        %get3A_1212 = arith.constant 64 : index
        %get3A_1213 = tpu.vector_load %arg9[%get3A_1211, %get3A_1212] {strides = array<i32>} : memref<128x128xf32, #tpu.memory_space<vmem>>, vector<1x16xf32>,
        %get3A_1214 = vector.shape_cast %get3A_1213 : vector<1x16xf32> to vector<16xf32>
        %add3A_1215 = arith.addf %get3A_1214, %get3A_1058 : vector<16xf32>
        %max3A_1216 = arith.maximumf %max3A_1202, %add3A_1215 : vector<16xf32>
        %min3A_1217 = arith.minimumf %min3A_1203, %add3A_1215 : vector<16xf32>
        %add3A_1218 = arith.addf %add3A_1204, %add3A_1215 : vector<16xf32>
        %mul3A_1219 = arith.mulf %add3A_1215, %add3A_1215 : vector<16xf32>
        %add3A_1220 = arith.addf %add3A_1206, %mul3A_1219 : vector<16xf32>
        %mul3A_1221 = arith.constant 16 : i32
        %mul3A_1222 = arith.muli %scan3A_119, %mul3A_1221 : i32
        %add3A_1223 = arith.constant 12 : i32
        %add3A_1224 = arith.addi %mul3A_1222, %add3A_1223 : i32
        %get3A_1225 = arith.index_cast %add3A_1224 : i32 to index
        %get3A_1226 = arith.constant 64 : index
        %get3A_1227 = tpu.vector_load %arg9[%get3A_1225, %get3A_1226] {strides = array<i32>} : memref<128x128xf32, #tpu.memory_space<vmem>>, vector<1x16xf32>,
        %get3A_1228 = vector.shape_cast %get3A_1227 : vector<1x16xf32> to vector<16xf32>
        %add3A_1229 = arith.addf %get3A_1228, %get3A_1058 : vector<16xf32>
        %max3A_1230 = arith.maximumf %max3A_1216, %add3A_1229 : vector<16xf32>
        %min3A_1231 = arith.minimumf %min3A_1217, %add3A_1229 : vector<16xf32>
        %add3A_1232 = arith.addf %add3A_1218, %add3A_1229 : vector<16xf32>
        %mul3A_1233 = arith.mulf %add3A_1229, %add3A_1229 : vector<16xf32>
        %add3A_1234 = arith.addf %add3A_1220, %mul3A_1233 : vector<16xf32>
        %mul3A_1235 = arith.constant 16 : i32
        %mul3A_1236 = arith.muli %scan3A_119, %mul3A_1235 : i32
        %add3A_1237 = arith.constant 13 : i32
        %add3A_1238 = arith.addi %mul3A_1236, %add3A_1237 : i32
        %get3A_1239 = arith.index_cast %add3A_1238 : i32 to index
        %get3A_1240 = arith.constant 64 : index
        %get3A_1241 = tpu.vector_load %arg9[%get3A_1239, %get3A_1240] {strides = array<i32>} : memref<128x128xf32, #tpu.memory_space<vmem>>, vector<1x16xf32>,
        %get3A_1242 = vector.shape_cast %get3A_1241 : vector<1x16xf32> to vector<16xf32>
        %add3A_1243 = arith.addf %get3A_1242, %get3A_1058 : vector<16xf32>
        %max3A_1244 = arith.maximumf %max3A_1230, %add3A_1243 : vector<16xf32>
        %min3A_1245 = arith.minimumf %min3A_1231, %add3A_1243 : vector<16xf32>
        %add3A_1246 = arith.addf %add3A_1232, %add3A_1243 : vector<16xf32>
        %mul3A_1247 = arith.mulf %add3A_1243, %add3A_1243 : vector<16xf32>
        %add3A_1248 = arith.addf %add3A_1234, %mul3A_1247 : vector<16xf32>
        %mul3A_1249 = arith.constant 16 : i32
        %mul3A_1250 = arith.muli %scan3A_119, %mul3A_1249 : i32
        %add3A_1251 = arith.constant 14 : i32
        %add3A_1252 = arith.addi %mul3A_1250, %add3A_1251 : i32
        %get3A_1253 = arith.index_cast %add3A_1252 : i32 to index
        %get3A_1254 = arith.constant 64 : index
        %get3A_1255 = tpu.vector_load %arg9[%get3A_1253, %get3A_1254] {strides = array<i32>} : memref<128x128xf32, #tpu.memory_space<vmem>>, vector<1x16xf32>,
        %get3A_1256 = vector.shape_cast %get3A_1255 : vector<1x16xf32> to vector<16xf32>
        %add3A_1257 = arith.addf %get3A_1256, %get3A_1058 : vector<16xf32>
        %max3A_1258 = arith.maximumf %max3A_1244, %add3A_1257 : vector<16xf32>
        %min3A_1259 = arith.minimumf %min3A_1245, %add3A_1257 : vector<16xf32>
        %add3A_1260 = arith.addf %add3A_1246, %add3A_1257 : vector<16xf32>
        %mul3A_1261 = arith.mulf %add3A_1257, %add3A_1257 : vector<16xf32>
        %add3A_1262 = arith.addf %add3A_1248, %mul3A_1261 : vector<16xf32>
        %mul3A_1263 = arith.constant 16 : i32
        %mul3A_1264 = arith.muli %scan3A_119, %mul3A_1263 : i32
        %add3A_1265 = arith.constant 15 : i32
        %add3A_1266 = arith.addi %mul3A_1264, %add3A_1265 : i32
        %get3A_1267 = arith.index_cast %add3A_1266 : i32 to index
        %get3A_1268 = arith.constant 64 : index
        %get3A_1269 = tpu.vector_load %arg9[%get3A_1267, %get3A_1268] {strides = array<i32>} : memref<128x128xf32, #tpu.memory_space<vmem>>, vector<1x16xf32>,
        %get3A_1270 = vector.shape_cast %get3A_1269 : vector<1x16xf32> to vector<16xf32>
        %add3A_1271 = arith.addf %get3A_1270, %get3A_1058 : vector<16xf32>
        %max3A_1272 = arith.maximumf %max3A_1258, %add3A_1271 : vector<16xf32>
        %min3A_1273 = arith.minimumf %min3A_1259, %add3A_1271 : vector<16xf32>
        %add3A_1274 = arith.addf %add3A_1260, %add3A_1271 : vector<16xf32>
        %mul3A_1275 = arith.mulf %add3A_1271, %add3A_1271 : vector<16xf32>
        %add3A_1276 = arith.addf %add3A_1262, %mul3A_1275 : vector<16xf32>
        %swap3A_1277 = arith.index_cast %scan3A_119 : i32 to index
        %swap3A_1278 = arith.constant 64 : index
        %swap3A_1279 = tpu.vector_load %arg11[%swap3A_1277, %swap3A_1278] {strides = array<i32>} : memref<8x128xf32, #tpu.memory_space<vmem>>, vector<1x16xf32>,
        %swap3A_1280 = vector.shape_cast %swap3A_1279 : vector<1x16xf32> to vector<16xf32>
        %swap3A_1281 = vector.shape_cast %max3A_1272 : vector<16xf32> to vector<1x16xf32>
        tpu.vector_store %arg11[%swap3A_1277, %swap3A_1278], %swap3A_1281 {strides = array<i32>} : memref<8x128xf32, #tpu.memory_space<vmem>>, vector<1x16xf32>,
        %swap3A_1282 = arith.index_cast %scan3A_119 : i32 to index
        %swap3A_1283 = arith.constant 64 : index
        %swap3A_1284 = tpu.vector_load %arg12[%swap3A_1282, %swap3A_1283] {strides = array<i32>} : memref<8x128xf32, #tpu.memory_space<vmem>>, vector<1x16xf32>,
        %swap3A_1285 = vector.shape_cast %swap3A_1284 : vector<1x16xf32> to vector<16xf32>
        %swap3A_1286 = vector.shape_cast %min3A_1273 : vector<16xf32> to vector<1x16xf32>
        tpu.vector_store %arg12[%swap3A_1282, %swap3A_1283], %swap3A_1286 {strides = array<i32>} : memref<8x128xf32, #tpu.memory_space<vmem>>, vector<1x16xf32>,
        %convert_element_type3A_1287 = arith.extui %lt3A_113 : i1 to i32
        %cond3A_1288 = arith.constant 0 : i32
        %cond3A_1289 = arith.cmpi ne, %convert_element_type3A_1287, %cond3A_1288 : i32
        scf.if %cond3A_1289 {
          %get3A_1995 = arith.constant 64 : index
          %get3A_1996 = tpu.vector_load %arg13[%get3A_1995] {strides = array<i32>} : memref<128xf32, #tpu.memory_space<vmem>>, vector<16xf32>,
          %get3A_1997 = vector.shape_cast %get3A_1996 : vector<16xf32> to vector<16xf32>
          %add3A_1998 = arith.addf %get3A_1997, %add3A_1274 : vector<16xf32>
          %swap3A_1999 = arith.constant 64 : index
          %swap3A_2000 = tpu.vector_load %arg13[%swap3A_1999] {strides = array<i32>} : memref<128xf32, #tpu.memory_space<vmem>>, vector<16xf32>,
          %swap3A_2001 = vector.shape_cast %swap3A_2000 : vector<16xf32> to vector<16xf32>
          %swap3A_2002 = vector.shape_cast %add3A_1998 : vector<16xf32> to vector<16xf32>
          tpu.vector_store %arg13[%swap3A_1999], %swap3A_2002 {strides = array<i32>} : memref<128xf32, #tpu.memory_space<vmem>>, vector<16xf32>,
          %get3A_2003 = arith.constant 64 : index
          %get3A_2004 = tpu.vector_load %arg14[%get3A_2003] {strides = array<i32>} : memref<128xf32, #tpu.memory_space<vmem>>, vector<16xf32>,
          %get3A_2005 = vector.shape_cast %get3A_2004 : vector<16xf32> to vector<16xf32>
          %add3A_2006 = arith.addf %get3A_2005, %add3A_1276 : vector<16xf32>
          %swap3A_2007 = arith.constant 64 : index
          %swap3A_2008 = tpu.vector_load %arg14[%swap3A_2007] {strides = array<i32>} : memref<128xf32, #tpu.memory_space<vmem>>, vector<16xf32>,
          %swap3A_2009 = vector.shape_cast %swap3A_2008 : vector<16xf32> to vector<16xf32>
          %swap3A_2010 = vector.shape_cast %add3A_2006 : vector<16xf32> to vector<16xf32>
          tpu.vector_store %arg14[%swap3A_2007], %swap3A_2010 {strides = array<i32>} : memref<128xf32, #tpu.memory_space<vmem>>, vector<16xf32>,
        } else {
        }
        %get3A_1290 = arith.index_cast %scan3A_119 : i32 to index
        %get3A_1291 = arith.constant 80 : index
        %get3A_1292 = tpu.vector_load %arg10[%get3A_1290, %get3A_1291] {strides = array<i32>} : memref<8x128xf32, #tpu.memory_space<vmem>>, vector<1x16xf32>,
        %get3A_1293 = vector.shape_cast %get3A_1292 : vector<1x16xf32> to vector<16xf32>
        %mul3A_1294 = arith.constant 16 : i32
        %mul3A_1295 = arith.muli %scan3A_119, %mul3A_1294 : i32
        %get3A_1296 = arith.index_cast %mul3A_1295 : i32 to index
        %get3A_1297 = arith.constant 80 : index
        %get3A_1298 = tpu.vector_load %arg9[%get3A_1296, %get3A_1297] {strides = array<i32>} : memref<128x128xf32, #tpu.memory_space<vmem>>, vector<1x16xf32>,
        %get3A_1299 = vector.shape_cast %get3A_1298 : vector<1x16xf32> to vector<16xf32>
        %add3A_1300 = arith.addf %get3A_1299, %get3A_1293 : vector<16xf32>
        %mul3A_1301 = arith.mulf %add3A_1300, %add3A_1300 : vector<16xf32>
        %mul3A_1302 = arith.constant 16 : i32
        %mul3A_1303 = arith.muli %scan3A_119, %mul3A_1302 : i32
        %add3A_1304 = arith.constant 1 : i32
        %add3A_1305 = arith.addi %mul3A_1303, %add3A_1304 : i32
        %get3A_1306 = arith.index_cast %add3A_1305 : i32 to index
        %get3A_1307 = arith.constant 80 : index
        %get3A_1308 = tpu.vector_load %arg9[%get3A_1306, %get3A_1307] {strides = array<i32>} : memref<128x128xf32, #tpu.memory_space<vmem>>, vector<1x16xf32>,
        %get3A_1309 = vector.shape_cast %get3A_1308 : vector<1x16xf32> to vector<16xf32>
        %add3A_1310 = arith.addf %get3A_1309, %get3A_1293 : vector<16xf32>
        %max3A_1311 = arith.maximumf %add3A_1300, %add3A_1310 : vector<16xf32>
        %min3A_1312 = arith.minimumf %add3A_1300, %add3A_1310 : vector<16xf32>
        %add3A_1313 = arith.addf %add3A_1300, %add3A_1310 : vector<16xf32>
        %mul3A_1314 = arith.mulf %add3A_1310, %add3A_1310 : vector<16xf32>
        %add3A_1315 = arith.addf %mul3A_1301, %mul3A_1314 : vector<16xf32>
        %mul3A_1316 = arith.constant 16 : i32
        %mul3A_1317 = arith.muli %scan3A_119, %mul3A_1316 : i32
        %add3A_1318 = arith.constant 2 : i32
        %add3A_1319 = arith.addi %mul3A_1317, %add3A_1318 : i32
        %get3A_1320 = arith.index_cast %add3A_1319 : i32 to index
        %get3A_1321 = arith.constant 80 : index
        %get3A_1322 = tpu.vector_load %arg9[%get3A_1320, %get3A_1321] {strides = array<i32>} : memref<128x128xf32, #tpu.memory_space<vmem>>, vector<1x16xf32>,
        %get3A_1323 = vector.shape_cast %get3A_1322 : vector<1x16xf32> to vector<16xf32>
        %add3A_1324 = arith.addf %get3A_1323, %get3A_1293 : vector<16xf32>
        %max3A_1325 = arith.maximumf %max3A_1311, %add3A_1324 : vector<16xf32>
        %min3A_1326 = arith.minimumf %min3A_1312, %add3A_1324 : vector<16xf32>
        %add3A_1327 = arith.addf %add3A_1313, %add3A_1324 : vector<16xf32>
        %mul3A_1328 = arith.mulf %add3A_1324, %add3A_1324 : vector<16xf32>
        %add3A_1329 = arith.addf %add3A_1315, %mul3A_1328 : vector<16xf32>
        %mul3A_1330 = arith.constant 16 : i32
        %mul3A_1331 = arith.muli %scan3A_119, %mul3A_1330 : i32
        %add3A_1332 = arith.constant 3 : i32
        %add3A_1333 = arith.addi %mul3A_1331, %add3A_1332 : i32
        %get3A_1334 = arith.index_cast %add3A_1333 : i32 to index
        %get3A_1335 = arith.constant 80 : index
        %get3A_1336 = tpu.vector_load %arg9[%get3A_1334, %get3A_1335] {strides = array<i32>} : memref<128x128xf32, #tpu.memory_space<vmem>>, vector<1x16xf32>,
        %get3A_1337 = vector.shape_cast %get3A_1336 : vector<1x16xf32> to vector<16xf32>
        %add3A_1338 = arith.addf %get3A_1337, %get3A_1293 : vector<16xf32>
        %max3A_1339 = arith.maximumf %max3A_1325, %add3A_1338 : vector<16xf32>
        %min3A_1340 = arith.minimumf %min3A_1326, %add3A_1338 : vector<16xf32>
        %add3A_1341 = arith.addf %add3A_1327, %add3A_1338 : vector<16xf32>
        %mul3A_1342 = arith.mulf %add3A_1338, %add3A_1338 : vector<16xf32>
        %add3A_1343 = arith.addf %add3A_1329, %mul3A_1342 : vector<16xf32>
        %mul3A_1344 = arith.constant 16 : i32
        %mul3A_1345 = arith.muli %scan3A_119, %mul3A_1344 : i32
        %add3A_1346 = arith.constant 4 : i32
        %add3A_1347 = arith.addi %mul3A_1345, %add3A_1346 : i32
        %get3A_1348 = arith.index_cast %add3A_1347 : i32 to index
        %get3A_1349 = arith.constant 80 : index
        %get3A_1350 = tpu.vector_load %arg9[%get3A_1348, %get3A_1349] {strides = array<i32>} : memref<128x128xf32, #tpu.memory_space<vmem>>, vector<1x16xf32>,
        %get3A_1351 = vector.shape_cast %get3A_1350 : vector<1x16xf32> to vector<16xf32>
        %add3A_1352 = arith.addf %get3A_1351, %get3A_1293 : vector<16xf32>
        %max3A_1353 = arith.maximumf %max3A_1339, %add3A_1352 : vector<16xf32>
        %min3A_1354 = arith.minimumf %min3A_1340, %add3A_1352 : vector<16xf32>
        %add3A_1355 = arith.addf %add3A_1341, %add3A_1352 : vector<16xf32>
        %mul3A_1356 = arith.mulf %add3A_1352, %add3A_1352 : vector<16xf32>
        %add3A_1357 = arith.addf %add3A_1343, %mul3A_1356 : vector<16xf32>
        %mul3A_1358 = arith.constant 16 : i32
        %mul3A_1359 = arith.muli %scan3A_119, %mul3A_1358 : i32
        %add3A_1360 = arith.constant 5 : i32
        %add3A_1361 = arith.addi %mul3A_1359, %add3A_1360 : i32
        %get3A_1362 = arith.index_cast %add3A_1361 : i32 to index
        %get3A_1363 = arith.constant 80 : index
        %get3A_1364 = tpu.vector_load %arg9[%get3A_1362, %get3A_1363] {strides = array<i32>} : memref<128x128xf32, #tpu.memory_space<vmem>>, vector<1x16xf32>,
        %get3A_1365 = vector.shape_cast %get3A_1364 : vector<1x16xf32> to vector<16xf32>
        %add3A_1366 = arith.addf %get3A_1365, %get3A_1293 : vector<16xf32>
        %max3A_1367 = arith.maximumf %max3A_1353, %add3A_1366 : vector<16xf32>
        %min3A_1368 = arith.minimumf %min3A_1354, %add3A_1366 : vector<16xf32>
        %add3A_1369 = arith.addf %add3A_1355, %add3A_1366 : vector<16xf32>
        %mul3A_1370 = arith.mulf %add3A_1366, %add3A_1366 : vector<16xf32>
        %add3A_1371 = arith.addf %add3A_1357, %mul3A_1370 : vector<16xf32>
        %mul3A_1372 = arith.constant 16 : i32
        %mul3A_1373 = arith.muli %scan3A_119, %mul3A_1372 : i32
        %add3A_1374 = arith.constant 6 : i32
        %add3A_1375 = arith.addi %mul3A_1373, %add3A_1374 : i32
        %get3A_1376 = arith.index_cast %add3A_1375 : i32 to index
        %get3A_1377 = arith.constant 80 : index
        %get3A_1378 = tpu.vector_load %arg9[%get3A_1376, %get3A_1377] {strides = array<i32>} : memref<128x128xf32, #tpu.memory_space<vmem>>, vector<1x16xf32>,
        %get3A_1379 = vector.shape_cast %get3A_1378 : vector<1x16xf32> to vector<16xf32>
        %add3A_1380 = arith.addf %get3A_1379, %get3A_1293 : vector<16xf32>
        %max3A_1381 = arith.maximumf %max3A_1367, %add3A_1380 : vector<16xf32>
        %min3A_1382 = arith.minimumf %min3A_1368, %add3A_1380 : vector<16xf32>
        %add3A_1383 = arith.addf %add3A_1369, %add3A_1380 : vector<16xf32>
        %mul3A_1384 = arith.mulf %add3A_1380, %add3A_1380 : vector<16xf32>
        %add3A_1385 = arith.addf %add3A_1371, %mul3A_1384 : vector<16xf32>
        %mul3A_1386 = arith.constant 16 : i32
        %mul3A_1387 = arith.muli %scan3A_119, %mul3A_1386 : i32
        %add3A_1388 = arith.constant 7 : i32
        %add3A_1389 = arith.addi %mul3A_1387, %add3A_1388 : i32
        %get3A_1390 = arith.index_cast %add3A_1389 : i32 to index
        %get3A_1391 = arith.constant 80 : index
        %get3A_1392 = tpu.vector_load %arg9[%get3A_1390, %get3A_1391] {strides = array<i32>} : memref<128x128xf32, #tpu.memory_space<vmem>>, vector<1x16xf32>,
        %get3A_1393 = vector.shape_cast %get3A_1392 : vector<1x16xf32> to vector<16xf32>
        %add3A_1394 = arith.addf %get3A_1393, %get3A_1293 : vector<16xf32>
        %max3A_1395 = arith.maximumf %max3A_1381, %add3A_1394 : vector<16xf32>
        %min3A_1396 = arith.minimumf %min3A_1382, %add3A_1394 : vector<16xf32>
        %add3A_1397 = arith.addf %add3A_1383, %add3A_1394 : vector<16xf32>
        %mul3A_1398 = arith.mulf %add3A_1394, %add3A_1394 : vector<16xf32>
        %add3A_1399 = arith.addf %add3A_1385, %mul3A_1398 : vector<16xf32>
        %mul3A_1400 = arith.constant 16 : i32
        %mul3A_1401 = arith.muli %scan3A_119, %mul3A_1400 : i32
        %add3A_1402 = arith.constant 8 : i32
        %add3A_1403 = arith.addi %mul3A_1401, %add3A_1402 : i32
        %get3A_1404 = arith.index_cast %add3A_1403 : i32 to index
        %get3A_1405 = arith.constant 80 : index
        %get3A_1406 = tpu.vector_load %arg9[%get3A_1404, %get3A_1405] {strides = array<i32>} : memref<128x128xf32, #tpu.memory_space<vmem>>, vector<1x16xf32>,
        %get3A_1407 = vector.shape_cast %get3A_1406 : vector<1x16xf32> to vector<16xf32>
        %add3A_1408 = arith.addf %get3A_1407, %get3A_1293 : vector<16xf32>
        %max3A_1409 = arith.maximumf %max3A_1395, %add3A_1408 : vector<16xf32>
        %min3A_1410 = arith.minimumf %min3A_1396, %add3A_1408 : vector<16xf32>
        %add3A_1411 = arith.addf %add3A_1397, %add3A_1408 : vector<16xf32>
        %mul3A_1412 = arith.mulf %add3A_1408, %add3A_1408 : vector<16xf32>
        %add3A_1413 = arith.addf %add3A_1399, %mul3A_1412 : vector<16xf32>
        %mul3A_1414 = arith.constant 16 : i32
        %mul3A_1415 = arith.muli %scan3A_119, %mul3A_1414 : i32
        %add3A_1416 = arith.constant 9 : i32
        %add3A_1417 = arith.addi %mul3A_1415, %add3A_1416 : i32
        %get3A_1418 = arith.index_cast %add3A_1417 : i32 to index
        %get3A_1419 = arith.constant 80 : index
        %get3A_1420 = tpu.vector_load %arg9[%get3A_1418, %get3A_1419] {strides = array<i32>} : memref<128x128xf32, #tpu.memory_space<vmem>>, vector<1x16xf32>,
        %get3A_1421 = vector.shape_cast %get3A_1420 : vector<1x16xf32> to vector<16xf32>
        %add3A_1422 = arith.addf %get3A_1421, %get3A_1293 : vector<16xf32>
        %max3A_1423 = arith.maximumf %max3A_1409, %add3A_1422 : vector<16xf32>
        %min3A_1424 = arith.minimumf %min3A_1410, %add3A_1422 : vector<16xf32>
        %add3A_1425 = arith.addf %add3A_1411, %add3A_1422 : vector<16xf32>
        %mul3A_1426 = arith.mulf %add3A_1422, %add3A_1422 : vector<16xf32>
        %add3A_1427 = arith.addf %add3A_1413, %mul3A_1426 : vector<16xf32>
        %mul3A_1428 = arith.constant 16 : i32
        %mul3A_1429 = arith.muli %scan3A_119, %mul3A_1428 : i32
        %add3A_1430 = arith.constant 10 : i32
        %add3A_1431 = arith.addi %mul3A_1429, %add3A_1430 : i32
        %get3A_1432 = arith.index_cast %add3A_1431 : i32 to index
        %get3A_1433 = arith.constant 80 : index
        %get3A_1434 = tpu.vector_load %arg9[%get3A_1432, %get3A_1433] {strides = array<i32>} : memref<128x128xf32, #tpu.memory_space<vmem>>, vector<1x16xf32>,
        %get3A_1435 = vector.shape_cast %get3A_1434 : vector<1x16xf32> to vector<16xf32>
        %add3A_1436 = arith.addf %get3A_1435, %get3A_1293 : vector<16xf32>
        %max3A_1437 = arith.maximumf %max3A_1423, %add3A_1436 : vector<16xf32>
        %min3A_1438 = arith.minimumf %min3A_1424, %add3A_1436 : vector<16xf32>
        %add3A_1439 = arith.addf %add3A_1425, %add3A_1436 : vector<16xf32>
        %mul3A_1440 = arith.mulf %add3A_1436, %add3A_1436 : vector<16xf32>
        %add3A_1441 = arith.addf %add3A_1427, %mul3A_1440 : vector<16xf32>
        %mul3A_1442 = arith.constant 16 : i32
        %mul3A_1443 = arith.muli %scan3A_119, %mul3A_1442 : i32
        %add3A_1444 = arith.constant 11 : i32
        %add3A_1445 = arith.addi %mul3A_1443, %add3A_1444 : i32
        %get3A_1446 = arith.index_cast %add3A_1445 : i32 to index
        %get3A_1447 = arith.constant 80 : index
        %get3A_1448 = tpu.vector_load %arg9[%get3A_1446, %get3A_1447] {strides = array<i32>} : memref<128x128xf32, #tpu.memory_space<vmem>>, vector<1x16xf32>,
        %get3A_1449 = vector.shape_cast %get3A_1448 : vector<1x16xf32> to vector<16xf32>
        %add3A_1450 = arith.addf %get3A_1449, %get3A_1293 : vector<16xf32>
        %max3A_1451 = arith.maximumf %max3A_1437, %add3A_1450 : vector<16xf32>
        %min3A_1452 = arith.minimumf %min3A_1438, %add3A_1450 : vector<16xf32>
        %add3A_1453 = arith.addf %add3A_1439, %add3A_1450 : vector<16xf32>
        %mul3A_1454 = arith.mulf %add3A_1450, %add3A_1450 : vector<16xf32>
        %add3A_1455 = arith.addf %add3A_1441, %mul3A_1454 : vector<16xf32>
        %mul3A_1456 = arith.constant 16 : i32
        %mul3A_1457 = arith.muli %scan3A_119, %mul3A_1456 : i32
        %add3A_1458 = arith.constant 12 : i32
        %add3A_1459 = arith.addi %mul3A_1457, %add3A_1458 : i32
        %get3A_1460 = arith.index_cast %add3A_1459 : i32 to index
        %get3A_1461 = arith.constant 80 : index
        %get3A_1462 = tpu.vector_load %arg9[%get3A_1460, %get3A_1461] {strides = array<i32>} : memref<128x128xf32, #tpu.memory_space<vmem>>, vector<1x16xf32>,
        %get3A_1463 = vector.shape_cast %get3A_1462 : vector<1x16xf32> to vector<16xf32>
        %add3A_1464 = arith.addf %get3A_1463, %get3A_1293 : vector<16xf32>
        %max3A_1465 = arith.maximumf %max3A_1451, %add3A_1464 : vector<16xf32>
        %min3A_1466 = arith.minimumf %min3A_1452, %add3A_1464 : vector<16xf32>
        %add3A_1467 = arith.addf %add3A_1453, %add3A_1464 : vector<16xf32>
        %mul3A_1468 = arith.mulf %add3A_1464, %add3A_1464 : vector<16xf32>
        %add3A_1469 = arith.addf %add3A_1455, %mul3A_1468 : vector<16xf32>
        %mul3A_1470 = arith.constant 16 : i32
        %mul3A_1471 = arith.muli %scan3A_119, %mul3A_1470 : i32
        %add3A_1472 = arith.constant 13 : i32
        %add3A_1473 = arith.addi %mul3A_1471, %add3A_1472 : i32
        %get3A_1474 = arith.index_cast %add3A_1473 : i32 to index
        %get3A_1475 = arith.constant 80 : index
        %get3A_1476 = tpu.vector_load %arg9[%get3A_1474, %get3A_1475] {strides = array<i32>} : memref<128x128xf32, #tpu.memory_space<vmem>>, vector<1x16xf32>,
        %get3A_1477 = vector.shape_cast %get3A_1476 : vector<1x16xf32> to vector<16xf32>
        %add3A_1478 = arith.addf %get3A_1477, %get3A_1293 : vector<16xf32>
        %max3A_1479 = arith.maximumf %max3A_1465, %add3A_1478 : vector<16xf32>
        %min3A_1480 = arith.minimumf %min3A_1466, %add3A_1478 : vector<16xf32>
        %add3A_1481 = arith.addf %add3A_1467, %add3A_1478 : vector<16xf32>
        %mul3A_1482 = arith.mulf %add3A_1478, %add3A_1478 : vector<16xf32>
        %add3A_1483 = arith.addf %add3A_1469, %mul3A_1482 : vector<16xf32>
        %mul3A_1484 = arith.constant 16 : i32
        %mul3A_1485 = arith.muli %scan3A_119, %mul3A_1484 : i32
        %add3A_1486 = arith.constant 14 : i32
        %add3A_1487 = arith.addi %mul3A_1485, %add3A_1486 : i32
        %get3A_1488 = arith.index_cast %add3A_1487 : i32 to index
        %get3A_1489 = arith.constant 80 : index
        %get3A_1490 = tpu.vector_load %arg9[%get3A_1488, %get3A_1489] {strides = array<i32>} : memref<128x128xf32, #tpu.memory_space<vmem>>, vector<1x16xf32>,
        %get3A_1491 = vector.shape_cast %get3A_1490 : vector<1x16xf32> to vector<16xf32>
        %add3A_1492 = arith.addf %get3A_1491, %get3A_1293 : vector<16xf32>
        %max3A_1493 = arith.maximumf %max3A_1479, %add3A_1492 : vector<16xf32>
        %min3A_1494 = arith.minimumf %min3A_1480, %add3A_1492 : vector<16xf32>
        %add3A_1495 = arith.addf %add3A_1481, %add3A_1492 : vector<16xf32>
        %mul3A_1496 = arith.mulf %add3A_1492, %add3A_1492 : vector<16xf32>
        %add3A_1497 = arith.addf %add3A_1483, %mul3A_1496 : vector<16xf32>
        %mul3A_1498 = arith.constant 16 : i32
        %mul3A_1499 = arith.muli %scan3A_119, %mul3A_1498 : i32
        %add3A_1500 = arith.constant 15 : i32
        %add3A_1501 = arith.addi %mul3A_1499, %add3A_1500 : i32
        %get3A_1502 = arith.index_cast %add3A_1501 : i32 to index
        %get3A_1503 = arith.constant 80 : index
        %get3A_1504 = tpu.vector_load %arg9[%get3A_1502, %get3A_1503] {strides = array<i32>} : memref<128x128xf32, #tpu.memory_space<vmem>>, vector<1x16xf32>,
        %get3A_1505 = vector.shape_cast %get3A_1504 : vector<1x16xf32> to vector<16xf32>
        %add3A_1506 = arith.addf %get3A_1505, %get3A_1293 : vector<16xf32>
        %max3A_1507 = arith.maximumf %max3A_1493, %add3A_1506 : vector<16xf32>
        %min3A_1508 = arith.minimumf %min3A_1494, %add3A_1506 : vector<16xf32>
        %add3A_1509 = arith.addf %add3A_1495, %add3A_1506 : vector<16xf32>
        %mul3A_1510 = arith.mulf %add3A_1506, %add3A_1506 : vector<16xf32>
        %add3A_1511 = arith.addf %add3A_1497, %mul3A_1510 : vector<16xf32>
        %swap3A_1512 = arith.index_cast %scan3A_119 : i32 to index
        %swap3A_1513 = arith.constant 80 : index
        %swap3A_1514 = tpu.vector_load %arg11[%swap3A_1512, %swap3A_1513] {strides = array<i32>} : memref<8x128xf32, #tpu.memory_space<vmem>>, vector<1x16xf32>,
        %swap3A_1515 = vector.shape_cast %swap3A_1514 : vector<1x16xf32> to vector<16xf32>
        %swap3A_1516 = vector.shape_cast %max3A_1507 : vector<16xf32> to vector<1x16xf32>
        tpu.vector_store %arg11[%swap3A_1512, %swap3A_1513], %swap3A_1516 {strides = array<i32>} : memref<8x128xf32, #tpu.memory_space<vmem>>, vector<1x16xf32>,
        %swap3A_1517 = arith.index_cast %scan3A_119 : i32 to index
        %swap3A_1518 = arith.constant 80 : index
        %swap3A_1519 = tpu.vector_load %arg12[%swap3A_1517, %swap3A_1518] {strides = array<i32>} : memref<8x128xf32, #tpu.memory_space<vmem>>, vector<1x16xf32>,
        %swap3A_1520 = vector.shape_cast %swap3A_1519 : vector<1x16xf32> to vector<16xf32>
        %swap3A_1521 = vector.shape_cast %min3A_1508 : vector<16xf32> to vector<1x16xf32>
        tpu.vector_store %arg12[%swap3A_1517, %swap3A_1518], %swap3A_1521 {strides = array<i32>} : memref<8x128xf32, #tpu.memory_space<vmem>>, vector<1x16xf32>,
        %convert_element_type3A_1522 = arith.extui %lt3A_113 : i1 to i32
        %cond3A_1523 = arith.constant 0 : i32
        %cond3A_1524 = arith.cmpi ne, %convert_element_type3A_1522, %cond3A_1523 : i32
        scf.if %cond3A_1524 {
          %get3A_1995 = arith.constant 80 : index
          %get3A_1996 = tpu.vector_load %arg13[%get3A_1995] {strides = array<i32>} : memref<128xf32, #tpu.memory_space<vmem>>, vector<16xf32>,
          %get3A_1997 = vector.shape_cast %get3A_1996 : vector<16xf32> to vector<16xf32>
          %add3A_1998 = arith.addf %get3A_1997, %add3A_1509 : vector<16xf32>
          %swap3A_1999 = arith.constant 80 : index
          %swap3A_2000 = tpu.vector_load %arg13[%swap3A_1999] {strides = array<i32>} : memref<128xf32, #tpu.memory_space<vmem>>, vector<16xf32>,
          %swap3A_2001 = vector.shape_cast %swap3A_2000 : vector<16xf32> to vector<16xf32>
          %swap3A_2002 = vector.shape_cast %add3A_1998 : vector<16xf32> to vector<16xf32>
          tpu.vector_store %arg13[%swap3A_1999], %swap3A_2002 {strides = array<i32>} : memref<128xf32, #tpu.memory_space<vmem>>, vector<16xf32>,
          %get3A_2003 = arith.constant 80 : index
          %get3A_2004 = tpu.vector_load %arg14[%get3A_2003] {strides = array<i32>} : memref<128xf32, #tpu.memory_space<vmem>>, vector<16xf32>,
          %get3A_2005 = vector.shape_cast %get3A_2004 : vector<16xf32> to vector<16xf32>
          %add3A_2006 = arith.addf %get3A_2005, %add3A_1511 : vector<16xf32>
          %swap3A_2007 = arith.constant 80 : index
          %swap3A_2008 = tpu.vector_load %arg14[%swap3A_2007] {strides = array<i32>} : memref<128xf32, #tpu.memory_space<vmem>>, vector<16xf32>,
          %swap3A_2009 = vector.shape_cast %swap3A_2008 : vector<16xf32> to vector<16xf32>
          %swap3A_2010 = vector.shape_cast %add3A_2006 : vector<16xf32> to vector<16xf32>
          tpu.vector_store %arg14[%swap3A_2007], %swap3A_2010 {strides = array<i32>} : memref<128xf32, #tpu.memory_space<vmem>>, vector<16xf32>,
        } else {
        }
        %get3A_1525 = arith.index_cast %scan3A_119 : i32 to index
        %get3A_1526 = arith.constant 96 : index
        %get3A_1527 = tpu.vector_load %arg10[%get3A_1525, %get3A_1526] {strides = array<i32>} : memref<8x128xf32, #tpu.memory_space<vmem>>, vector<1x16xf32>,
        %get3A_1528 = vector.shape_cast %get3A_1527 : vector<1x16xf32> to vector<16xf32>
        %mul3A_1529 = arith.constant 16 : i32
        %mul3A_1530 = arith.muli %scan3A_119, %mul3A_1529 : i32
        %get3A_1531 = arith.index_cast %mul3A_1530 : i32 to index
        %get3A_1532 = arith.constant 96 : index
        %get3A_1533 = tpu.vector_load %arg9[%get3A_1531, %get3A_1532] {strides = array<i32>} : memref<128x128xf32, #tpu.memory_space<vmem>>, vector<1x16xf32>,
        %get3A_1534 = vector.shape_cast %get3A_1533 : vector<1x16xf32> to vector<16xf32>
        %add3A_1535 = arith.addf %get3A_1534, %get3A_1528 : vector<16xf32>
        %mul3A_1536 = arith.mulf %add3A_1535, %add3A_1535 : vector<16xf32>
        %mul3A_1537 = arith.constant 16 : i32
        %mul3A_1538 = arith.muli %scan3A_119, %mul3A_1537 : i32
        %add3A_1539 = arith.constant 1 : i32
        %add3A_1540 = arith.addi %mul3A_1538, %add3A_1539 : i32
        %get3A_1541 = arith.index_cast %add3A_1540 : i32 to index
        %get3A_1542 = arith.constant 96 : index
        %get3A_1543 = tpu.vector_load %arg9[%get3A_1541, %get3A_1542] {strides = array<i32>} : memref<128x128xf32, #tpu.memory_space<vmem>>, vector<1x16xf32>,
        %get3A_1544 = vector.shape_cast %get3A_1543 : vector<1x16xf32> to vector<16xf32>
        %add3A_1545 = arith.addf %get3A_1544, %get3A_1528 : vector<16xf32>
        %max3A_1546 = arith.maximumf %add3A_1535, %add3A_1545 : vector<16xf32>
        %min3A_1547 = arith.minimumf %add3A_1535, %add3A_1545 : vector<16xf32>
        %add3A_1548 = arith.addf %add3A_1535, %add3A_1545 : vector<16xf32>
        %mul3A_1549 = arith.mulf %add3A_1545, %add3A_1545 : vector<16xf32>
        %add3A_1550 = arith.addf %mul3A_1536, %mul3A_1549 : vector<16xf32>
        %mul3A_1551 = arith.constant 16 : i32
        %mul3A_1552 = arith.muli %scan3A_119, %mul3A_1551 : i32
        %add3A_1553 = arith.constant 2 : i32
        %add3A_1554 = arith.addi %mul3A_1552, %add3A_1553 : i32
        %get3A_1555 = arith.index_cast %add3A_1554 : i32 to index
        %get3A_1556 = arith.constant 96 : index
        %get3A_1557 = tpu.vector_load %arg9[%get3A_1555, %get3A_1556] {strides = array<i32>} : memref<128x128xf32, #tpu.memory_space<vmem>>, vector<1x16xf32>,
        %get3A_1558 = vector.shape_cast %get3A_1557 : vector<1x16xf32> to vector<16xf32>
        %add3A_1559 = arith.addf %get3A_1558, %get3A_1528 : vector<16xf32>
        %max3A_1560 = arith.maximumf %max3A_1546, %add3A_1559 : vector<16xf32>
        %min3A_1561 = arith.minimumf %min3A_1547, %add3A_1559 : vector<16xf32>
        %add3A_1562 = arith.addf %add3A_1548, %add3A_1559 : vector<16xf32>
        %mul3A_1563 = arith.mulf %add3A_1559, %add3A_1559 : vector<16xf32>
        %add3A_1564 = arith.addf %add3A_1550, %mul3A_1563 : vector<16xf32>
        %mul3A_1565 = arith.constant 16 : i32
        %mul3A_1566 = arith.muli %scan3A_119, %mul3A_1565 : i32
        %add3A_1567 = arith.constant 3 : i32
        %add3A_1568 = arith.addi %mul3A_1566, %add3A_1567 : i32
        %get3A_1569 = arith.index_cast %add3A_1568 : i32 to index
        %get3A_1570 = arith.constant 96 : index
        %get3A_1571 = tpu.vector_load %arg9[%get3A_1569, %get3A_1570] {strides = array<i32>} : memref<128x128xf32, #tpu.memory_space<vmem>>, vector<1x16xf32>,
        %get3A_1572 = vector.shape_cast %get3A_1571 : vector<1x16xf32> to vector<16xf32>
        %add3A_1573 = arith.addf %get3A_1572, %get3A_1528 : vector<16xf32>
        %max3A_1574 = arith.maximumf %max3A_1560, %add3A_1573 : vector<16xf32>
        %min3A_1575 = arith.minimumf %min3A_1561, %add3A_1573 : vector<16xf32>
        %add3A_1576 = arith.addf %add3A_1562, %add3A_1573 : vector<16xf32>
        %mul3A_1577 = arith.mulf %add3A_1573, %add3A_1573 : vector<16xf32>
        %add3A_1578 = arith.addf %add3A_1564, %mul3A_1577 : vector<16xf32>
        %mul3A_1579 = arith.constant 16 : i32
        %mul3A_1580 = arith.muli %scan3A_119, %mul3A_1579 : i32
        %add3A_1581 = arith.constant 4 : i32
        %add3A_1582 = arith.addi %mul3A_1580, %add3A_1581 : i32
        %get3A_1583 = arith.index_cast %add3A_1582 : i32 to index
        %get3A_1584 = arith.constant 96 : index
        %get3A_1585 = tpu.vector_load %arg9[%get3A_1583, %get3A_1584] {strides = array<i32>} : memref<128x128xf32, #tpu.memory_space<vmem>>, vector<1x16xf32>,
        %get3A_1586 = vector.shape_cast %get3A_1585 : vector<1x16xf32> to vector<16xf32>
        %add3A_1587 = arith.addf %get3A_1586, %get3A_1528 : vector<16xf32>
        %max3A_1588 = arith.maximumf %max3A_1574, %add3A_1587 : vector<16xf32>
        %min3A_1589 = arith.minimumf %min3A_1575, %add3A_1587 : vector<16xf32>
        %add3A_1590 = arith.addf %add3A_1576, %add3A_1587 : vector<16xf32>
        %mul3A_1591 = arith.mulf %add3A_1587, %add3A_1587 : vector<16xf32>
        %add3A_1592 = arith.addf %add3A_1578, %mul3A_1591 : vector<16xf32>
        %mul3A_1593 = arith.constant 16 : i32
        %mul3A_1594 = arith.muli %scan3A_119, %mul3A_1593 : i32
        %add3A_1595 = arith.constant 5 : i32
        %add3A_1596 = arith.addi %mul3A_1594, %add3A_1595 : i32
        %get3A_1597 = arith.index_cast %add3A_1596 : i32 to index
        %get3A_1598 = arith.constant 96 : index
        %get3A_1599 = tpu.vector_load %arg9[%get3A_1597, %get3A_1598] {strides = array<i32>} : memref<128x128xf32, #tpu.memory_space<vmem>>, vector<1x16xf32>,
        %get3A_1600 = vector.shape_cast %get3A_1599 : vector<1x16xf32> to vector<16xf32>
        %add3A_1601 = arith.addf %get3A_1600, %get3A_1528 : vector<16xf32>
        %max3A_1602 = arith.maximumf %max3A_1588, %add3A_1601 : vector<16xf32>
        %min3A_1603 = arith.minimumf %min3A_1589, %add3A_1601 : vector<16xf32>
        %add3A_1604 = arith.addf %add3A_1590, %add3A_1601 : vector<16xf32>
        %mul3A_1605 = arith.mulf %add3A_1601, %add3A_1601 : vector<16xf32>
        %add3A_1606 = arith.addf %add3A_1592, %mul3A_1605 : vector<16xf32>
        %mul3A_1607 = arith.constant 16 : i32
        %mul3A_1608 = arith.muli %scan3A_119, %mul3A_1607 : i32
        %add3A_1609 = arith.constant 6 : i32
        %add3A_1610 = arith.addi %mul3A_1608, %add3A_1609 : i32
        %get3A_1611 = arith.index_cast %add3A_1610 : i32 to index
        %get3A_1612 = arith.constant 96 : index
        %get3A_1613 = tpu.vector_load %arg9[%get3A_1611, %get3A_1612] {strides = array<i32>} : memref<128x128xf32, #tpu.memory_space<vmem>>, vector<1x16xf32>,
        %get3A_1614 = vector.shape_cast %get3A_1613 : vector<1x16xf32> to vector<16xf32>
        %add3A_1615 = arith.addf %get3A_1614, %get3A_1528 : vector<16xf32>
        %max3A_1616 = arith.maximumf %max3A_1602, %add3A_1615 : vector<16xf32>
        %min3A_1617 = arith.minimumf %min3A_1603, %add3A_1615 : vector<16xf32>
        %add3A_1618 = arith.addf %add3A_1604, %add3A_1615 : vector<16xf32>
        %mul3A_1619 = arith.mulf %add3A_1615, %add3A_1615 : vector<16xf32>
        %add3A_1620 = arith.addf %add3A_1606, %mul3A_1619 : vector<16xf32>
        %mul3A_1621 = arith.constant 16 : i32
        %mul3A_1622 = arith.muli %scan3A_119, %mul3A_1621 : i32
        %add3A_1623 = arith.constant 7 : i32
        %add3A_1624 = arith.addi %mul3A_1622, %add3A_1623 : i32
        %get3A_1625 = arith.index_cast %add3A_1624 : i32 to index
        %get3A_1626 = arith.constant 96 : index
        %get3A_1627 = tpu.vector_load %arg9[%get3A_1625, %get3A_1626] {strides = array<i32>} : memref<128x128xf32, #tpu.memory_space<vmem>>, vector<1x16xf32>,
        %get3A_1628 = vector.shape_cast %get3A_1627 : vector<1x16xf32> to vector<16xf32>
        %add3A_1629 = arith.addf %get3A_1628, %get3A_1528 : vector<16xf32>
        %max3A_1630 = arith.maximumf %max3A_1616, %add3A_1629 : vector<16xf32>
        %min3A_1631 = arith.minimumf %min3A_1617, %add3A_1629 : vector<16xf32>
        %add3A_1632 = arith.addf %add3A_1618, %add3A_1629 : vector<16xf32>
        %mul3A_1633 = arith.mulf %add3A_1629, %add3A_1629 : vector<16xf32>
        %add3A_1634 = arith.addf %add3A_1620, %mul3A_1633 : vector<16xf32>
        %mul3A_1635 = arith.constant 16 : i32
        %mul3A_1636 = arith.muli %scan3A_119, %mul3A_1635 : i32
        %add3A_1637 = arith.constant 8 : i32
        %add3A_1638 = arith.addi %mul3A_1636, %add3A_1637 : i32
        %get3A_1639 = arith.index_cast %add3A_1638 : i32 to index
        %get3A_1640 = arith.constant 96 : index
        %get3A_1641 = tpu.vector_load %arg9[%get3A_1639, %get3A_1640] {strides = array<i32>} : memref<128x128xf32, #tpu.memory_space<vmem>>, vector<1x16xf32>,
        %get3A_1642 = vector.shape_cast %get3A_1641 : vector<1x16xf32> to vector<16xf32>
        %add3A_1643 = arith.addf %get3A_1642, %get3A_1528 : vector<16xf32>
        %max3A_1644 = arith.maximumf %max3A_1630, %add3A_1643 : vector<16xf32>
        %min3A_1645 = arith.minimumf %min3A_1631, %add3A_1643 : vector<16xf32>
        %add3A_1646 = arith.addf %add3A_1632, %add3A_1643 : vector<16xf32>
        %mul3A_1647 = arith.mulf %add3A_1643, %add3A_1643 : vector<16xf32>
        %add3A_1648 = arith.addf %add3A_1634, %mul3A_1647 : vector<16xf32>
        %mul3A_1649 = arith.constant 16 : i32
        %mul3A_1650 = arith.muli %scan3A_119, %mul3A_1649 : i32
        %add3A_1651 = arith.constant 9 : i32
        %add3A_1652 = arith.addi %mul3A_1650, %add3A_1651 : i32
        %get3A_1653 = arith.index_cast %add3A_1652 : i32 to index
        %get3A_1654 = arith.constant 96 : index
        %get3A_1655 = tpu.vector_load %arg9[%get3A_1653, %get3A_1654] {strides = array<i32>} : memref<128x128xf32, #tpu.memory_space<vmem>>, vector<1x16xf32>,
        %get3A_1656 = vector.shape_cast %get3A_1655 : vector<1x16xf32> to vector<16xf32>
        %add3A_1657 = arith.addf %get3A_1656, %get3A_1528 : vector<16xf32>
        %max3A_1658 = arith.maximumf %max3A_1644, %add3A_1657 : vector<16xf32>
        %min3A_1659 = arith.minimumf %min3A_1645, %add3A_1657 : vector<16xf32>
        %add3A_1660 = arith.addf %add3A_1646, %add3A_1657 : vector<16xf32>
        %mul3A_1661 = arith.mulf %add3A_1657, %add3A_1657 : vector<16xf32>
        %add3A_1662 = arith.addf %add3A_1648, %mul3A_1661 : vector<16xf32>
        %mul3A_1663 = arith.constant 16 : i32
        %mul3A_1664 = arith.muli %scan3A_119, %mul3A_1663 : i32
        %add3A_1665 = arith.constant 10 : i32
        %add3A_1666 = arith.addi %mul3A_1664, %add3A_1665 : i32
        %get3A_1667 = arith.index_cast %add3A_1666 : i32 to index
        %get3A_1668 = arith.constant 96 : index
        %get3A_1669 = tpu.vector_load %arg9[%get3A_1667, %get3A_1668] {strides = array<i32>} : memref<128x128xf32, #tpu.memory_space<vmem>>, vector<1x16xf32>,
        %get3A_1670 = vector.shape_cast %get3A_1669 : vector<1x16xf32> to vector<16xf32>
        %add3A_1671 = arith.addf %get3A_1670, %get3A_1528 : vector<16xf32>
        %max3A_1672 = arith.maximumf %max3A_1658, %add3A_1671 : vector<16xf32>
        %min3A_1673 = arith.minimumf %min3A_1659, %add3A_1671 : vector<16xf32>
        %add3A_1674 = arith.addf %add3A_1660, %add3A_1671 : vector<16xf32>
        %mul3A_1675 = arith.mulf %add3A_1671, %add3A_1671 : vector<16xf32>
        %add3A_1676 = arith.addf %add3A_1662, %mul3A_1675 : vector<16xf32>
        %mul3A_1677 = arith.constant 16 : i32
        %mul3A_1678 = arith.muli %scan3A_119, %mul3A_1677 : i32
        %add3A_1679 = arith.constant 11 : i32
        %add3A_1680 = arith.addi %mul3A_1678, %add3A_1679 : i32
        %get3A_1681 = arith.index_cast %add3A_1680 : i32 to index
        %get3A_1682 = arith.constant 96 : index
        %get3A_1683 = tpu.vector_load %arg9[%get3A_1681, %get3A_1682] {strides = array<i32>} : memref<128x128xf32, #tpu.memory_space<vmem>>, vector<1x16xf32>,
        %get3A_1684 = vector.shape_cast %get3A_1683 : vector<1x16xf32> to vector<16xf32>
        %add3A_1685 = arith.addf %get3A_1684, %get3A_1528 : vector<16xf32>
        %max3A_1686 = arith.maximumf %max3A_1672, %add3A_1685 : vector<16xf32>
        %min3A_1687 = arith.minimumf %min3A_1673, %add3A_1685 : vector<16xf32>
        %add3A_1688 = arith.addf %add3A_1674, %add3A_1685 : vector<16xf32>
        %mul3A_1689 = arith.mulf %add3A_1685, %add3A_1685 : vector<16xf32>
        %add3A_1690 = arith.addf %add3A_1676, %mul3A_1689 : vector<16xf32>
        %mul3A_1691 = arith.constant 16 : i32
        %mul3A_1692 = arith.muli %scan3A_119, %mul3A_1691 : i32
        %add3A_1693 = arith.constant 12 : i32
        %add3A_1694 = arith.addi %mul3A_1692, %add3A_1693 : i32
        %get3A_1695 = arith.index_cast %add3A_1694 : i32 to index
        %get3A_1696 = arith.constant 96 : index
        %get3A_1697 = tpu.vector_load %arg9[%get3A_1695, %get3A_1696] {strides = array<i32>} : memref<128x128xf32, #tpu.memory_space<vmem>>, vector<1x16xf32>,
        %get3A_1698 = vector.shape_cast %get3A_1697 : vector<1x16xf32> to vector<16xf32>
        %add3A_1699 = arith.addf %get3A_1698, %get3A_1528 : vector<16xf32>
        %max3A_1700 = arith.maximumf %max3A_1686, %add3A_1699 : vector<16xf32>
        %min3A_1701 = arith.minimumf %min3A_1687, %add3A_1699 : vector<16xf32>
        %add3A_1702 = arith.addf %add3A_1688, %add3A_1699 : vector<16xf32>
        %mul3A_1703 = arith.mulf %add3A_1699, %add3A_1699 : vector<16xf32>
        %add3A_1704 = arith.addf %add3A_1690, %mul3A_1703 : vector<16xf32>
        %mul3A_1705 = arith.constant 16 : i32
        %mul3A_1706 = arith.muli %scan3A_119, %mul3A_1705 : i32
        %add3A_1707 = arith.constant 13 : i32
        %add3A_1708 = arith.addi %mul3A_1706, %add3A_1707 : i32
        %get3A_1709 = arith.index_cast %add3A_1708 : i32 to index
        %get3A_1710 = arith.constant 96 : index
        %get3A_1711 = tpu.vector_load %arg9[%get3A_1709, %get3A_1710] {strides = array<i32>} : memref<128x128xf32, #tpu.memory_space<vmem>>, vector<1x16xf32>,
        %get3A_1712 = vector.shape_cast %get3A_1711 : vector<1x16xf32> to vector<16xf32>
        %add3A_1713 = arith.addf %get3A_1712, %get3A_1528 : vector<16xf32>
        %max3A_1714 = arith.maximumf %max3A_1700, %add3A_1713 : vector<16xf32>
        %min3A_1715 = arith.minimumf %min3A_1701, %add3A_1713 : vector<16xf32>
        %add3A_1716 = arith.addf %add3A_1702, %add3A_1713 : vector<16xf32>
        %mul3A_1717 = arith.mulf %add3A_1713, %add3A_1713 : vector<16xf32>
        %add3A_1718 = arith.addf %add3A_1704, %mul3A_1717 : vector<16xf32>
        %mul3A_1719 = arith.constant 16 : i32
        %mul3A_1720 = arith.muli %scan3A_119, %mul3A_1719 : i32
        %add3A_1721 = arith.constant 14 : i32
        %add3A_1722 = arith.addi %mul3A_1720, %add3A_1721 : i32
        %get3A_1723 = arith.index_cast %add3A_1722 : i32 to index
        %get3A_1724 = arith.constant 96 : index
        %get3A_1725 = tpu.vector_load %arg9[%get3A_1723, %get3A_1724] {strides = array<i32>} : memref<128x128xf32, #tpu.memory_space<vmem>>, vector<1x16xf32>,
        %get3A_1726 = vector.shape_cast %get3A_1725 : vector<1x16xf32> to vector<16xf32>
        %add3A_1727 = arith.addf %get3A_1726, %get3A_1528 : vector<16xf32>
        %max3A_1728 = arith.maximumf %max3A_1714, %add3A_1727 : vector<16xf32>
        %min3A_1729 = arith.minimumf %min3A_1715, %add3A_1727 : vector<16xf32>
        %add3A_1730 = arith.addf %add3A_1716, %add3A_1727 : vector<16xf32>
        %mul3A_1731 = arith.mulf %add3A_1727, %add3A_1727 : vector<16xf32>
        %add3A_1732 = arith.addf %add3A_1718, %mul3A_1731 : vector<16xf32>
        %mul3A_1733 = arith.constant 16 : i32
        %mul3A_1734 = arith.muli %scan3A_119, %mul3A_1733 : i32
        %add3A_1735 = arith.constant 15 : i32
        %add3A_1736 = arith.addi %mul3A_1734, %add3A_1735 : i32
        %get3A_1737 = arith.index_cast %add3A_1736 : i32 to index
        %get3A_1738 = arith.constant 96 : index
        %get3A_1739 = tpu.vector_load %arg9[%get3A_1737, %get3A_1738] {strides = array<i32>} : memref<128x128xf32, #tpu.memory_space<vmem>>, vector<1x16xf32>,
        %get3A_1740 = vector.shape_cast %get3A_1739 : vector<1x16xf32> to vector<16xf32>
        %add3A_1741 = arith.addf %get3A_1740, %get3A_1528 : vector<16xf32>
        %max3A_1742 = arith.maximumf %max3A_1728, %add3A_1741 : vector<16xf32>
        %min3A_1743 = arith.minimumf %min3A_1729, %add3A_1741 : vector<16xf32>
        %add3A_1744 = arith.addf %add3A_1730, %add3A_1741 : vector<16xf32>
        %mul3A_1745 = arith.mulf %add3A_1741, %add3A_1741 : vector<16xf32>
        %add3A_1746 = arith.addf %add3A_1732, %mul3A_1745 : vector<16xf32>
        %swap3A_1747 = arith.index_cast %scan3A_119 : i32 to index
        %swap3A_1748 = arith.constant 96 : index
        %swap3A_1749 = tpu.vector_load %arg11[%swap3A_1747, %swap3A_1748] {strides = array<i32>} : memref<8x128xf32, #tpu.memory_space<vmem>>, vector<1x16xf32>,
        %swap3A_1750 = vector.shape_cast %swap3A_1749 : vector<1x16xf32> to vector<16xf32>
        %swap3A_1751 = vector.shape_cast %max3A_1742 : vector<16xf32> to vector<1x16xf32>
        tpu.vector_store %arg11[%swap3A_1747, %swap3A_1748], %swap3A_1751 {strides = array<i32>} : memref<8x128xf32, #tpu.memory_space<vmem>>, vector<1x16xf32>,
        %swap3A_1752 = arith.index_cast %scan3A_119 : i32 to index
        %swap3A_1753 = arith.constant 96 : index
        %swap3A_1754 = tpu.vector_load %arg12[%swap3A_1752, %swap3A_1753] {strides = array<i32>} : memref<8x128xf32, #tpu.memory_space<vmem>>, vector<1x16xf32>,
        %swap3A_1755 = vector.shape_cast %swap3A_1754 : vector<1x16xf32> to vector<16xf32>
        %swap3A_1756 = vector.shape_cast %min3A_1743 : vector<16xf32> to vector<1x16xf32>
        tpu.vector_store %arg12[%swap3A_1752, %swap3A_1753], %swap3A_1756 {strides = array<i32>} : memref<8x128xf32, #tpu.memory_space<vmem>>, vector<1x16xf32>,
        %convert_element_type3A_1757 = arith.extui %lt3A_113 : i1 to i32
        %cond3A_1758 = arith.constant 0 : i32
        %cond3A_1759 = arith.cmpi ne, %convert_element_type3A_1757, %cond3A_1758 : i32
        scf.if %cond3A_1759 {
          %get3A_1995 = arith.constant 96 : index
          %get3A_1996 = tpu.vector_load %arg13[%get3A_1995] {strides = array<i32>} : memref<128xf32, #tpu.memory_space<vmem>>, vector<16xf32>,
          %get3A_1997 = vector.shape_cast %get3A_1996 : vector<16xf32> to vector<16xf32>
          %add3A_1998 = arith.addf %get3A_1997, %add3A_1744 : vector<16xf32>
          %swap3A_1999 = arith.constant 96 : index
          %swap3A_2000 = tpu.vector_load %arg13[%swap3A_1999] {strides = array<i32>} : memref<128xf32, #tpu.memory_space<vmem>>, vector<16xf32>,
          %swap3A_2001 = vector.shape_cast %swap3A_2000 : vector<16xf32> to vector<16xf32>
          %swap3A_2002 = vector.shape_cast %add3A_1998 : vector<16xf32> to vector<16xf32>
          tpu.vector_store %arg13[%swap3A_1999], %swap3A_2002 {strides = array<i32>} : memref<128xf32, #tpu.memory_space<vmem>>, vector<16xf32>,
          %get3A_2003 = arith.constant 96 : index
          %get3A_2004 = tpu.vector_load %arg14[%get3A_2003] {strides = array<i32>} : memref<128xf32, #tpu.memory_space<vmem>>, vector<16xf32>,
          %get3A_2005 = vector.shape_cast %get3A_2004 : vector<16xf32> to vector<16xf32>
          %add3A_2006 = arith.addf %get3A_2005, %add3A_1746 : vector<16xf32>
          %swap3A_2007 = arith.constant 96 : index
          %swap3A_2008 = tpu.vector_load %arg14[%swap3A_2007] {strides = array<i32>} : memref<128xf32, #tpu.memory_space<vmem>>, vector<16xf32>,
          %swap3A_2009 = vector.shape_cast %swap3A_2008 : vector<16xf32> to vector<16xf32>
          %swap3A_2010 = vector.shape_cast %add3A_2006 : vector<16xf32> to vector<16xf32>
          tpu.vector_store %arg14[%swap3A_2007], %swap3A_2010 {strides = array<i32>} : memref<128xf32, #tpu.memory_space<vmem>>, vector<16xf32>,
        } else {
        }
        %get3A_1760 = arith.index_cast %scan3A_119 : i32 to index
        %get3A_1761 = arith.constant 112 : index
        %get3A_1762 = tpu.vector_load %arg10[%get3A_1760, %get3A_1761] {strides = array<i32>} : memref<8x128xf32, #tpu.memory_space<vmem>>, vector<1x16xf32>,
        %get3A_1763 = vector.shape_cast %get3A_1762 : vector<1x16xf32> to vector<16xf32>
        %mul3A_1764 = arith.constant 16 : i32
        %mul3A_1765 = arith.muli %scan3A_119, %mul3A_1764 : i32
        %get3A_1766 = arith.index_cast %mul3A_1765 : i32 to index
        %get3A_1767 = arith.constant 112 : index
        %get3A_1768 = tpu.vector_load %arg9[%get3A_1766, %get3A_1767] {strides = array<i32>} : memref<128x128xf32, #tpu.memory_space<vmem>>, vector<1x16xf32>,
        %get3A_1769 = vector.shape_cast %get3A_1768 : vector<1x16xf32> to vector<16xf32>
        %add3A_1770 = arith.addf %get3A_1769, %get3A_1763 : vector<16xf32>
        %mul3A_1771 = arith.mulf %add3A_1770, %add3A_1770 : vector<16xf32>
        %mul3A_1772 = arith.constant 16 : i32
        %mul3A_1773 = arith.muli %scan3A_119, %mul3A_1772 : i32
        %add3A_1774 = arith.constant 1 : i32
        %add3A_1775 = arith.addi %mul3A_1773, %add3A_1774 : i32
        %get3A_1776 = arith.index_cast %add3A_1775 : i32 to index
        %get3A_1777 = arith.constant 112 : index
        %get3A_1778 = tpu.vector_load %arg9[%get3A_1776, %get3A_1777] {strides = array<i32>} : memref<128x128xf32, #tpu.memory_space<vmem>>, vector<1x16xf32>,
        %get3A_1779 = vector.shape_cast %get3A_1778 : vector<1x16xf32> to vector<16xf32>
        %add3A_1780 = arith.addf %get3A_1779, %get3A_1763 : vector<16xf32>
        %max3A_1781 = arith.maximumf %add3A_1770, %add3A_1780 : vector<16xf32>
        %min3A_1782 = arith.minimumf %add3A_1770, %add3A_1780 : vector<16xf32>
        %add3A_1783 = arith.addf %add3A_1770, %add3A_1780 : vector<16xf32>
        %mul3A_1784 = arith.mulf %add3A_1780, %add3A_1780 : vector<16xf32>
        %add3A_1785 = arith.addf %mul3A_1771, %mul3A_1784 : vector<16xf32>
        %mul3A_1786 = arith.constant 16 : i32
        %mul3A_1787 = arith.muli %scan3A_119, %mul3A_1786 : i32
        %add3A_1788 = arith.constant 2 : i32
        %add3A_1789 = arith.addi %mul3A_1787, %add3A_1788 : i32
        %get3A_1790 = arith.index_cast %add3A_1789 : i32 to index
        %get3A_1791 = arith.constant 112 : index
        %get3A_1792 = tpu.vector_load %arg9[%get3A_1790, %get3A_1791] {strides = array<i32>} : memref<128x128xf32, #tpu.memory_space<vmem>>, vector<1x16xf32>,
        %get3A_1793 = vector.shape_cast %get3A_1792 : vector<1x16xf32> to vector<16xf32>
        %add3A_1794 = arith.addf %get3A_1793, %get3A_1763 : vector<16xf32>
        %max3A_1795 = arith.maximumf %max3A_1781, %add3A_1794 : vector<16xf32>
        %min3A_1796 = arith.minimumf %min3A_1782, %add3A_1794 : vector<16xf32>
        %add3A_1797 = arith.addf %add3A_1783, %add3A_1794 : vector<16xf32>
        %mul3A_1798 = arith.mulf %add3A_1794, %add3A_1794 : vector<16xf32>
        %add3A_1799 = arith.addf %add3A_1785, %mul3A_1798 : vector<16xf32>
        %mul3A_1800 = arith.constant 16 : i32
        %mul3A_1801 = arith.muli %scan3A_119, %mul3A_1800 : i32
        %add3A_1802 = arith.constant 3 : i32
        %add3A_1803 = arith.addi %mul3A_1801, %add3A_1802 : i32
        %get3A_1804 = arith.index_cast %add3A_1803 : i32 to index
        %get3A_1805 = arith.constant 112 : index
        %get3A_1806 = tpu.vector_load %arg9[%get3A_1804, %get3A_1805] {strides = array<i32>} : memref<128x128xf32, #tpu.memory_space<vmem>>, vector<1x16xf32>,
        %get3A_1807 = vector.shape_cast %get3A_1806 : vector<1x16xf32> to vector<16xf32>
        %add3A_1808 = arith.addf %get3A_1807, %get3A_1763 : vector<16xf32>
        %max3A_1809 = arith.maximumf %max3A_1795, %add3A_1808 : vector<16xf32>
        %min3A_1810 = arith.minimumf %min3A_1796, %add3A_1808 : vector<16xf32>
        %add3A_1811 = arith.addf %add3A_1797, %add3A_1808 : vector<16xf32>
        %mul3A_1812 = arith.mulf %add3A_1808, %add3A_1808 : vector<16xf32>
        %add3A_1813 = arith.addf %add3A_1799, %mul3A_1812 : vector<16xf32>
        %mul3A_1814 = arith.constant 16 : i32
        %mul3A_1815 = arith.muli %scan3A_119, %mul3A_1814 : i32
        %add3A_1816 = arith.constant 4 : i32
        %add3A_1817 = arith.addi %mul3A_1815, %add3A_1816 : i32
        %get3A_1818 = arith.index_cast %add3A_1817 : i32 to index
        %get3A_1819 = arith.constant 112 : index
        %get3A_1820 = tpu.vector_load %arg9[%get3A_1818, %get3A_1819] {strides = array<i32>} : memref<128x128xf32, #tpu.memory_space<vmem>>, vector<1x16xf32>,
        %get3A_1821 = vector.shape_cast %get3A_1820 : vector<1x16xf32> to vector<16xf32>
        %add3A_1822 = arith.addf %get3A_1821, %get3A_1763 : vector<16xf32>
        %max3A_1823 = arith.maximumf %max3A_1809, %add3A_1822 : vector<16xf32>
        %min3A_1824 = arith.minimumf %min3A_1810, %add3A_1822 : vector<16xf32>
        %add3A_1825 = arith.addf %add3A_1811, %add3A_1822 : vector<16xf32>
        %mul3A_1826 = arith.mulf %add3A_1822, %add3A_1822 : vector<16xf32>
        %add3A_1827 = arith.addf %add3A_1813, %mul3A_1826 : vector<16xf32>
        %mul3A_1828 = arith.constant 16 : i32
        %mul3A_1829 = arith.muli %scan3A_119, %mul3A_1828 : i32
        %add3A_1830 = arith.constant 5 : i32
        %add3A_1831 = arith.addi %mul3A_1829, %add3A_1830 : i32
        %get3A_1832 = arith.index_cast %add3A_1831 : i32 to index
        %get3A_1833 = arith.constant 112 : index
        %get3A_1834 = tpu.vector_load %arg9[%get3A_1832, %get3A_1833] {strides = array<i32>} : memref<128x128xf32, #tpu.memory_space<vmem>>, vector<1x16xf32>,
        %get3A_1835 = vector.shape_cast %get3A_1834 : vector<1x16xf32> to vector<16xf32>
        %add3A_1836 = arith.addf %get3A_1835, %get3A_1763 : vector<16xf32>
        %max3A_1837 = arith.maximumf %max3A_1823, %add3A_1836 : vector<16xf32>
        %min3A_1838 = arith.minimumf %min3A_1824, %add3A_1836 : vector<16xf32>
        %add3A_1839 = arith.addf %add3A_1825, %add3A_1836 : vector<16xf32>
        %mul3A_1840 = arith.mulf %add3A_1836, %add3A_1836 : vector<16xf32>
        %add3A_1841 = arith.addf %add3A_1827, %mul3A_1840 : vector<16xf32>
        %mul3A_1842 = arith.constant 16 : i32
        %mul3A_1843 = arith.muli %scan3A_119, %mul3A_1842 : i32
        %add3A_1844 = arith.constant 6 : i32
        %add3A_1845 = arith.addi %mul3A_1843, %add3A_1844 : i32
        %get3A_1846 = arith.index_cast %add3A_1845 : i32 to index
        %get3A_1847 = arith.constant 112 : index
        %get3A_1848 = tpu.vector_load %arg9[%get3A_1846, %get3A_1847] {strides = array<i32>} : memref<128x128xf32, #tpu.memory_space<vmem>>, vector<1x16xf32>,
        %get3A_1849 = vector.shape_cast %get3A_1848 : vector<1x16xf32> to vector<16xf32>
        %add3A_1850 = arith.addf %get3A_1849, %get3A_1763 : vector<16xf32>
        %max3A_1851 = arith.maximumf %max3A_1837, %add3A_1850 : vector<16xf32>
        %min3A_1852 = arith.minimumf %min3A_1838, %add3A_1850 : vector<16xf32>
        %add3A_1853 = arith.addf %add3A_1839, %add3A_1850 : vector<16xf32>
        %mul3A_1854 = arith.mulf %add3A_1850, %add3A_1850 : vector<16xf32>
        %add3A_1855 = arith.addf %add3A_1841, %mul3A_1854 : vector<16xf32>
        %mul3A_1856 = arith.constant 16 : i32
        %mul3A_1857 = arith.muli %scan3A_119, %mul3A_1856 : i32
        %add3A_1858 = arith.constant 7 : i32
        %add3A_1859 = arith.addi %mul3A_1857, %add3A_1858 : i32
        %get3A_1860 = arith.index_cast %add3A_1859 : i32 to index
        %get3A_1861 = arith.constant 112 : index
        %get3A_1862 = tpu.vector_load %arg9[%get3A_1860, %get3A_1861] {strides = array<i32>} : memref<128x128xf32, #tpu.memory_space<vmem>>, vector<1x16xf32>,
        %get3A_1863 = vector.shape_cast %get3A_1862 : vector<1x16xf32> to vector<16xf32>
        %add3A_1864 = arith.addf %get3A_1863, %get3A_1763 : vector<16xf32>
        %max3A_1865 = arith.maximumf %max3A_1851, %add3A_1864 : vector<16xf32>
        %min3A_1866 = arith.minimumf %min3A_1852, %add3A_1864 : vector<16xf32>
        %add3A_1867 = arith.addf %add3A_1853, %add3A_1864 : vector<16xf32>
        %mul3A_1868 = arith.mulf %add3A_1864, %add3A_1864 : vector<16xf32>
        %add3A_1869 = arith.addf %add3A_1855, %mul3A_1868 : vector<16xf32>
        %mul3A_1870 = arith.constant 16 : i32
        %mul3A_1871 = arith.muli %scan3A_119, %mul3A_1870 : i32
        %add3A_1872 = arith.constant 8 : i32
        %add3A_1873 = arith.addi %mul3A_1871, %add3A_1872 : i32
        %get3A_1874 = arith.index_cast %add3A_1873 : i32 to index
        %get3A_1875 = arith.constant 112 : index
        %get3A_1876 = tpu.vector_load %arg9[%get3A_1874, %get3A_1875] {strides = array<i32>} : memref<128x128xf32, #tpu.memory_space<vmem>>, vector<1x16xf32>,
        %get3A_1877 = vector.shape_cast %get3A_1876 : vector<1x16xf32> to vector<16xf32>
        %add3A_1878 = arith.addf %get3A_1877, %get3A_1763 : vector<16xf32>
        %max3A_1879 = arith.maximumf %max3A_1865, %add3A_1878 : vector<16xf32>
        %min3A_1880 = arith.minimumf %min3A_1866, %add3A_1878 : vector<16xf32>
        %add3A_1881 = arith.addf %add3A_1867, %add3A_1878 : vector<16xf32>
        %mul3A_1882 = arith.mulf %add3A_1878, %add3A_1878 : vector<16xf32>
        %add3A_1883 = arith.addf %add3A_1869, %mul3A_1882 : vector<16xf32>
        %mul3A_1884 = arith.constant 16 : i32
        %mul3A_1885 = arith.muli %scan3A_119, %mul3A_1884 : i32
        %add3A_1886 = arith.constant 9 : i32
        %add3A_1887 = arith.addi %mul3A_1885, %add3A_1886 : i32
        %get3A_1888 = arith.index_cast %add3A_1887 : i32 to index
        %get3A_1889 = arith.constant 112 : index
        %get3A_1890 = tpu.vector_load %arg9[%get3A_1888, %get3A_1889] {strides = array<i32>} : memref<128x128xf32, #tpu.memory_space<vmem>>, vector<1x16xf32>,
        %get3A_1891 = vector.shape_cast %get3A_1890 : vector<1x16xf32> to vector<16xf32>
        %add3A_1892 = arith.addf %get3A_1891, %get3A_1763 : vector<16xf32>
        %max3A_1893 = arith.maximumf %max3A_1879, %add3A_1892 : vector<16xf32>
        %min3A_1894 = arith.minimumf %min3A_1880, %add3A_1892 : vector<16xf32>
        %add3A_1895 = arith.addf %add3A_1881, %add3A_1892 : vector<16xf32>
        %mul3A_1896 = arith.mulf %add3A_1892, %add3A_1892 : vector<16xf32>
        %add3A_1897 = arith.addf %add3A_1883, %mul3A_1896 : vector<16xf32>
        %mul3A_1898 = arith.constant 16 : i32
        %mul3A_1899 = arith.muli %scan3A_119, %mul3A_1898 : i32
        %add3A_1900 = arith.constant 10 : i32
        %add3A_1901 = arith.addi %mul3A_1899, %add3A_1900 : i32
        %get3A_1902 = arith.index_cast %add3A_1901 : i32 to index
        %get3A_1903 = arith.constant 112 : index
        %get3A_1904 = tpu.vector_load %arg9[%get3A_1902, %get3A_1903] {strides = array<i32>} : memref<128x128xf32, #tpu.memory_space<vmem>>, vector<1x16xf32>,
        %get3A_1905 = vector.shape_cast %get3A_1904 : vector<1x16xf32> to vector<16xf32>
        %add3A_1906 = arith.addf %get3A_1905, %get3A_1763 : vector<16xf32>
        %max3A_1907 = arith.maximumf %max3A_1893, %add3A_1906 : vector<16xf32>
        %min3A_1908 = arith.minimumf %min3A_1894, %add3A_1906 : vector<16xf32>
        %add3A_1909 = arith.addf %add3A_1895, %add3A_1906 : vector<16xf32>
        %mul3A_1910 = arith.mulf %add3A_1906, %add3A_1906 : vector<16xf32>
        %add3A_1911 = arith.addf %add3A_1897, %mul3A_1910 : vector<16xf32>
        %mul3A_1912 = arith.constant 16 : i32
        %mul3A_1913 = arith.muli %scan3A_119, %mul3A_1912 : i32
        %add3A_1914 = arith.constant 11 : i32
        %add3A_1915 = arith.addi %mul3A_1913, %add3A_1914 : i32
        %get3A_1916 = arith.index_cast %add3A_1915 : i32 to index
        %get3A_1917 = arith.constant 112 : index
        %get3A_1918 = tpu.vector_load %arg9[%get3A_1916, %get3A_1917] {strides = array<i32>} : memref<128x128xf32, #tpu.memory_space<vmem>>, vector<1x16xf32>,
        %get3A_1919 = vector.shape_cast %get3A_1918 : vector<1x16xf32> to vector<16xf32>
        %add3A_1920 = arith.addf %get3A_1919, %get3A_1763 : vector<16xf32>
        %max3A_1921 = arith.maximumf %max3A_1907, %add3A_1920 : vector<16xf32>
        %min3A_1922 = arith.minimumf %min3A_1908, %add3A_1920 : vector<16xf32>
        %add3A_1923 = arith.addf %add3A_1909, %add3A_1920 : vector<16xf32>
        %mul3A_1924 = arith.mulf %add3A_1920, %add3A_1920 : vector<16xf32>
        %add3A_1925 = arith.addf %add3A_1911, %mul3A_1924 : vector<16xf32>
        %mul3A_1926 = arith.constant 16 : i32
        %mul3A_1927 = arith.muli %scan3A_119, %mul3A_1926 : i32
        %add3A_1928 = arith.constant 12 : i32
        %add3A_1929 = arith.addi %mul3A_1927, %add3A_1928 : i32
        %get3A_1930 = arith.index_cast %add3A_1929 : i32 to index
        %get3A_1931 = arith.constant 112 : index
        %get3A_1932 = tpu.vector_load %arg9[%get3A_1930, %get3A_1931] {strides = array<i32>} : memref<128x128xf32, #tpu.memory_space<vmem>>, vector<1x16xf32>,
        %get3A_1933 = vector.shape_cast %get3A_1932 : vector<1x16xf32> to vector<16xf32>
        %add3A_1934 = arith.addf %get3A_1933, %get3A_1763 : vector<16xf32>
        %max3A_1935 = arith.maximumf %max3A_1921, %add3A_1934 : vector<16xf32>
        %min3A_1936 = arith.minimumf %min3A_1922, %add3A_1934 : vector<16xf32>
        %add3A_1937 = arith.addf %add3A_1923, %add3A_1934 : vector<16xf32>
        %mul3A_1938 = arith.mulf %add3A_1934, %add3A_1934 : vector<16xf32>
        %add3A_1939 = arith.addf %add3A_1925, %mul3A_1938 : vector<16xf32>
        %mul3A_1940 = arith.constant 16 : i32
        %mul3A_1941 = arith.muli %scan3A_119, %mul3A_1940 : i32
        %add3A_1942 = arith.constant 13 : i32
        %add3A_1943 = arith.addi %mul3A_1941, %add3A_1942 : i32
        %get3A_1944 = arith.index_cast %add3A_1943 : i32 to index
        %get3A_1945 = arith.constant 112 : index
        %get3A_1946 = tpu.vector_load %arg9[%get3A_1944, %get3A_1945] {strides = array<i32>} : memref<128x128xf32, #tpu.memory_space<vmem>>, vector<1x16xf32>,
        %get3A_1947 = vector.shape_cast %get3A_1946 : vector<1x16xf32> to vector<16xf32>
        %add3A_1948 = arith.addf %get3A_1947, %get3A_1763 : vector<16xf32>
        %max3A_1949 = arith.maximumf %max3A_1935, %add3A_1948 : vector<16xf32>
        %min3A_1950 = arith.minimumf %min3A_1936, %add3A_1948 : vector<16xf32>
        %add3A_1951 = arith.addf %add3A_1937, %add3A_1948 : vector<16xf32>
        %mul3A_1952 = arith.mulf %add3A_1948, %add3A_1948 : vector<16xf32>
        %add3A_1953 = arith.addf %add3A_1939, %mul3A_1952 : vector<16xf32>
        %mul3A_1954 = arith.constant 16 : i32
        %mul3A_1955 = arith.muli %scan3A_119, %mul3A_1954 : i32
        %add3A_1956 = arith.constant 14 : i32
        %add3A_1957 = arith.addi %mul3A_1955, %add3A_1956 : i32
        %get3A_1958 = arith.index_cast %add3A_1957 : i32 to index
        %get3A_1959 = arith.constant 112 : index
        %get3A_1960 = tpu.vector_load %arg9[%get3A_1958, %get3A_1959] {strides = array<i32>} : memref<128x128xf32, #tpu.memory_space<vmem>>, vector<1x16xf32>,
        %get3A_1961 = vector.shape_cast %get3A_1960 : vector<1x16xf32> to vector<16xf32>
        %add3A_1962 = arith.addf %get3A_1961, %get3A_1763 : vector<16xf32>
        %max3A_1963 = arith.maximumf %max3A_1949, %add3A_1962 : vector<16xf32>
        %min3A_1964 = arith.minimumf %min3A_1950, %add3A_1962 : vector<16xf32>
        %add3A_1965 = arith.addf %add3A_1951, %add3A_1962 : vector<16xf32>
        %mul3A_1966 = arith.mulf %add3A_1962, %add3A_1962 : vector<16xf32>
        %add3A_1967 = arith.addf %add3A_1953, %mul3A_1966 : vector<16xf32>
        %mul3A_1968 = arith.constant 16 : i32
        %mul3A_1969 = arith.muli %scan3A_119, %mul3A_1968 : i32
        %add3A_1970 = arith.constant 15 : i32
        %add3A_1971 = arith.addi %mul3A_1969, %add3A_1970 : i32
        %get3A_1972 = arith.index_cast %add3A_1971 : i32 to index
        %get3A_1973 = arith.constant 112 : index
        %get3A_1974 = tpu.vector_load %arg9[%get3A_1972, %get3A_1973] {strides = array<i32>} : memref<128x128xf32, #tpu.memory_space<vmem>>, vector<1x16xf32>,
        %get3A_1975 = vector.shape_cast %get3A_1974 : vector<1x16xf32> to vector<16xf32>
        %add3A_1976 = arith.addf %get3A_1975, %get3A_1763 : vector<16xf32>
        %max3A_1977 = arith.maximumf %max3A_1963, %add3A_1976 : vector<16xf32>
        %min3A_1978 = arith.minimumf %min3A_1964, %add3A_1976 : vector<16xf32>
        %add3A_1979 = arith.addf %add3A_1965, %add3A_1976 : vector<16xf32>
        %mul3A_1980 = arith.mulf %add3A_1976, %add3A_1976 : vector<16xf32>
        %add3A_1981 = arith.addf %add3A_1967, %mul3A_1980 : vector<16xf32>
        %swap3A_1982 = arith.index_cast %scan3A_119 : i32 to index
        %swap3A_1983 = arith.constant 112 : index
        %swap3A_1984 = tpu.vector_load %arg11[%swap3A_1982, %swap3A_1983] {strides = array<i32>} : memref<8x128xf32, #tpu.memory_space<vmem>>, vector<1x16xf32>,
        %swap3A_1985 = vector.shape_cast %swap3A_1984 : vector<1x16xf32> to vector<16xf32>
        %swap3A_1986 = vector.shape_cast %max3A_1977 : vector<16xf32> to vector<1x16xf32>
        tpu.vector_store %arg11[%swap3A_1982, %swap3A_1983], %swap3A_1986 {strides = array<i32>} : memref<8x128xf32, #tpu.memory_space<vmem>>, vector<1x16xf32>,
        %swap3A_1987 = arith.index_cast %scan3A_119 : i32 to index
        %swap3A_1988 = arith.constant 112 : index
        %swap3A_1989 = tpu.vector_load %arg12[%swap3A_1987, %swap3A_1988] {strides = array<i32>} : memref<8x128xf32, #tpu.memory_space<vmem>>, vector<1x16xf32>,
        %swap3A_1990 = vector.shape_cast %swap3A_1989 : vector<1x16xf32> to vector<16xf32>
        %swap3A_1991 = vector.shape_cast %min3A_1978 : vector<16xf32> to vector<1x16xf32>
        tpu.vector_store %arg12[%swap3A_1987, %swap3A_1988], %swap3A_1991 {strides = array<i32>} : memref<8x128xf32, #tpu.memory_space<vmem>>, vector<1x16xf32>,
        %convert_element_type3A_1992 = arith.extui %lt3A_113 : i1 to i32
        %cond3A_1993 = arith.constant 0 : i32
        %cond3A_1994 = arith.cmpi ne, %convert_element_type3A_1992, %cond3A_1993 : i32
        scf.if %cond3A_1994 {
          %get3A_1995 = arith.constant 112 : index
          %get3A_1996 = tpu.vector_load %arg13[%get3A_1995] {strides = array<i32>} : memref<128xf32, #tpu.memory_space<vmem>>, vector<16xf32>,
          %get3A_1997 = vector.shape_cast %get3A_1996 : vector<16xf32> to vector<16xf32>
          %add3A_1998 = arith.addf %get3A_1997, %add3A_1979 : vector<16xf32>
          %swap3A_1999 = arith.constant 112 : index
          %swap3A_2000 = tpu.vector_load %arg13[%swap3A_1999] {strides = array<i32>} : memref<128xf32, #tpu.memory_space<vmem>>, vector<16xf32>,
          %swap3A_2001 = vector.shape_cast %swap3A_2000 : vector<16xf32> to vector<16xf32>
          %swap3A_2002 = vector.shape_cast %add3A_1998 : vector<16xf32> to vector<16xf32>
          tpu.vector_store %arg13[%swap3A_1999], %swap3A_2002 {strides = array<i32>} : memref<128xf32, #tpu.memory_space<vmem>>, vector<16xf32>,
          %get3A_2003 = arith.constant 112 : index
          %get3A_2004 = tpu.vector_load %arg14[%get3A_2003] {strides = array<i32>} : memref<128xf32, #tpu.memory_space<vmem>>, vector<16xf32>,
          %get3A_2005 = vector.shape_cast %get3A_2004 : vector<16xf32> to vector<16xf32>
          %add3A_2006 = arith.addf %get3A_2005, %add3A_1981 : vector<16xf32>
          %swap3A_2007 = arith.constant 112 : index
          %swap3A_2008 = tpu.vector_load %arg14[%swap3A_2007] {strides = array<i32>} : memref<128xf32, #tpu.memory_space<vmem>>, vector<16xf32>,
          %swap3A_2009 = vector.shape_cast %swap3A_2008 : vector<16xf32> to vector<16xf32>
          %swap3A_2010 = vector.shape_cast %add3A_2006 : vector<16xf32> to vector<16xf32>
          tpu.vector_store %arg14[%swap3A_2007], %swap3A_2010 {strides = array<i32>} : memref<128xf32, #tpu.memory_space<vmem>>, vector<16xf32>,
        } else {
        }
      }
      %scan3A_118 = arith.constant 8 : i32
      "tpu.region"() ({
        %run_scoped3A = tpu.sem_alloc : memref<!tpu.dma_semaphore, #tpu.memory_space<semaphore_mem>>
        %dma_start3A_119 = arith.constant 0 : i32
        %dma_start3A_120 = tpu.memref_slice %arg5[%add3A_106, %dma_start3A_119] : memref<10240x128xf32, #tpu.memory_space<hbm>> -> memref<8x128xf32, #tpu.memory_space<hbm>>
        %dma_start3A_121 = arith.constant 0 : i32
        %dma_start3A_122 = tpu.memref_slice %arg5[%add3A_106, %dma_start3A_121] : memref<10240x128xf32, #tpu.memory_space<hbm>> -> memref<8x128xf32, #tpu.memory_space<hbm>>
        tpu.enqueue_dma source(%arg11 : memref<8x128xf32, #tpu.memory_space<vmem>>) target(%dma_start3A_122 : memref<8x128xf32, #tpu.memory_space<hbm>>) target_semaphore(%run_scoped3A : memref<!tpu.dma_semaphore, #tpu.memory_space<semaphore_mem>>)
        %dma_wait3A_123 = arith.constant 0 : i32
        %dma_wait3A_124 = tpu.memref_slice %arg5[%add3A_106, %dma_wait3A_123] : memref<10240x128xf32, #tpu.memory_space<hbm>> -> memref<8x128xf32, #tpu.memory_space<hbm>>
        %dma_wait3A_125 = arith.constant 0 : i32
        %dma_wait3A_126 = tpu.memref_slice %arg5[%add3A_106, %dma_wait3A_125] : memref<10240x128xf32, #tpu.memory_space<hbm>> -> memref<8x128xf32, #tpu.memory_space<hbm>>
        tpu.wait_dma2 semaphore(%run_scoped3A : memref<!tpu.dma_semaphore, #tpu.memory_space<semaphore_mem>>) src(%arg11 : memref<8x128xf32, #tpu.memory_space<vmem>>) dst(%dma_wait3A_126 : memref<8x128xf32, #tpu.memory_space<hbm>>)
        tpu.yield
      }) : () -> ()
      "tpu.region"() ({
        %run_scoped3A = tpu.sem_alloc : memref<!tpu.dma_semaphore, #tpu.memory_space<semaphore_mem>>
        %dma_start3A_119 = arith.constant 0 : i32
        %dma_start3A_120 = tpu.memref_slice %arg6[%add3A_106, %dma_start3A_119] : memref<10240x128xf32, #tpu.memory_space<hbm>> -> memref<8x128xf32, #tpu.memory_space<hbm>>
        %dma_start3A_121 = arith.constant 0 : i32
        %dma_start3A_122 = tpu.memref_slice %arg6[%add3A_106, %dma_start3A_121] : memref<10240x128xf32, #tpu.memory_space<hbm>> -> memref<8x128xf32, #tpu.memory_space<hbm>>
        tpu.enqueue_dma source(%arg12 : memref<8x128xf32, #tpu.memory_space<vmem>>) target(%dma_start3A_122 : memref<8x128xf32, #tpu.memory_space<hbm>>) target_semaphore(%run_scoped3A : memref<!tpu.dma_semaphore, #tpu.memory_space<semaphore_mem>>)
        %dma_wait3A_123 = arith.constant 0 : i32
        %dma_wait3A_124 = tpu.memref_slice %arg6[%add3A_106, %dma_wait3A_123] : memref<10240x128xf32, #tpu.memory_space<hbm>> -> memref<8x128xf32, #tpu.memory_space<hbm>>
        %dma_wait3A_125 = arith.constant 0 : i32
        %dma_wait3A_126 = tpu.memref_slice %arg6[%add3A_106, %dma_wait3A_125] : memref<10240x128xf32, #tpu.memory_space<hbm>> -> memref<8x128xf32, #tpu.memory_space<hbm>>
        tpu.wait_dma2 semaphore(%run_scoped3A : memref<!tpu.dma_semaphore, #tpu.memory_space<semaphore_mem>>) src(%arg12 : memref<8x128xf32, #tpu.memory_space<vmem>>) dst(%dma_wait3A_126 : memref<8x128xf32, #tpu.memory_space<hbm>>)
        tpu.yield
      }) : () -> ()
    }
    %scan3A_100 = arith.constant 40 : i32
    "tpu.region"() ({
      %run_scoped3A = tpu.sem_alloc : memref<!tpu.dma_semaphore, #tpu.memory_space<semaphore_mem>>
      %dma_start3A = arith.constant 0 : i32
      %dma_start3A_103 = tpu.memref_slice %arg7[%add3A, %dma_start3A] : memref<64x128xf32, #tpu.memory_space<hbm>> -> memref<1x128xf32, #tpu.memory_space<hbm>>
      %dma_start3A_104 = tpu.memref_squeeze %dma_start3A_103 : memref<1x128xf32, #tpu.memory_space<hbm>> -> memref<128xf32, #tpu.memory_space<hbm>>
      %dma_start3A_105 = arith.constant 0 : i32
      %dma_start3A_106 = tpu.memref_slice %arg7[%add3A, %dma_start3A_105] : memref<64x128xf32, #tpu.memory_space<hbm>> -> memref<1x128xf32, #tpu.memory_space<hbm>>
      %dma_start3A_107 = tpu.memref_squeeze %dma_start3A_106 : memref<1x128xf32, #tpu.memory_space<hbm>> -> memref<128xf32, #tpu.memory_space<hbm>>
      tpu.enqueue_dma source(%arg13 : memref<128xf32, #tpu.memory_space<vmem>>) target(%dma_start3A_107 : memref<128xf32, #tpu.memory_space<hbm>>) target_semaphore(%run_scoped3A : memref<!tpu.dma_semaphore, #tpu.memory_space<semaphore_mem>>)
      %dma_wait3A = arith.constant 0 : i32
      %dma_wait3A_108 = tpu.memref_slice %arg7[%add3A, %dma_wait3A] : memref<64x128xf32, #tpu.memory_space<hbm>> -> memref<1x128xf32, #tpu.memory_space<hbm>>
      %dma_wait3A_109 = tpu.memref_squeeze %dma_wait3A_108 : memref<1x128xf32, #tpu.memory_space<hbm>> -> memref<128xf32, #tpu.memory_space<hbm>>
      %dma_wait3A_110 = arith.constant 0 : i32
      %dma_wait3A_111 = tpu.memref_slice %arg7[%add3A, %dma_wait3A_110] : memref<64x128xf32, #tpu.memory_space<hbm>> -> memref<1x128xf32, #tpu.memory_space<hbm>>
      %dma_wait3A_112 = tpu.memref_squeeze %dma_wait3A_111 : memref<1x128xf32, #tpu.memory_space<hbm>> -> memref<128xf32, #tpu.memory_space<hbm>>
      tpu.wait_dma2 semaphore(%run_scoped3A : memref<!tpu.dma_semaphore, #tpu.memory_space<semaphore_mem>>) src(%arg13 : memref<128xf32, #tpu.memory_space<vmem>>) dst(%dma_wait3A_112 : memref<128xf32, #tpu.memory_space<hbm>>)
      tpu.yield
    }) : () -> ()
    %add3A_101 = arith.constant 32 : i32
    %add3A_102 = arith.addi %add3A_101, %add3A : i32
    "tpu.region"() ({
      %run_scoped3A = tpu.sem_alloc : memref<!tpu.dma_semaphore, #tpu.memory_space<semaphore_mem>>
      %dma_start3A = arith.constant 0 : i32
      %dma_start3A_103 = tpu.memref_slice %arg7[%add3A_102, %dma_start3A] : memref<64x128xf32, #tpu.memory_space<hbm>> -> memref<1x128xf32, #tpu.memory_space<hbm>>
      %dma_start3A_104 = tpu.memref_squeeze %dma_start3A_103 : memref<1x128xf32, #tpu.memory_space<hbm>> -> memref<128xf32, #tpu.memory_space<hbm>>
      %dma_start3A_105 = arith.constant 0 : i32
      %dma_start3A_106 = tpu.memref_slice %arg7[%add3A_102, %dma_start3A_105] : memref<64x128xf32, #tpu.memory_space<hbm>> -> memref<1x128xf32, #tpu.memory_space<hbm>>
      %dma_start3A_107 = tpu.memref_squeeze %dma_start3A_106 : memref<1x128xf32, #tpu.memory_space<hbm>> -> memref<128xf32, #tpu.memory_space<hbm>>
      tpu.enqueue_dma source(%arg14 : memref<128xf32, #tpu.memory_space<vmem>>) target(%dma_start3A_107 : memref<128xf32, #tpu.memory_space<hbm>>) target_semaphore(%run_scoped3A : memref<!tpu.dma_semaphore, #tpu.memory_space<semaphore_mem>>)
      %dma_wait3A = arith.constant 0 : i32
      %dma_wait3A_108 = tpu.memref_slice %arg7[%add3A_102, %dma_wait3A] : memref<64x128xf32, #tpu.memory_space<hbm>> -> memref<1x128xf32, #tpu.memory_space<hbm>>
      %dma_wait3A_109 = tpu.memref_squeeze %dma_wait3A_108 : memref<1x128xf32, #tpu.memory_space<hbm>> -> memref<128xf32, #tpu.memory_space<hbm>>
      %dma_wait3A_110 = arith.constant 0 : i32
      %dma_wait3A_111 = tpu.memref_slice %arg7[%add3A_102, %dma_wait3A_110] : memref<64x128xf32, #tpu.memory_space<hbm>> -> memref<1x128xf32, #tpu.memory_space<hbm>>
      %dma_wait3A_112 = tpu.memref_squeeze %dma_wait3A_111 : memref<1x128xf32, #tpu.memory_space<hbm>> -> memref<128xf32, #tpu.memory_space<hbm>>
      tpu.wait_dma2 semaphore(%run_scoped3A : memref<!tpu.dma_semaphore, #tpu.memory_space<semaphore_mem>>) src(%arg14 : memref<128xf32, #tpu.memory_space<vmem>>) dst(%dma_wait3A_112 : memref<128xf32, #tpu.memory_space<hbm>>)
      tpu.yield
    }) : () -> ()
    return
  }
}

module attributes {stable_mosaic.version = 14 : i64} {
  func.func @_topk_body(%arg0: i32, %arg1: memref<128x128xf32, #tpu.memory_space<vmem>>, %arg2: memref<128x10240xf32, #tpu.memory_space<vmem>>, %arg3: memref<128x1xf32, #tpu.memory_space<vmem>>, %arg4: memref<1x10240xf32, #tpu.memory_space<vmem>>, %arg5: memref<128x128xf32, #tpu.memory_space<vmem>>, %arg6: memref<128x128xf32, #tpu.memory_space<vmem>>, %arg7: memref<128x16xi32, #tpu.memory_space<vmem>>, %arg8: memref<128x128xf32, #tpu.memory_space<vmem>>, %arg9: memref<128x128xf32, #tpu.memory_space<vmem>>) attributes {dimension_semantics = [#tpu.dimension_semantics<arbitrary>], iteration_bounds = array<i64: 80>, scalar_prefetch = 0 : i64, scratch_operands = 0 : i64, tpu.core_type = #tpu.core_type<tc>, window_params = [{transform_indices = @transform_0, window_bounds = array<i64: 128, 128>}, {pipeline_mode = #tpu.pipeline_mode<synchronous>, transform_indices = @transform_1, window_bounds = array<i64: 128, 10240>}, {transform_indices = @transform_2, window_bounds = array<i64: 128, 1>}, {pipeline_mode = #tpu.pipeline_mode<synchronous>, transform_indices = @transform_3, window_bounds = array<i64: 1, 10240>}, {pipeline_mode = #tpu.pipeline_mode<synchronous>, transform_indices = @transform_4, window_bounds = array<i64: 128, 128>}, {pipeline_mode = #tpu.pipeline_mode<synchronous>, transform_indices = @transform_5, window_bounds = array<i64: 128, 128>}, {transform_indices = @transform_6, window_bounds = array<i64: 128, 16>}, {transform_indices = @transform_7, window_bounds = array<i64: 128, 128>}, {transform_indices = @transform_8, window_bounds = array<i64: 128, 128>}]} {
    %get3A = arith.constant 0 : index
    %get3A_0 = arith.constant 0 : index
    %get3A_1 = vector.load %arg1[%get3A, %get3A_0] : memref<128x128xf32, #tpu.memory_space<vmem>>, vector<128x128xf32>
    %get3A_2 = arith.constant 0 : index
    %get3A_3 = arith.constant 0 : index
    %get3A_4 = vector.load %arg5[%get3A_2, %get3A_3] : memref<128x128xf32, #tpu.memory_space<vmem>>, vector<128x128xf32>
    %dot_general3A = arith.constant dense<0.000000e+00> : vector<128x128xf32>
    %dot_general3A_5 = tpu.matmul %get3A_1, %get3A_4, %dot_general3A {dimension_numbers = #tpu.dot_dimension_numbers<[1], [0], [0], [1], [0, 0, 1, 1], [], []>, precision = #tpu.contract_precision<fp32>, transpose_lhs_hint = false} : vector<128x128xf32>, vector<128x128xf32>, vector<128x128xf32> -> vector<128x128xf32>
    %swap3A = arith.constant 0 : index
    %swap3A_6 = arith.constant 0 : index
    %swap3A_7 = vector.load %arg8[%swap3A, %swap3A_6] : memref<128x128xf32, #tpu.memory_space<vmem>>, vector<128x128xf32>
    tpu.vector_store %arg8[%swap3A, %swap3A_6], %dot_general3A_5 {strides = array<i32>} : memref<128x128xf32, #tpu.memory_space<vmem>>, vector<128x128xf32>,
    %get3A_8 = arith.constant 0 : index
    %get3A_9 = arith.constant 0 : index
    %get3A_10 = vector.load %arg6[%get3A_8, %get3A_9] : memref<128x128xf32, #tpu.memory_space<vmem>>, vector<128x128xf32>
    %dot_general3A_11 = arith.constant dense<0.000000e+00> : vector<128x128xf32>
    %dot_general3A_12 = tpu.matmul %get3A_1, %get3A_10, %dot_general3A_11 {dimension_numbers = #tpu.dot_dimension_numbers<[1], [0], [0], [1], [0, 0, 1, 1], [], []>, precision = #tpu.contract_precision<fp32>, transpose_lhs_hint = false} : vector<128x128xf32>, vector<128x128xf32>, vector<128x128xf32> -> vector<128x128xf32>
    %swap3A_13 = arith.constant 0 : index
    %swap3A_14 = arith.constant 0 : index
    %swap3A_15 = vector.load %arg9[%swap3A_13, %swap3A_14] : memref<128x128xf32, #tpu.memory_space<vmem>>, vector<128x128xf32>
    tpu.vector_store %arg9[%swap3A_13, %swap3A_14], %dot_general3A_12 {strides = array<i32>} : memref<128x128xf32, #tpu.memory_space<vmem>>, vector<128x128xf32>,
    %get3A_16 = arith.constant 0 : index
    %get3A_17 = arith.constant 0 : index
    %get3A_18 = vector.load %arg3[%get3A_16, %get3A_17] : memref<128x1xf32, #tpu.memory_space<vmem>>, vector<128x1xf32>
    %get3A_19 = arith.constant 0 : index
    %get3A_20 = arith.constant 0 : index
    %get3A_21 = vector.load %arg2[%get3A_19, %get3A_20] : memref<128x10240xf32, #tpu.memory_space<vmem>>, vector<128x10240xf32>
    %dot_general3A_22 = arith.constant dense<0.000000e+00> : vector<128x10240xf32>
    %dot_general3A_23 = tpu.matmul %get3A_1, %get3A_21, %dot_general3A_22 {dimension_numbers = #tpu.dot_dimension_numbers<[1], [0], [0], [1], [0, 0, 1, 1], [], []>, transpose_lhs_hint = false} : vector<128x128xf32>, vector<128x10240xf32>, vector<128x10240xf32> -> vector<128x10240xf32>
    %get3A_24 = arith.constant 0 : index
    %get3A_25 = arith.constant 0 : index
    %get3A_26 = vector.load %arg4[%get3A_24, %get3A_25] : memref<1x10240xf32, #tpu.memory_space<vmem>>, vector<1x10240xf32>
    %iota3A = tpu.iota {dimensions = array<i32: 1>} : vector<1x10240xi32>
    %add3A = vector.broadcast %get3A_18 : vector<128x1xf32> to vector<128x10240xf32>
    %add3A_27 = vector.broadcast %get3A_26 : vector<1x10240xf32> to vector<128x10240xf32>
    %add3A_28 = arith.addf %add3A, %add3A_27 : vector<128x10240xf32>
    %mul3A = arith.constant 2.000000e+00 : f32
    %mul3A_29 = vector.broadcast %mul3A : f32 to vector<128x10240xf32>
    %mul3A_30 = arith.mulf %mul3A_29, %dot_general3A_23 : vector<128x10240xf32>
    %sub3A = arith.subf %add3A_28, %mul3A_30 : vector<128x10240xf32>
    %ge3A = arith.constant 10000 : i32
    %ge3A_31 = vector.broadcast %ge3A : i32 to vector<1x10240xi32>
    %ge3A_32 = arith.cmpi sge, %iota3A, %ge3A_31 : vector<1x10240xi32>
    %jit3A = arith.constant 1.000000e+30 : f32
    %broadcast_in_dim3A = vector.shape_cast %ge3A_32 : vector<1x10240xi1> to vector<1x10240xi1>
    %broadcast_in_dim3A_33 = vector.broadcast %broadcast_in_dim3A : vector<1x10240xi1> to vector<128x10240xi1>
    %broadcast_in_dim3A_34 = vector.broadcast %jit3A : f32 to vector<128x10240xf32>
    %select_n3A = arith.select %broadcast_in_dim3A_33, %broadcast_in_dim3A_34, %sub3A : vector<128x10240xi1>, vector<128x10240xf32>
    %iota3A_35 = tpu.iota {dimensions = array<i32: 1>} : vector<64x5120xi32>
    %add3A_36 = arith.constant 5120 : i32
    %add3A_37 = vector.broadcast %add3A_36 : i32 to vector<64x5120xi32>
    %add3A_38 = arith.addi %iota3A_35, %add3A_37 : vector<64x5120xi32>
    %add3A_39 = arith.addi %iota3A_35, %add3A_38 : vector<64x5120xi32>
    %slice3A = vector.extract_strided_slice %select_n3A {offsets = [0, 0], sizes = [64, 10240], strides = [1, 1]} : vector<128x10240xf32> to vector<64x10240xf32>
    %slice3A_40 = vector.extract_strided_slice %slice3A {offsets = [0, 0], sizes = [64, 5120], strides = [1, 1]} : vector<64x10240xf32> to vector<64x5120xf32>
    %slice3A_41 = vector.extract_strided_slice %slice3A {offsets = [0, 5120], sizes = [64, 5120], strides = [1, 1]} : vector<64x10240xf32> to vector<64x5120xf32>
    %le3A = arith.cmpf ole, %slice3A_40, %slice3A_41 : vector<64x5120xf32>
    %select_n3A_42 = arith.select %le3A, %slice3A_40, %slice3A_41 : vector<64x5120xi1>, vector<64x5120xf32>
    %select_n3A_43 = arith.select %le3A, %slice3A_41, %slice3A_40 : vector<64x5120xi1>, vector<64x5120xf32>
    %select_n3A_44 = arith.select %le3A, %iota3A_35, %add3A_38 : vector<64x5120xi1>, vector<64x5120xi32>
    %slice3A_45 = vector.extract_strided_slice %select_n3A {offsets = [64, 0], sizes = [64, 10240], strides = [1, 1]} : vector<128x10240xf32> to vector<64x10240xf32>
    %slice3A_46 = vector.extract_strided_slice %slice3A_45 {offsets = [0, 0], sizes = [64, 5120], strides = [1, 1]} : vector<64x10240xf32> to vector<64x5120xf32>
    %slice3A_47 = vector.extract_strided_slice %slice3A_45 {offsets = [0, 5120], sizes = [64, 5120], strides = [1, 1]} : vector<64x10240xf32> to vector<64x5120xf32>
    %le3A_48 = arith.cmpf ole, %slice3A_46, %slice3A_47 : vector<64x5120xf32>
    %select_n3A_49 = arith.select %le3A_48, %slice3A_46, %slice3A_47 : vector<64x5120xi1>, vector<64x5120xf32>
    %select_n3A_50 = arith.select %le3A_48, %slice3A_47, %slice3A_46 : vector<64x5120xi1>, vector<64x5120xf32>
    %select_n3A_51 = arith.select %le3A_48, %iota3A_35, %add3A_38 : vector<64x5120xi1>, vector<64x5120xi32>
    %reduce_min3A = arith.constant dense<0x7F800000> : vector<64xf32>
    %reduce_min3A_52 = vector.multi_reduction <minimumf>, %select_n3A_42, %reduce_min3A [1] : vector<64x5120xf32> to vector<64xf32>
    %broadcast_in_dim3A_53 = vector.shape_cast %reduce_min3A_52 : vector<64xf32> to vector<64x1xf32>
    %eq3A = vector.broadcast %broadcast_in_dim3A_53 : vector<64x1xf32> to vector<64x5120xf32>
    %eq3A_54 = arith.cmpf oeq, %select_n3A_42, %eq3A : vector<64x5120xf32>
    %jit3A_55 = arith.constant 2147483647 : i32
    %broadcast_in_dim3A_56 = vector.broadcast %jit3A_55 : i32 to vector<64x5120xi32>
    %select_n3A_57 = arith.select %eq3A_54, %select_n3A_44, %broadcast_in_dim3A_56 : vector<64x5120xi1>, vector<64x5120xi32>
    %reduce_min3A_58 = arith.constant dense<2147483647> : vector<64xi32>
    %reduce_min3A_59 = vector.multi_reduction <minsi>, %select_n3A_57, %reduce_min3A_58 [1] : vector<64x5120xi32> to vector<64xi32>
    %broadcast_in_dim3A_60 = vector.shape_cast %reduce_min3A_59 : vector<64xi32> to vector<64x1xi32>
    %eq3A_61 = vector.broadcast %broadcast_in_dim3A_60 : vector<64x1xi32> to vector<64x5120xi32>
    %eq3A_62 = arith.cmpi eq, %select_n3A_57, %eq3A_61 : vector<64x5120xi32>
    %select_n3A_63 = arith.select %eq3A_62, %select_n3A_43, %select_n3A_42 : vector<64x5120xi1>, vector<64x5120xf32>
    %sub3A_64 = arith.subi %add3A_39, %select_n3A_44 : vector<64x5120xi32>
    %select_n3A_65 = arith.select %eq3A_62, %sub3A_64, %select_n3A_44 : vector<64x5120xi1>, vector<64x5120xi32>
    %jit3A_66 = arith.constant 3.000000e+30 : f32
    %broadcast_in_dim3A_67 = vector.broadcast %jit3A_66 : f32 to vector<64x5120xf32>
    %select_n3A_68 = arith.select %eq3A_62, %broadcast_in_dim3A_67, %select_n3A_43 : vector<64x5120xi1>, vector<64x5120xf32>
    %reduce_min3A_69 = arith.constant dense<0x7F800000> : vector<64xf32>
    %reduce_min3A_70 = vector.multi_reduction <minimumf>, %select_n3A_49, %reduce_min3A_69 [1] : vector<64x5120xf32> to vector<64xf32>
    %broadcast_in_dim3A_71 = vector.shape_cast %reduce_min3A_70 : vector<64xf32> to vector<64x1xf32>
    %eq3A_72 = vector.broadcast %broadcast_in_dim3A_71 : vector<64x1xf32> to vector<64x5120xf32>
    %eq3A_73 = arith.cmpf oeq, %select_n3A_49, %eq3A_72 : vector<64x5120xf32>
    %jit3A_74 = arith.constant 2147483647 : i32
    %broadcast_in_dim3A_75 = vector.broadcast %jit3A_74 : i32 to vector<64x5120xi32>
    %select_n3A_76 = arith.select %eq3A_73, %select_n3A_51, %broadcast_in_dim3A_75 : vector<64x5120xi1>, vector<64x5120xi32>
    %reduce_min3A_77 = arith.constant dense<2147483647> : vector<64xi32>
    %reduce_min3A_78 = vector.multi_reduction <minsi>, %select_n3A_76, %reduce_min3A_77 [1] : vector<64x5120xi32> to vector<64xi32>
    %broadcast_in_dim3A_79 = vector.shape_cast %reduce_min3A_78 : vector<64xi32> to vector<64x1xi32>
    %eq3A_80 = vector.broadcast %broadcast_in_dim3A_79 : vector<64x1xi32> to vector<64x5120xi32>
    %eq3A_81 = arith.cmpi eq, %select_n3A_76, %eq3A_80 : vector<64x5120xi32>
    %select_n3A_82 = arith.select %eq3A_81, %select_n3A_50, %select_n3A_49 : vector<64x5120xi1>, vector<64x5120xf32>
    %sub3A_83 = arith.subi %add3A_39, %select_n3A_51 : vector<64x5120xi32>
    %select_n3A_84 = arith.select %eq3A_81, %sub3A_83, %select_n3A_51 : vector<64x5120xi1>, vector<64x5120xi32>
    %jit3A_85 = arith.constant 3.000000e+30 : f32
    %broadcast_in_dim3A_86 = vector.broadcast %jit3A_85 : f32 to vector<64x5120xf32>
    %select_n3A_87 = arith.select %eq3A_81, %broadcast_in_dim3A_86, %select_n3A_50 : vector<64x5120xi1>, vector<64x5120xf32>
    %reduce_min3A_88 = arith.constant dense<0x7F800000> : vector<64xf32>
    %reduce_min3A_89 = vector.multi_reduction <minimumf>, %select_n3A_63, %reduce_min3A_88 [1] : vector<64x5120xf32> to vector<64xf32>
    %broadcast_in_dim3A_90 = vector.shape_cast %reduce_min3A_89 : vector<64xf32> to vector<64x1xf32>
    %eq3A_91 = vector.broadcast %broadcast_in_dim3A_90 : vector<64x1xf32> to vector<64x5120xf32>
    %eq3A_92 = arith.cmpf oeq, %select_n3A_63, %eq3A_91 : vector<64x5120xf32>
    %jit3A_93 = arith.constant 2147483647 : i32
    %broadcast_in_dim3A_94 = vector.broadcast %jit3A_93 : i32 to vector<64x5120xi32>
    %select_n3A_95 = arith.select %eq3A_92, %select_n3A_65, %broadcast_in_dim3A_94 : vector<64x5120xi1>, vector<64x5120xi32>
    %reduce_min3A_96 = arith.constant dense<2147483647> : vector<64xi32>
    %reduce_min3A_97 = vector.multi_reduction <minsi>, %select_n3A_95, %reduce_min3A_96 [1] : vector<64x5120xi32> to vector<64xi32>
    %broadcast_in_dim3A_98 = vector.shape_cast %reduce_min3A_97 : vector<64xi32> to vector<64x1xi32>
    %eq3A_99 = vector.broadcast %broadcast_in_dim3A_98 : vector<64x1xi32> to vector<64x5120xi32>
    %eq3A_100 = arith.cmpi eq, %select_n3A_95, %eq3A_99 : vector<64x5120xi32>
    %select_n3A_101 = arith.select %eq3A_100, %select_n3A_68, %select_n3A_63 : vector<64x5120xi1>, vector<64x5120xf32>
    %sub3A_102 = arith.subi %add3A_39, %select_n3A_65 : vector<64x5120xi32>
    %select_n3A_103 = arith.select %eq3A_100, %sub3A_102, %select_n3A_65 : vector<64x5120xi1>, vector<64x5120xi32>
    %jit3A_104 = arith.constant 3.000000e+30 : f32
    %broadcast_in_dim3A_105 = vector.broadcast %jit3A_104 : f32 to vector<64x5120xf32>
    %select_n3A_106 = arith.select %eq3A_100, %broadcast_in_dim3A_105, %select_n3A_68 : vector<64x5120xi1>, vector<64x5120xf32>
    %reduce_min3A_107 = arith.constant dense<0x7F800000> : vector<64xf32>
    %reduce_min3A_108 = vector.multi_reduction <minimumf>, %select_n3A_82, %reduce_min3A_107 [1] : vector<64x5120xf32> to vector<64xf32>
    %broadcast_in_dim3A_109 = vector.shape_cast %reduce_min3A_108 : vector<64xf32> to vector<64x1xf32>
    %eq3A_110 = vector.broadcast %broadcast_in_dim3A_109 : vector<64x1xf32> to vector<64x5120xf32>
    %eq3A_111 = arith.cmpf oeq, %select_n3A_82, %eq3A_110 : vector<64x5120xf32>
    %jit3A_112 = arith.constant 2147483647 : i32
    %broadcast_in_dim3A_113 = vector.broadcast %jit3A_112 : i32 to vector<64x5120xi32>
    %select_n3A_114 = arith.select %eq3A_111, %select_n3A_84, %broadcast_in_dim3A_113 : vector<64x5120xi1>, vector<64x5120xi32>
    %reduce_min3A_115 = arith.constant dense<2147483647> : vector<64xi32>
    %reduce_min3A_116 = vector.multi_reduction <minsi>, %select_n3A_114, %reduce_min3A_115 [1] : vector<64x5120xi32> to vector<64xi32>
    %broadcast_in_dim3A_117 = vector.shape_cast %reduce_min3A_116 : vector<64xi32> to vector<64x1xi32>
    %eq3A_118 = vector.broadcast %broadcast_in_dim3A_117 : vector<64x1xi32> to vector<64x5120xi32>
    %eq3A_119 = arith.cmpi eq, %select_n3A_114, %eq3A_118 : vector<64x5120xi32>
    %select_n3A_120 = arith.select %eq3A_119, %select_n3A_87, %select_n3A_82 : vector<64x5120xi1>, vector<64x5120xf32>
    %sub3A_121 = arith.subi %add3A_39, %select_n3A_84 : vector<64x5120xi32>
    %select_n3A_122 = arith.select %eq3A_119, %sub3A_121, %select_n3A_84 : vector<64x5120xi1>, vector<64x5120xi32>
    %jit3A_123 = arith.constant 3.000000e+30 : f32
    %broadcast_in_dim3A_124 = vector.broadcast %jit3A_123 : f32 to vector<64x5120xf32>
    %select_n3A_125 = arith.select %eq3A_119, %broadcast_in_dim3A_124, %select_n3A_87 : vector<64x5120xi1>, vector<64x5120xf32>
    %reduce_min3A_126 = arith.constant dense<0x7F800000> : vector<64xf32>
    %reduce_min3A_127 = vector.multi_reduction <minimumf>, %select_n3A_101, %reduce_min3A_126 [1] : vector<64x5120xf32> to vector<64xf32>
    %broadcast_in_dim3A_128 = vector.shape_cast %reduce_min3A_127 : vector<64xf32> to vector<64x1xf32>
    %eq3A_129 = vector.broadcast %broadcast_in_dim3A_128 : vector<64x1xf32> to vector<64x5120xf32>
    %eq3A_130 = arith.cmpf oeq, %select_n3A_101, %eq3A_129 : vector<64x5120xf32>
    %jit3A_131 = arith.constant 2147483647 : i32
    %broadcast_in_dim3A_132 = vector.broadcast %jit3A_131 : i32 to vector<64x5120xi32>
    %select_n3A_133 = arith.select %eq3A_130, %select_n3A_103, %broadcast_in_dim3A_132 : vector<64x5120xi1>, vector<64x5120xi32>
    %reduce_min3A_134 = arith.constant dense<2147483647> : vector<64xi32>
    %reduce_min3A_135 = vector.multi_reduction <minsi>, %select_n3A_133, %reduce_min3A_134 [1] : vector<64x5120xi32> to vector<64xi32>
    %broadcast_in_dim3A_136 = vector.shape_cast %reduce_min3A_135 : vector<64xi32> to vector<64x1xi32>
    %eq3A_137 = vector.broadcast %broadcast_in_dim3A_136 : vector<64x1xi32> to vector<64x5120xi32>
    %eq3A_138 = arith.cmpi eq, %select_n3A_133, %eq3A_137 : vector<64x5120xi32>
    %select_n3A_139 = arith.select %eq3A_138, %select_n3A_106, %select_n3A_101 : vector<64x5120xi1>, vector<64x5120xf32>
    %sub3A_140 = arith.subi %add3A_39, %select_n3A_103 : vector<64x5120xi32>
    %select_n3A_141 = arith.select %eq3A_138, %sub3A_140, %select_n3A_103 : vector<64x5120xi1>, vector<64x5120xi32>
    %jit3A_142 = arith.constant 3.000000e+30 : f32
    %broadcast_in_dim3A_143 = vector.broadcast %jit3A_142 : f32 to vector<64x5120xf32>
    %select_n3A_144 = arith.select %eq3A_138, %broadcast_in_dim3A_143, %select_n3A_106 : vector<64x5120xi1>, vector<64x5120xf32>
    %reduce_min3A_145 = arith.constant dense<0x7F800000> : vector<64xf32>
    %reduce_min3A_146 = vector.multi_reduction <minimumf>, %select_n3A_120, %reduce_min3A_145 [1] : vector<64x5120xf32> to vector<64xf32>
    %broadcast_in_dim3A_147 = vector.shape_cast %reduce_min3A_146 : vector<64xf32> to vector<64x1xf32>
    %eq3A_148 = vector.broadcast %broadcast_in_dim3A_147 : vector<64x1xf32> to vector<64x5120xf32>
    %eq3A_149 = arith.cmpf oeq, %select_n3A_120, %eq3A_148 : vector<64x5120xf32>
    %jit3A_150 = arith.constant 2147483647 : i32
    %broadcast_in_dim3A_151 = vector.broadcast %jit3A_150 : i32 to vector<64x5120xi32>
    %select_n3A_152 = arith.select %eq3A_149, %select_n3A_122, %broadcast_in_dim3A_151 : vector<64x5120xi1>, vector<64x5120xi32>
    %reduce_min3A_153 = arith.constant dense<2147483647> : vector<64xi32>
    %reduce_min3A_154 = vector.multi_reduction <minsi>, %select_n3A_152, %reduce_min3A_153 [1] : vector<64x5120xi32> to vector<64xi32>
    %broadcast_in_dim3A_155 = vector.shape_cast %reduce_min3A_154 : vector<64xi32> to vector<64x1xi32>
    %eq3A_156 = vector.broadcast %broadcast_in_dim3A_155 : vector<64x1xi32> to vector<64x5120xi32>
    %eq3A_157 = arith.cmpi eq, %select_n3A_152, %eq3A_156 : vector<64x5120xi32>
    %select_n3A_158 = arith.select %eq3A_157, %select_n3A_125, %select_n3A_120 : vector<64x5120xi1>, vector<64x5120xf32>
    %sub3A_159 = arith.subi %add3A_39, %select_n3A_122 : vector<64x5120xi32>
    %select_n3A_160 = arith.select %eq3A_157, %sub3A_159, %select_n3A_122 : vector<64x5120xi1>, vector<64x5120xi32>
    %jit3A_161 = arith.constant 3.000000e+30 : f32
    %broadcast_in_dim3A_162 = vector.broadcast %jit3A_161 : f32 to vector<64x5120xf32>
    %select_n3A_163 = arith.select %eq3A_157, %broadcast_in_dim3A_162, %select_n3A_125 : vector<64x5120xi1>, vector<64x5120xf32>
    %reduce_min3A_164 = arith.constant dense<0x7F800000> : vector<64xf32>
    %reduce_min3A_165 = vector.multi_reduction <minimumf>, %select_n3A_139, %reduce_min3A_164 [1] : vector<64x5120xf32> to vector<64xf32>
    %broadcast_in_dim3A_166 = vector.shape_cast %reduce_min3A_165 : vector<64xf32> to vector<64x1xf32>
    %eq3A_167 = vector.broadcast %broadcast_in_dim3A_166 : vector<64x1xf32> to vector<64x5120xf32>
    %eq3A_168 = arith.cmpf oeq, %select_n3A_139, %eq3A_167 : vector<64x5120xf32>
    %jit3A_169 = arith.constant 2147483647 : i32
    %broadcast_in_dim3A_170 = vector.broadcast %jit3A_169 : i32 to vector<64x5120xi32>
    %select_n3A_171 = arith.select %eq3A_168, %select_n3A_141, %broadcast_in_dim3A_170 : vector<64x5120xi1>, vector<64x5120xi32>
    %reduce_min3A_172 = arith.constant dense<2147483647> : vector<64xi32>
    %reduce_min3A_173 = vector.multi_reduction <minsi>, %select_n3A_171, %reduce_min3A_172 [1] : vector<64x5120xi32> to vector<64xi32>
    %broadcast_in_dim3A_174 = vector.shape_cast %reduce_min3A_173 : vector<64xi32> to vector<64x1xi32>
    %eq3A_175 = vector.broadcast %broadcast_in_dim3A_174 : vector<64x1xi32> to vector<64x5120xi32>
    %eq3A_176 = arith.cmpi eq, %select_n3A_171, %eq3A_175 : vector<64x5120xi32>
    %select_n3A_177 = arith.select %eq3A_176, %select_n3A_144, %select_n3A_139 : vector<64x5120xi1>, vector<64x5120xf32>
    %sub3A_178 = arith.subi %add3A_39, %select_n3A_141 : vector<64x5120xi32>
    %select_n3A_179 = arith.select %eq3A_176, %sub3A_178, %select_n3A_141 : vector<64x5120xi1>, vector<64x5120xi32>
    %jit3A_180 = arith.constant 3.000000e+30 : f32
    %broadcast_in_dim3A_181 = vector.broadcast %jit3A_180 : f32 to vector<64x5120xf32>
    %select_n3A_182 = arith.select %eq3A_176, %broadcast_in_dim3A_181, %select_n3A_144 : vector<64x5120xi1>, vector<64x5120xf32>
    %reduce_min3A_183 = arith.constant dense<0x7F800000> : vector<64xf32>
    %reduce_min3A_184 = vector.multi_reduction <minimumf>, %select_n3A_158, %reduce_min3A_183 [1] : vector<64x5120xf32> to vector<64xf32>
    %broadcast_in_dim3A_185 = vector.shape_cast %reduce_min3A_184 : vector<64xf32> to vector<64x1xf32>
    %eq3A_186 = vector.broadcast %broadcast_in_dim3A_185 : vector<64x1xf32> to vector<64x5120xf32>
    %eq3A_187 = arith.cmpf oeq, %select_n3A_158, %eq3A_186 : vector<64x5120xf32>
    %jit3A_188 = arith.constant 2147483647 : i32
    %broadcast_in_dim3A_189 = vector.broadcast %jit3A_188 : i32 to vector<64x5120xi32>
    %select_n3A_190 = arith.select %eq3A_187, %select_n3A_160, %broadcast_in_dim3A_189 : vector<64x5120xi1>, vector<64x5120xi32>
    %reduce_min3A_191 = arith.constant dense<2147483647> : vector<64xi32>
    %reduce_min3A_192 = vector.multi_reduction <minsi>, %select_n3A_190, %reduce_min3A_191 [1] : vector<64x5120xi32> to vector<64xi32>
    %broadcast_in_dim3A_193 = vector.shape_cast %reduce_min3A_192 : vector<64xi32> to vector<64x1xi32>
    %eq3A_194 = vector.broadcast %broadcast_in_dim3A_193 : vector<64x1xi32> to vector<64x5120xi32>
    %eq3A_195 = arith.cmpi eq, %select_n3A_190, %eq3A_194 : vector<64x5120xi32>
    %select_n3A_196 = arith.select %eq3A_195, %select_n3A_163, %select_n3A_158 : vector<64x5120xi1>, vector<64x5120xf32>
    %sub3A_197 = arith.subi %add3A_39, %select_n3A_160 : vector<64x5120xi32>
    %select_n3A_198 = arith.select %eq3A_195, %sub3A_197, %select_n3A_160 : vector<64x5120xi1>, vector<64x5120xi32>
    %jit3A_199 = arith.constant 3.000000e+30 : f32
    %broadcast_in_dim3A_200 = vector.broadcast %jit3A_199 : f32 to vector<64x5120xf32>
    %select_n3A_201 = arith.select %eq3A_195, %broadcast_in_dim3A_200, %select_n3A_163 : vector<64x5120xi1>, vector<64x5120xf32>
    %reduce_min3A_202 = arith.constant dense<0x7F800000> : vector<64xf32>
    %reduce_min3A_203 = vector.multi_reduction <minimumf>, %select_n3A_177, %reduce_min3A_202 [1] : vector<64x5120xf32> to vector<64xf32>
    %broadcast_in_dim3A_204 = vector.shape_cast %reduce_min3A_203 : vector<64xf32> to vector<64x1xf32>
    %eq3A_205 = vector.broadcast %broadcast_in_dim3A_204 : vector<64x1xf32> to vector<64x5120xf32>
    %eq3A_206 = arith.cmpf oeq, %select_n3A_177, %eq3A_205 : vector<64x5120xf32>
    %jit3A_207 = arith.constant 2147483647 : i32
    %broadcast_in_dim3A_208 = vector.broadcast %jit3A_207 : i32 to vector<64x5120xi32>
    %select_n3A_209 = arith.select %eq3A_206, %select_n3A_179, %broadcast_in_dim3A_208 : vector<64x5120xi1>, vector<64x5120xi32>
    %reduce_min3A_210 = arith.constant dense<2147483647> : vector<64xi32>
    %reduce_min3A_211 = vector.multi_reduction <minsi>, %select_n3A_209, %reduce_min3A_210 [1] : vector<64x5120xi32> to vector<64xi32>
    %broadcast_in_dim3A_212 = vector.shape_cast %reduce_min3A_211 : vector<64xi32> to vector<64x1xi32>
    %eq3A_213 = vector.broadcast %broadcast_in_dim3A_212 : vector<64x1xi32> to vector<64x5120xi32>
    %eq3A_214 = arith.cmpi eq, %select_n3A_209, %eq3A_213 : vector<64x5120xi32>
    %select_n3A_215 = arith.select %eq3A_214, %select_n3A_182, %select_n3A_177 : vector<64x5120xi1>, vector<64x5120xf32>
    %sub3A_216 = arith.subi %add3A_39, %select_n3A_179 : vector<64x5120xi32>
    %select_n3A_217 = arith.select %eq3A_214, %sub3A_216, %select_n3A_179 : vector<64x5120xi1>, vector<64x5120xi32>
    %jit3A_218 = arith.constant 3.000000e+30 : f32
    %broadcast_in_dim3A_219 = vector.broadcast %jit3A_218 : f32 to vector<64x5120xf32>
    %select_n3A_220 = arith.select %eq3A_214, %broadcast_in_dim3A_219, %select_n3A_182 : vector<64x5120xi1>, vector<64x5120xf32>
    %reduce_min3A_221 = arith.constant dense<0x7F800000> : vector<64xf32>
    %reduce_min3A_222 = vector.multi_reduction <minimumf>, %select_n3A_196, %reduce_min3A_221 [1] : vector<64x5120xf32> to vector<64xf32>
    %broadcast_in_dim3A_223 = vector.shape_cast %reduce_min3A_222 : vector<64xf32> to vector<64x1xf32>
    %eq3A_224 = vector.broadcast %broadcast_in_dim3A_223 : vector<64x1xf32> to vector<64x5120xf32>
    %eq3A_225 = arith.cmpf oeq, %select_n3A_196, %eq3A_224 : vector<64x5120xf32>
    %jit3A_226 = arith.constant 2147483647 : i32
    %broadcast_in_dim3A_227 = vector.broadcast %jit3A_226 : i32 to vector<64x5120xi32>
    %select_n3A_228 = arith.select %eq3A_225, %select_n3A_198, %broadcast_in_dim3A_227 : vector<64x5120xi1>, vector<64x5120xi32>
    %reduce_min3A_229 = arith.constant dense<2147483647> : vector<64xi32>
    %reduce_min3A_230 = vector.multi_reduction <minsi>, %select_n3A_228, %reduce_min3A_229 [1] : vector<64x5120xi32> to vector<64xi32>
    %broadcast_in_dim3A_231 = vector.shape_cast %reduce_min3A_230 : vector<64xi32> to vector<64x1xi32>
    %eq3A_232 = vector.broadcast %broadcast_in_dim3A_231 : vector<64x1xi32> to vector<64x5120xi32>
    %eq3A_233 = arith.cmpi eq, %select_n3A_228, %eq3A_232 : vector<64x5120xi32>
    %select_n3A_234 = arith.select %eq3A_233, %select_n3A_201, %select_n3A_196 : vector<64x5120xi1>, vector<64x5120xf32>
    %sub3A_235 = arith.subi %add3A_39, %select_n3A_198 : vector<64x5120xi32>
    %select_n3A_236 = arith.select %eq3A_233, %sub3A_235, %select_n3A_198 : vector<64x5120xi1>, vector<64x5120xi32>
    %jit3A_237 = arith.constant 3.000000e+30 : f32
    %broadcast_in_dim3A_238 = vector.broadcast %jit3A_237 : f32 to vector<64x5120xf32>
    %select_n3A_239 = arith.select %eq3A_233, %broadcast_in_dim3A_238, %select_n3A_201 : vector<64x5120xi1>, vector<64x5120xf32>
    %reduce_min3A_240 = arith.constant dense<0x7F800000> : vector<64xf32>
    %reduce_min3A_241 = vector.multi_reduction <minimumf>, %select_n3A_215, %reduce_min3A_240 [1] : vector<64x5120xf32> to vector<64xf32>
    %broadcast_in_dim3A_242 = vector.shape_cast %reduce_min3A_241 : vector<64xf32> to vector<64x1xf32>
    %eq3A_243 = vector.broadcast %broadcast_in_dim3A_242 : vector<64x1xf32> to vector<64x5120xf32>
    %eq3A_244 = arith.cmpf oeq, %select_n3A_215, %eq3A_243 : vector<64x5120xf32>
    %jit3A_245 = arith.constant 2147483647 : i32
    %broadcast_in_dim3A_246 = vector.broadcast %jit3A_245 : i32 to vector<64x5120xi32>
    %select_n3A_247 = arith.select %eq3A_244, %select_n3A_217, %broadcast_in_dim3A_246 : vector<64x5120xi1>, vector<64x5120xi32>
    %reduce_min3A_248 = arith.constant dense<2147483647> : vector<64xi32>
    %reduce_min3A_249 = vector.multi_reduction <minsi>, %select_n3A_247, %reduce_min3A_248 [1] : vector<64x5120xi32> to vector<64xi32>
    %broadcast_in_dim3A_250 = vector.shape_cast %reduce_min3A_249 : vector<64xi32> to vector<64x1xi32>
    %eq3A_251 = vector.broadcast %broadcast_in_dim3A_250 : vector<64x1xi32> to vector<64x5120xi32>
    %eq3A_252 = arith.cmpi eq, %select_n3A_247, %eq3A_251 : vector<64x5120xi32>
    %select_n3A_253 = arith.select %eq3A_252, %select_n3A_220, %select_n3A_215 : vector<64x5120xi1>, vector<64x5120xf32>
    %sub3A_254 = arith.subi %add3A_39, %select_n3A_217 : vector<64x5120xi32>
    %select_n3A_255 = arith.select %eq3A_252, %sub3A_254, %select_n3A_217 : vector<64x5120xi1>, vector<64x5120xi32>
    %jit3A_256 = arith.constant 3.000000e+30 : f32
    %broadcast_in_dim3A_257 = vector.broadcast %jit3A_256 : f32 to vector<64x5120xf32>
    %select_n3A_258 = arith.select %eq3A_252, %broadcast_in_dim3A_257, %select_n3A_220 : vector<64x5120xi1>, vector<64x5120xf32>
    %reduce_min3A_259 = arith.constant dense<0x7F800000> : vector<64xf32>
    %reduce_min3A_260 = vector.multi_reduction <minimumf>, %select_n3A_234, %reduce_min3A_259 [1] : vector<64x5120xf32> to vector<64xf32>
    %broadcast_in_dim3A_261 = vector.shape_cast %reduce_min3A_260 : vector<64xf32> to vector<64x1xf32>
    %eq3A_262 = vector.broadcast %broadcast_in_dim3A_261 : vector<64x1xf32> to vector<64x5120xf32>
    %eq3A_263 = arith.cmpf oeq, %select_n3A_234, %eq3A_262 : vector<64x5120xf32>
    %jit3A_264 = arith.constant 2147483647 : i32
    %broadcast_in_dim3A_265 = vector.broadcast %jit3A_264 : i32 to vector<64x5120xi32>
    %select_n3A_266 = arith.select %eq3A_263, %select_n3A_236, %broadcast_in_dim3A_265 : vector<64x5120xi1>, vector<64x5120xi32>
    %reduce_min3A_267 = arith.constant dense<2147483647> : vector<64xi32>
    %reduce_min3A_268 = vector.multi_reduction <minsi>, %select_n3A_266, %reduce_min3A_267 [1] : vector<64x5120xi32> to vector<64xi32>
    %broadcast_in_dim3A_269 = vector.shape_cast %reduce_min3A_268 : vector<64xi32> to vector<64x1xi32>
    %eq3A_270 = vector.broadcast %broadcast_in_dim3A_269 : vector<64x1xi32> to vector<64x5120xi32>
    %eq3A_271 = arith.cmpi eq, %select_n3A_266, %eq3A_270 : vector<64x5120xi32>
    %select_n3A_272 = arith.select %eq3A_271, %select_n3A_239, %select_n3A_234 : vector<64x5120xi1>, vector<64x5120xf32>
    %sub3A_273 = arith.subi %add3A_39, %select_n3A_236 : vector<64x5120xi32>
    %select_n3A_274 = arith.select %eq3A_271, %sub3A_273, %select_n3A_236 : vector<64x5120xi1>, vector<64x5120xi32>
    %jit3A_275 = arith.constant 3.000000e+30 : f32
    %broadcast_in_dim3A_276 = vector.broadcast %jit3A_275 : f32 to vector<64x5120xf32>
    %select_n3A_277 = arith.select %eq3A_271, %broadcast_in_dim3A_276, %select_n3A_239 : vector<64x5120xi1>, vector<64x5120xf32>
    %reduce_min3A_278 = arith.constant dense<0x7F800000> : vector<64xf32>
    %reduce_min3A_279 = vector.multi_reduction <minimumf>, %select_n3A_253, %reduce_min3A_278 [1] : vector<64x5120xf32> to vector<64xf32>
    %broadcast_in_dim3A_280 = vector.shape_cast %reduce_min3A_279 : vector<64xf32> to vector<64x1xf32>
    %eq3A_281 = vector.broadcast %broadcast_in_dim3A_280 : vector<64x1xf32> to vector<64x5120xf32>
    %eq3A_282 = arith.cmpf oeq, %select_n3A_253, %eq3A_281 : vector<64x5120xf32>
    %jit3A_283 = arith.constant 2147483647 : i32
    %broadcast_in_dim3A_284 = vector.broadcast %jit3A_283 : i32 to vector<64x5120xi32>
    %select_n3A_285 = arith.select %eq3A_282, %select_n3A_255, %broadcast_in_dim3A_284 : vector<64x5120xi1>, vector<64x5120xi32>
    %reduce_min3A_286 = arith.constant dense<2147483647> : vector<64xi32>
    %reduce_min3A_287 = vector.multi_reduction <minsi>, %select_n3A_285, %reduce_min3A_286 [1] : vector<64x5120xi32> to vector<64xi32>
    %broadcast_in_dim3A_288 = vector.shape_cast %reduce_min3A_287 : vector<64xi32> to vector<64x1xi32>
    %eq3A_289 = vector.broadcast %broadcast_in_dim3A_288 : vector<64x1xi32> to vector<64x5120xi32>
    %eq3A_290 = arith.cmpi eq, %select_n3A_285, %eq3A_289 : vector<64x5120xi32>
    %select_n3A_291 = arith.select %eq3A_290, %select_n3A_258, %select_n3A_253 : vector<64x5120xi1>, vector<64x5120xf32>
    %sub3A_292 = arith.subi %add3A_39, %select_n3A_255 : vector<64x5120xi32>
    %select_n3A_293 = arith.select %eq3A_290, %sub3A_292, %select_n3A_255 : vector<64x5120xi1>, vector<64x5120xi32>
    %jit3A_294 = arith.constant 3.000000e+30 : f32
    %broadcast_in_dim3A_295 = vector.broadcast %jit3A_294 : f32 to vector<64x5120xf32>
    %select_n3A_296 = arith.select %eq3A_290, %broadcast_in_dim3A_295, %select_n3A_258 : vector<64x5120xi1>, vector<64x5120xf32>
    %reduce_min3A_297 = arith.constant dense<0x7F800000> : vector<64xf32>
    %reduce_min3A_298 = vector.multi_reduction <minimumf>, %select_n3A_272, %reduce_min3A_297 [1] : vector<64x5120xf32> to vector<64xf32>
    %broadcast_in_dim3A_299 = vector.shape_cast %reduce_min3A_298 : vector<64xf32> to vector<64x1xf32>
    %eq3A_300 = vector.broadcast %broadcast_in_dim3A_299 : vector<64x1xf32> to vector<64x5120xf32>
    %eq3A_301 = arith.cmpf oeq, %select_n3A_272, %eq3A_300 : vector<64x5120xf32>
    %jit3A_302 = arith.constant 2147483647 : i32
    %broadcast_in_dim3A_303 = vector.broadcast %jit3A_302 : i32 to vector<64x5120xi32>
    %select_n3A_304 = arith.select %eq3A_301, %select_n3A_274, %broadcast_in_dim3A_303 : vector<64x5120xi1>, vector<64x5120xi32>
    %reduce_min3A_305 = arith.constant dense<2147483647> : vector<64xi32>
    %reduce_min3A_306 = vector.multi_reduction <minsi>, %select_n3A_304, %reduce_min3A_305 [1] : vector<64x5120xi32> to vector<64xi32>
    %broadcast_in_dim3A_307 = vector.shape_cast %reduce_min3A_306 : vector<64xi32> to vector<64x1xi32>
    %eq3A_308 = vector.broadcast %broadcast_in_dim3A_307 : vector<64x1xi32> to vector<64x5120xi32>
    %eq3A_309 = arith.cmpi eq, %select_n3A_304, %eq3A_308 : vector<64x5120xi32>
    %select_n3A_310 = arith.select %eq3A_309, %select_n3A_277, %select_n3A_272 : vector<64x5120xi1>, vector<64x5120xf32>
    %sub3A_311 = arith.subi %add3A_39, %select_n3A_274 : vector<64x5120xi32>
    %select_n3A_312 = arith.select %eq3A_309, %sub3A_311, %select_n3A_274 : vector<64x5120xi1>, vector<64x5120xi32>
    %jit3A_313 = arith.constant 3.000000e+30 : f32
    %broadcast_in_dim3A_314 = vector.broadcast %jit3A_313 : f32 to vector<64x5120xf32>
    %select_n3A_315 = arith.select %eq3A_309, %broadcast_in_dim3A_314, %select_n3A_277 : vector<64x5120xi1>, vector<64x5120xf32>
    %reduce_min3A_316 = arith.constant dense<0x7F800000> : vector<64xf32>
    %reduce_min3A_317 = vector.multi_reduction <minimumf>, %select_n3A_291, %reduce_min3A_316 [1] : vector<64x5120xf32> to vector<64xf32>
    %broadcast_in_dim3A_318 = vector.shape_cast %reduce_min3A_317 : vector<64xf32> to vector<64x1xf32>
    %eq3A_319 = vector.broadcast %broadcast_in_dim3A_318 : vector<64x1xf32> to vector<64x5120xf32>
    %eq3A_320 = arith.cmpf oeq, %select_n3A_291, %eq3A_319 : vector<64x5120xf32>
    %jit3A_321 = arith.constant 2147483647 : i32
    %broadcast_in_dim3A_322 = vector.broadcast %jit3A_321 : i32 to vector<64x5120xi32>
    %select_n3A_323 = arith.select %eq3A_320, %select_n3A_293, %broadcast_in_dim3A_322 : vector<64x5120xi1>, vector<64x5120xi32>
    %reduce_min3A_324 = arith.constant dense<2147483647> : vector<64xi32>
    %reduce_min3A_325 = vector.multi_reduction <minsi>, %select_n3A_323, %reduce_min3A_324 [1] : vector<64x5120xi32> to vector<64xi32>
    %broadcast_in_dim3A_326 = vector.shape_cast %reduce_min3A_325 : vector<64xi32> to vector<64x1xi32>
    %eq3A_327 = vector.broadcast %broadcast_in_dim3A_326 : vector<64x1xi32> to vector<64x5120xi32>
    %eq3A_328 = arith.cmpi eq, %select_n3A_323, %eq3A_327 : vector<64x5120xi32>
    %select_n3A_329 = arith.select %eq3A_328, %select_n3A_296, %select_n3A_291 : vector<64x5120xi1>, vector<64x5120xf32>
    %sub3A_330 = arith.subi %add3A_39, %select_n3A_293 : vector<64x5120xi32>
    %select_n3A_331 = arith.select %eq3A_328, %sub3A_330, %select_n3A_293 : vector<64x5120xi1>, vector<64x5120xi32>
    %jit3A_332 = arith.constant 3.000000e+30 : f32
    %broadcast_in_dim3A_333 = vector.broadcast %jit3A_332 : f32 to vector<64x5120xf32>
    %select_n3A_334 = arith.select %eq3A_328, %broadcast_in_dim3A_333, %select_n3A_296 : vector<64x5120xi1>, vector<64x5120xf32>
    %reduce_min3A_335 = arith.constant dense<0x7F800000> : vector<64xf32>
    %reduce_min3A_336 = vector.multi_reduction <minimumf>, %select_n3A_310, %reduce_min3A_335 [1] : vector<64x5120xf32> to vector<64xf32>
    %broadcast_in_dim3A_337 = vector.shape_cast %reduce_min3A_336 : vector<64xf32> to vector<64x1xf32>
    %eq3A_338 = vector.broadcast %broadcast_in_dim3A_337 : vector<64x1xf32> to vector<64x5120xf32>
    %eq3A_339 = arith.cmpf oeq, %select_n3A_310, %eq3A_338 : vector<64x5120xf32>
    %jit3A_340 = arith.constant 2147483647 : i32
    %broadcast_in_dim3A_341 = vector.broadcast %jit3A_340 : i32 to vector<64x5120xi32>
    %select_n3A_342 = arith.select %eq3A_339, %select_n3A_312, %broadcast_in_dim3A_341 : vector<64x5120xi1>, vector<64x5120xi32>
    %reduce_min3A_343 = arith.constant dense<2147483647> : vector<64xi32>
    %reduce_min3A_344 = vector.multi_reduction <minsi>, %select_n3A_342, %reduce_min3A_343 [1] : vector<64x5120xi32> to vector<64xi32>
    %broadcast_in_dim3A_345 = vector.shape_cast %reduce_min3A_344 : vector<64xi32> to vector<64x1xi32>
    %eq3A_346 = vector.broadcast %broadcast_in_dim3A_345 : vector<64x1xi32> to vector<64x5120xi32>
    %eq3A_347 = arith.cmpi eq, %select_n3A_342, %eq3A_346 : vector<64x5120xi32>
    %select_n3A_348 = arith.select %eq3A_347, %select_n3A_315, %select_n3A_310 : vector<64x5120xi1>, vector<64x5120xf32>
    %sub3A_349 = arith.subi %add3A_39, %select_n3A_312 : vector<64x5120xi32>
    %select_n3A_350 = arith.select %eq3A_347, %sub3A_349, %select_n3A_312 : vector<64x5120xi1>, vector<64x5120xi32>
    %jit3A_351 = arith.constant 3.000000e+30 : f32
    %broadcast_in_dim3A_352 = vector.broadcast %jit3A_351 : f32 to vector<64x5120xf32>
    %select_n3A_353 = arith.select %eq3A_347, %broadcast_in_dim3A_352, %select_n3A_315 : vector<64x5120xi1>, vector<64x5120xf32>
    %reduce_min3A_354 = arith.constant dense<0x7F800000> : vector<64xf32>
    %reduce_min3A_355 = vector.multi_reduction <minimumf>, %select_n3A_329, %reduce_min3A_354 [1] : vector<64x5120xf32> to vector<64xf32>
    %broadcast_in_dim3A_356 = vector.shape_cast %reduce_min3A_355 : vector<64xf32> to vector<64x1xf32>
    %eq3A_357 = vector.broadcast %broadcast_in_dim3A_356 : vector<64x1xf32> to vector<64x5120xf32>
    %eq3A_358 = arith.cmpf oeq, %select_n3A_329, %eq3A_357 : vector<64x5120xf32>
    %jit3A_359 = arith.constant 2147483647 : i32
    %broadcast_in_dim3A_360 = vector.broadcast %jit3A_359 : i32 to vector<64x5120xi32>
    %select_n3A_361 = arith.select %eq3A_358, %select_n3A_331, %broadcast_in_dim3A_360 : vector<64x5120xi1>, vector<64x5120xi32>
    %reduce_min3A_362 = arith.constant dense<2147483647> : vector<64xi32>
    %reduce_min3A_363 = vector.multi_reduction <minsi>, %select_n3A_361, %reduce_min3A_362 [1] : vector<64x5120xi32> to vector<64xi32>
    %broadcast_in_dim3A_364 = vector.shape_cast %reduce_min3A_363 : vector<64xi32> to vector<64x1xi32>
    %eq3A_365 = vector.broadcast %broadcast_in_dim3A_364 : vector<64x1xi32> to vector<64x5120xi32>
    %eq3A_366 = arith.cmpi eq, %select_n3A_361, %eq3A_365 : vector<64x5120xi32>
    %select_n3A_367 = arith.select %eq3A_366, %select_n3A_334, %select_n3A_329 : vector<64x5120xi1>, vector<64x5120xf32>
    %sub3A_368 = arith.subi %add3A_39, %select_n3A_331 : vector<64x5120xi32>
    %select_n3A_369 = arith.select %eq3A_366, %sub3A_368, %select_n3A_331 : vector<64x5120xi1>, vector<64x5120xi32>
    %jit3A_370 = arith.constant 3.000000e+30 : f32
    %broadcast_in_dim3A_371 = vector.broadcast %jit3A_370 : f32 to vector<64x5120xf32>
    %select_n3A_372 = arith.select %eq3A_366, %broadcast_in_dim3A_371, %select_n3A_334 : vector<64x5120xi1>, vector<64x5120xf32>
    %reduce_min3A_373 = arith.constant dense<0x7F800000> : vector<64xf32>
    %reduce_min3A_374 = vector.multi_reduction <minimumf>, %select_n3A_348, %reduce_min3A_373 [1] : vector<64x5120xf32> to vector<64xf32>
    %broadcast_in_dim3A_375 = vector.shape_cast %reduce_min3A_374 : vector<64xf32> to vector<64x1xf32>
    %eq3A_376 = vector.broadcast %broadcast_in_dim3A_375 : vector<64x1xf32> to vector<64x5120xf32>
    %eq3A_377 = arith.cmpf oeq, %select_n3A_348, %eq3A_376 : vector<64x5120xf32>
    %jit3A_378 = arith.constant 2147483647 : i32
    %broadcast_in_dim3A_379 = vector.broadcast %jit3A_378 : i32 to vector<64x5120xi32>
    %select_n3A_380 = arith.select %eq3A_377, %select_n3A_350, %broadcast_in_dim3A_379 : vector<64x5120xi1>, vector<64x5120xi32>
    %reduce_min3A_381 = arith.constant dense<2147483647> : vector<64xi32>
    %reduce_min3A_382 = vector.multi_reduction <minsi>, %select_n3A_380, %reduce_min3A_381 [1] : vector<64x5120xi32> to vector<64xi32>
    %broadcast_in_dim3A_383 = vector.shape_cast %reduce_min3A_382 : vector<64xi32> to vector<64x1xi32>
    %eq3A_384 = vector.broadcast %broadcast_in_dim3A_383 : vector<64x1xi32> to vector<64x5120xi32>
    %eq3A_385 = arith.cmpi eq, %select_n3A_380, %eq3A_384 : vector<64x5120xi32>
    %select_n3A_386 = arith.select %eq3A_385, %select_n3A_353, %select_n3A_348 : vector<64x5120xi1>, vector<64x5120xf32>
    %sub3A_387 = arith.subi %add3A_39, %select_n3A_350 : vector<64x5120xi32>
    %select_n3A_388 = arith.select %eq3A_385, %sub3A_387, %select_n3A_350 : vector<64x5120xi1>, vector<64x5120xi32>
    %jit3A_389 = arith.constant 3.000000e+30 : f32
    %broadcast_in_dim3A_390 = vector.broadcast %jit3A_389 : f32 to vector<64x5120xf32>
    %select_n3A_391 = arith.select %eq3A_385, %broadcast_in_dim3A_390, %select_n3A_353 : vector<64x5120xi1>, vector<64x5120xf32>
    %reduce_min3A_392 = arith.constant dense<0x7F800000> : vector<64xf32>
    %reduce_min3A_393 = vector.multi_reduction <minimumf>, %select_n3A_367, %reduce_min3A_392 [1] : vector<64x5120xf32> to vector<64xf32>
    %broadcast_in_dim3A_394 = vector.shape_cast %reduce_min3A_393 : vector<64xf32> to vector<64x1xf32>
    %eq3A_395 = vector.broadcast %broadcast_in_dim3A_394 : vector<64x1xf32> to vector<64x5120xf32>
    %eq3A_396 = arith.cmpf oeq, %select_n3A_367, %eq3A_395 : vector<64x5120xf32>
    %jit3A_397 = arith.constant 2147483647 : i32
    %broadcast_in_dim3A_398 = vector.broadcast %jit3A_397 : i32 to vector<64x5120xi32>
    %select_n3A_399 = arith.select %eq3A_396, %select_n3A_369, %broadcast_in_dim3A_398 : vector<64x5120xi1>, vector<64x5120xi32>
    %reduce_min3A_400 = arith.constant dense<2147483647> : vector<64xi32>
    %reduce_min3A_401 = vector.multi_reduction <minsi>, %select_n3A_399, %reduce_min3A_400 [1] : vector<64x5120xi32> to vector<64xi32>
    %broadcast_in_dim3A_402 = vector.shape_cast %reduce_min3A_401 : vector<64xi32> to vector<64x1xi32>
    %eq3A_403 = vector.broadcast %broadcast_in_dim3A_402 : vector<64x1xi32> to vector<64x5120xi32>
    %eq3A_404 = arith.cmpi eq, %select_n3A_399, %eq3A_403 : vector<64x5120xi32>
    %select_n3A_405 = arith.select %eq3A_404, %select_n3A_372, %select_n3A_367 : vector<64x5120xi1>, vector<64x5120xf32>
    %sub3A_406 = arith.subi %add3A_39, %select_n3A_369 : vector<64x5120xi32>
    %select_n3A_407 = arith.select %eq3A_404, %sub3A_406, %select_n3A_369 : vector<64x5120xi1>, vector<64x5120xi32>
    %jit3A_408 = arith.constant 3.000000e+30 : f32
    %broadcast_in_dim3A_409 = vector.broadcast %jit3A_408 : f32 to vector<64x5120xf32>
    %select_n3A_410 = arith.select %eq3A_404, %broadcast_in_dim3A_409, %select_n3A_372 : vector<64x5120xi1>, vector<64x5120xf32>
    %reduce_min3A_411 = arith.constant dense<0x7F800000> : vector<64xf32>
    %reduce_min3A_412 = vector.multi_reduction <minimumf>, %select_n3A_386, %reduce_min3A_411 [1] : vector<64x5120xf32> to vector<64xf32>
    %broadcast_in_dim3A_413 = vector.shape_cast %reduce_min3A_412 : vector<64xf32> to vector<64x1xf32>
    %eq3A_414 = vector.broadcast %broadcast_in_dim3A_413 : vector<64x1xf32> to vector<64x5120xf32>
    %eq3A_415 = arith.cmpf oeq, %select_n3A_386, %eq3A_414 : vector<64x5120xf32>
    %jit3A_416 = arith.constant 2147483647 : i32
    %broadcast_in_dim3A_417 = vector.broadcast %jit3A_416 : i32 to vector<64x5120xi32>
    %select_n3A_418 = arith.select %eq3A_415, %select_n3A_388, %broadcast_in_dim3A_417 : vector<64x5120xi1>, vector<64x5120xi32>
    %reduce_min3A_419 = arith.constant dense<2147483647> : vector<64xi32>
    %reduce_min3A_420 = vector.multi_reduction <minsi>, %select_n3A_418, %reduce_min3A_419 [1] : vector<64x5120xi32> to vector<64xi32>
    %broadcast_in_dim3A_421 = vector.shape_cast %reduce_min3A_420 : vector<64xi32> to vector<64x1xi32>
    %eq3A_422 = vector.broadcast %broadcast_in_dim3A_421 : vector<64x1xi32> to vector<64x5120xi32>
    %eq3A_423 = arith.cmpi eq, %select_n3A_418, %eq3A_422 : vector<64x5120xi32>
    %select_n3A_424 = arith.select %eq3A_423, %select_n3A_391, %select_n3A_386 : vector<64x5120xi1>, vector<64x5120xf32>
    %sub3A_425 = arith.subi %add3A_39, %select_n3A_388 : vector<64x5120xi32>
    %select_n3A_426 = arith.select %eq3A_423, %sub3A_425, %select_n3A_388 : vector<64x5120xi1>, vector<64x5120xi32>
    %jit3A_427 = arith.constant 3.000000e+30 : f32
    %broadcast_in_dim3A_428 = vector.broadcast %jit3A_427 : f32 to vector<64x5120xf32>
    %select_n3A_429 = arith.select %eq3A_423, %broadcast_in_dim3A_428, %select_n3A_391 : vector<64x5120xi1>, vector<64x5120xf32>
    %reduce_min3A_430 = arith.constant dense<0x7F800000> : vector<64xf32>
    %reduce_min3A_431 = vector.multi_reduction <minimumf>, %select_n3A_405, %reduce_min3A_430 [1] : vector<64x5120xf32> to vector<64xf32>
    %broadcast_in_dim3A_432 = vector.shape_cast %reduce_min3A_431 : vector<64xf32> to vector<64x1xf32>
    %eq3A_433 = vector.broadcast %broadcast_in_dim3A_432 : vector<64x1xf32> to vector<64x5120xf32>
    %eq3A_434 = arith.cmpf oeq, %select_n3A_405, %eq3A_433 : vector<64x5120xf32>
    %jit3A_435 = arith.constant 2147483647 : i32
    %broadcast_in_dim3A_436 = vector.broadcast %jit3A_435 : i32 to vector<64x5120xi32>
    %select_n3A_437 = arith.select %eq3A_434, %select_n3A_407, %broadcast_in_dim3A_436 : vector<64x5120xi1>, vector<64x5120xi32>
    %reduce_min3A_438 = arith.constant dense<2147483647> : vector<64xi32>
    %reduce_min3A_439 = vector.multi_reduction <minsi>, %select_n3A_437, %reduce_min3A_438 [1] : vector<64x5120xi32> to vector<64xi32>
    %broadcast_in_dim3A_440 = vector.shape_cast %reduce_min3A_439 : vector<64xi32> to vector<64x1xi32>
    %eq3A_441 = vector.broadcast %broadcast_in_dim3A_440 : vector<64x1xi32> to vector<64x5120xi32>
    %eq3A_442 = arith.cmpi eq, %select_n3A_437, %eq3A_441 : vector<64x5120xi32>
    %select_n3A_443 = arith.select %eq3A_442, %select_n3A_410, %select_n3A_405 : vector<64x5120xi1>, vector<64x5120xf32>
    %sub3A_444 = arith.subi %add3A_39, %select_n3A_407 : vector<64x5120xi32>
    %select_n3A_445 = arith.select %eq3A_442, %sub3A_444, %select_n3A_407 : vector<64x5120xi1>, vector<64x5120xi32>
    %jit3A_446 = arith.constant 3.000000e+30 : f32
    %broadcast_in_dim3A_447 = vector.broadcast %jit3A_446 : f32 to vector<64x5120xf32>
    %select_n3A_448 = arith.select %eq3A_442, %broadcast_in_dim3A_447, %select_n3A_410 : vector<64x5120xi1>, vector<64x5120xf32>
    %reduce_min3A_449 = arith.constant dense<0x7F800000> : vector<64xf32>
    %reduce_min3A_450 = vector.multi_reduction <minimumf>, %select_n3A_424, %reduce_min3A_449 [1] : vector<64x5120xf32> to vector<64xf32>
    %broadcast_in_dim3A_451 = vector.shape_cast %reduce_min3A_450 : vector<64xf32> to vector<64x1xf32>
    %eq3A_452 = vector.broadcast %broadcast_in_dim3A_451 : vector<64x1xf32> to vector<64x5120xf32>
    %eq3A_453 = arith.cmpf oeq, %select_n3A_424, %eq3A_452 : vector<64x5120xf32>
    %jit3A_454 = arith.constant 2147483647 : i32
    %broadcast_in_dim3A_455 = vector.broadcast %jit3A_454 : i32 to vector<64x5120xi32>
    %select_n3A_456 = arith.select %eq3A_453, %select_n3A_426, %broadcast_in_dim3A_455 : vector<64x5120xi1>, vector<64x5120xi32>
    %reduce_min3A_457 = arith.constant dense<2147483647> : vector<64xi32>
    %reduce_min3A_458 = vector.multi_reduction <minsi>, %select_n3A_456, %reduce_min3A_457 [1] : vector<64x5120xi32> to vector<64xi32>
    %broadcast_in_dim3A_459 = vector.shape_cast %reduce_min3A_458 : vector<64xi32> to vector<64x1xi32>
    %eq3A_460 = vector.broadcast %broadcast_in_dim3A_459 : vector<64x1xi32> to vector<64x5120xi32>
    %eq3A_461 = arith.cmpi eq, %select_n3A_456, %eq3A_460 : vector<64x5120xi32>
    %select_n3A_462 = arith.select %eq3A_461, %select_n3A_429, %select_n3A_424 : vector<64x5120xi1>, vector<64x5120xf32>
    %sub3A_463 = arith.subi %add3A_39, %select_n3A_426 : vector<64x5120xi32>
    %select_n3A_464 = arith.select %eq3A_461, %sub3A_463, %select_n3A_426 : vector<64x5120xi1>, vector<64x5120xi32>
    %jit3A_465 = arith.constant 3.000000e+30 : f32
    %broadcast_in_dim3A_466 = vector.broadcast %jit3A_465 : f32 to vector<64x5120xf32>
    %select_n3A_467 = arith.select %eq3A_461, %broadcast_in_dim3A_466, %select_n3A_429 : vector<64x5120xi1>, vector<64x5120xf32>
    %reduce_min3A_468 = arith.constant dense<0x7F800000> : vector<64xf32>
    %reduce_min3A_469 = vector.multi_reduction <minimumf>, %select_n3A_443, %reduce_min3A_468 [1] : vector<64x5120xf32> to vector<64xf32>
    %broadcast_in_dim3A_470 = vector.shape_cast %reduce_min3A_469 : vector<64xf32> to vector<64x1xf32>
    %eq3A_471 = vector.broadcast %broadcast_in_dim3A_470 : vector<64x1xf32> to vector<64x5120xf32>
    %eq3A_472 = arith.cmpf oeq, %select_n3A_443, %eq3A_471 : vector<64x5120xf32>
    %jit3A_473 = arith.constant 2147483647 : i32
    %broadcast_in_dim3A_474 = vector.broadcast %jit3A_473 : i32 to vector<64x5120xi32>
    %select_n3A_475 = arith.select %eq3A_472, %select_n3A_445, %broadcast_in_dim3A_474 : vector<64x5120xi1>, vector<64x5120xi32>
    %reduce_min3A_476 = arith.constant dense<2147483647> : vector<64xi32>
    %reduce_min3A_477 = vector.multi_reduction <minsi>, %select_n3A_475, %reduce_min3A_476 [1] : vector<64x5120xi32> to vector<64xi32>
    %broadcast_in_dim3A_478 = vector.shape_cast %reduce_min3A_477 : vector<64xi32> to vector<64x1xi32>
    %eq3A_479 = vector.broadcast %broadcast_in_dim3A_478 : vector<64x1xi32> to vector<64x5120xi32>
    %eq3A_480 = arith.cmpi eq, %select_n3A_475, %eq3A_479 : vector<64x5120xi32>
    %select_n3A_481 = arith.select %eq3A_480, %select_n3A_448, %select_n3A_443 : vector<64x5120xi1>, vector<64x5120xf32>
    %sub3A_482 = arith.subi %add3A_39, %select_n3A_445 : vector<64x5120xi32>
    %select_n3A_483 = arith.select %eq3A_480, %sub3A_482, %select_n3A_445 : vector<64x5120xi1>, vector<64x5120xi32>
    %jit3A_484 = arith.constant 3.000000e+30 : f32
    %broadcast_in_dim3A_485 = vector.broadcast %jit3A_484 : f32 to vector<64x5120xf32>
    %select_n3A_486 = arith.select %eq3A_480, %broadcast_in_dim3A_485, %select_n3A_448 : vector<64x5120xi1>, vector<64x5120xf32>
    %reduce_min3A_487 = arith.constant dense<0x7F800000> : vector<64xf32>
    %reduce_min3A_488 = vector.multi_reduction <minimumf>, %select_n3A_462, %reduce_min3A_487 [1] : vector<64x5120xf32> to vector<64xf32>
    %broadcast_in_dim3A_489 = vector.shape_cast %reduce_min3A_488 : vector<64xf32> to vector<64x1xf32>
    %eq3A_490 = vector.broadcast %broadcast_in_dim3A_489 : vector<64x1xf32> to vector<64x5120xf32>
    %eq3A_491 = arith.cmpf oeq, %select_n3A_462, %eq3A_490 : vector<64x5120xf32>
    %jit3A_492 = arith.constant 2147483647 : i32
    %broadcast_in_dim3A_493 = vector.broadcast %jit3A_492 : i32 to vector<64x5120xi32>
    %select_n3A_494 = arith.select %eq3A_491, %select_n3A_464, %broadcast_in_dim3A_493 : vector<64x5120xi1>, vector<64x5120xi32>
    %reduce_min3A_495 = arith.constant dense<2147483647> : vector<64xi32>
    %reduce_min3A_496 = vector.multi_reduction <minsi>, %select_n3A_494, %reduce_min3A_495 [1] : vector<64x5120xi32> to vector<64xi32>
    %broadcast_in_dim3A_497 = vector.shape_cast %reduce_min3A_496 : vector<64xi32> to vector<64x1xi32>
    %eq3A_498 = vector.broadcast %broadcast_in_dim3A_497 : vector<64x1xi32> to vector<64x5120xi32>
    %eq3A_499 = arith.cmpi eq, %select_n3A_494, %eq3A_498 : vector<64x5120xi32>
    %select_n3A_500 = arith.select %eq3A_499, %select_n3A_467, %select_n3A_462 : vector<64x5120xi1>, vector<64x5120xf32>
    %sub3A_501 = arith.subi %add3A_39, %select_n3A_464 : vector<64x5120xi32>
    %select_n3A_502 = arith.select %eq3A_499, %sub3A_501, %select_n3A_464 : vector<64x5120xi1>, vector<64x5120xi32>
    %jit3A_503 = arith.constant 3.000000e+30 : f32
    %broadcast_in_dim3A_504 = vector.broadcast %jit3A_503 : f32 to vector<64x5120xf32>
    %select_n3A_505 = arith.select %eq3A_499, %broadcast_in_dim3A_504, %select_n3A_467 : vector<64x5120xi1>, vector<64x5120xf32>
    %reduce_min3A_506 = arith.constant dense<0x7F800000> : vector<64xf32>
    %reduce_min3A_507 = vector.multi_reduction <minimumf>, %select_n3A_481, %reduce_min3A_506 [1] : vector<64x5120xf32> to vector<64xf32>
    %broadcast_in_dim3A_508 = vector.shape_cast %reduce_min3A_507 : vector<64xf32> to vector<64x1xf32>
    %eq3A_509 = vector.broadcast %broadcast_in_dim3A_508 : vector<64x1xf32> to vector<64x5120xf32>
    %eq3A_510 = arith.cmpf oeq, %select_n3A_481, %eq3A_509 : vector<64x5120xf32>
    %jit3A_511 = arith.constant 2147483647 : i32
    %broadcast_in_dim3A_512 = vector.broadcast %jit3A_511 : i32 to vector<64x5120xi32>
    %select_n3A_513 = arith.select %eq3A_510, %select_n3A_483, %broadcast_in_dim3A_512 : vector<64x5120xi1>, vector<64x5120xi32>
    %reduce_min3A_514 = arith.constant dense<2147483647> : vector<64xi32>
    %reduce_min3A_515 = vector.multi_reduction <minsi>, %select_n3A_513, %reduce_min3A_514 [1] : vector<64x5120xi32> to vector<64xi32>
    %broadcast_in_dim3A_516 = vector.shape_cast %reduce_min3A_515 : vector<64xi32> to vector<64x1xi32>
    %eq3A_517 = vector.broadcast %broadcast_in_dim3A_516 : vector<64x1xi32> to vector<64x5120xi32>
    %eq3A_518 = arith.cmpi eq, %select_n3A_513, %eq3A_517 : vector<64x5120xi32>
    %select_n3A_519 = arith.select %eq3A_518, %select_n3A_486, %select_n3A_481 : vector<64x5120xi1>, vector<64x5120xf32>
    %sub3A_520 = arith.subi %add3A_39, %select_n3A_483 : vector<64x5120xi32>
    %select_n3A_521 = arith.select %eq3A_518, %sub3A_520, %select_n3A_483 : vector<64x5120xi1>, vector<64x5120xi32>
    %jit3A_522 = arith.constant 3.000000e+30 : f32
    %broadcast_in_dim3A_523 = vector.broadcast %jit3A_522 : f32 to vector<64x5120xf32>
    %select_n3A_524 = arith.select %eq3A_518, %broadcast_in_dim3A_523, %select_n3A_486 : vector<64x5120xi1>, vector<64x5120xf32>
    %reduce_min3A_525 = arith.constant dense<0x7F800000> : vector<64xf32>
    %reduce_min3A_526 = vector.multi_reduction <minimumf>, %select_n3A_500, %reduce_min3A_525 [1] : vector<64x5120xf32> to vector<64xf32>
    %broadcast_in_dim3A_527 = vector.shape_cast %reduce_min3A_526 : vector<64xf32> to vector<64x1xf32>
    %eq3A_528 = vector.broadcast %broadcast_in_dim3A_527 : vector<64x1xf32> to vector<64x5120xf32>
    %eq3A_529 = arith.cmpf oeq, %select_n3A_500, %eq3A_528 : vector<64x5120xf32>
    %jit3A_530 = arith.constant 2147483647 : i32
    %broadcast_in_dim3A_531 = vector.broadcast %jit3A_530 : i32 to vector<64x5120xi32>
    %select_n3A_532 = arith.select %eq3A_529, %select_n3A_502, %broadcast_in_dim3A_531 : vector<64x5120xi1>, vector<64x5120xi32>
    %reduce_min3A_533 = arith.constant dense<2147483647> : vector<64xi32>
    %reduce_min3A_534 = vector.multi_reduction <minsi>, %select_n3A_532, %reduce_min3A_533 [1] : vector<64x5120xi32> to vector<64xi32>
    %broadcast_in_dim3A_535 = vector.shape_cast %reduce_min3A_534 : vector<64xi32> to vector<64x1xi32>
    %eq3A_536 = vector.broadcast %broadcast_in_dim3A_535 : vector<64x1xi32> to vector<64x5120xi32>
    %eq3A_537 = arith.cmpi eq, %select_n3A_532, %eq3A_536 : vector<64x5120xi32>
    %select_n3A_538 = arith.select %eq3A_537, %select_n3A_505, %select_n3A_500 : vector<64x5120xi1>, vector<64x5120xf32>
    %sub3A_539 = arith.subi %add3A_39, %select_n3A_502 : vector<64x5120xi32>
    %select_n3A_540 = arith.select %eq3A_537, %sub3A_539, %select_n3A_502 : vector<64x5120xi1>, vector<64x5120xi32>
    %jit3A_541 = arith.constant 3.000000e+30 : f32
    %broadcast_in_dim3A_542 = vector.broadcast %jit3A_541 : f32 to vector<64x5120xf32>
    %select_n3A_543 = arith.select %eq3A_537, %broadcast_in_dim3A_542, %select_n3A_505 : vector<64x5120xi1>, vector<64x5120xf32>
    %reduce_min3A_544 = arith.constant dense<0x7F800000> : vector<64xf32>
    %reduce_min3A_545 = vector.multi_reduction <minimumf>, %select_n3A_519, %reduce_min3A_544 [1] : vector<64x5120xf32> to vector<64xf32>
    %broadcast_in_dim3A_546 = vector.shape_cast %reduce_min3A_545 : vector<64xf32> to vector<64x1xf32>
    %eq3A_547 = vector.broadcast %broadcast_in_dim3A_546 : vector<64x1xf32> to vector<64x5120xf32>
    %eq3A_548 = arith.cmpf oeq, %select_n3A_519, %eq3A_547 : vector<64x5120xf32>
    %jit3A_549 = arith.constant 2147483647 : i32
    %broadcast_in_dim3A_550 = vector.broadcast %jit3A_549 : i32 to vector<64x5120xi32>
    %select_n3A_551 = arith.select %eq3A_548, %select_n3A_521, %broadcast_in_dim3A_550 : vector<64x5120xi1>, vector<64x5120xi32>
    %reduce_min3A_552 = arith.constant dense<2147483647> : vector<64xi32>
    %reduce_min3A_553 = vector.multi_reduction <minsi>, %select_n3A_551, %reduce_min3A_552 [1] : vector<64x5120xi32> to vector<64xi32>
    %broadcast_in_dim3A_554 = vector.shape_cast %reduce_min3A_553 : vector<64xi32> to vector<64x1xi32>
    %eq3A_555 = vector.broadcast %broadcast_in_dim3A_554 : vector<64x1xi32> to vector<64x5120xi32>
    %eq3A_556 = arith.cmpi eq, %select_n3A_551, %eq3A_555 : vector<64x5120xi32>
    %select_n3A_557 = arith.select %eq3A_556, %select_n3A_524, %select_n3A_519 : vector<64x5120xi1>, vector<64x5120xf32>
    %sub3A_558 = arith.subi %add3A_39, %select_n3A_521 : vector<64x5120xi32>
    %select_n3A_559 = arith.select %eq3A_556, %sub3A_558, %select_n3A_521 : vector<64x5120xi1>, vector<64x5120xi32>
    %jit3A_560 = arith.constant 3.000000e+30 : f32
    %broadcast_in_dim3A_561 = vector.broadcast %jit3A_560 : f32 to vector<64x5120xf32>
    %select_n3A_562 = arith.select %eq3A_556, %broadcast_in_dim3A_561, %select_n3A_524 : vector<64x5120xi1>, vector<64x5120xf32>
    %reduce_min3A_563 = arith.constant dense<0x7F800000> : vector<64xf32>
    %reduce_min3A_564 = vector.multi_reduction <minimumf>, %select_n3A_538, %reduce_min3A_563 [1] : vector<64x5120xf32> to vector<64xf32>
    %broadcast_in_dim3A_565 = vector.shape_cast %reduce_min3A_564 : vector<64xf32> to vector<64x1xf32>
    %eq3A_566 = vector.broadcast %broadcast_in_dim3A_565 : vector<64x1xf32> to vector<64x5120xf32>
    %eq3A_567 = arith.cmpf oeq, %select_n3A_538, %eq3A_566 : vector<64x5120xf32>
    %jit3A_568 = arith.constant 2147483647 : i32
    %broadcast_in_dim3A_569 = vector.broadcast %jit3A_568 : i32 to vector<64x5120xi32>
    %select_n3A_570 = arith.select %eq3A_567, %select_n3A_540, %broadcast_in_dim3A_569 : vector<64x5120xi1>, vector<64x5120xi32>
    %reduce_min3A_571 = arith.constant dense<2147483647> : vector<64xi32>
    %reduce_min3A_572 = vector.multi_reduction <minsi>, %select_n3A_570, %reduce_min3A_571 [1] : vector<64x5120xi32> to vector<64xi32>
    %broadcast_in_dim3A_573 = vector.shape_cast %reduce_min3A_572 : vector<64xi32> to vector<64x1xi32>
    %eq3A_574 = vector.broadcast %broadcast_in_dim3A_573 : vector<64x1xi32> to vector<64x5120xi32>
    %eq3A_575 = arith.cmpi eq, %select_n3A_570, %eq3A_574 : vector<64x5120xi32>
    %select_n3A_576 = arith.select %eq3A_575, %select_n3A_543, %select_n3A_538 : vector<64x5120xi1>, vector<64x5120xf32>
    %sub3A_577 = arith.subi %add3A_39, %select_n3A_540 : vector<64x5120xi32>
    %select_n3A_578 = arith.select %eq3A_575, %sub3A_577, %select_n3A_540 : vector<64x5120xi1>, vector<64x5120xi32>
    %jit3A_579 = arith.constant 3.000000e+30 : f32
    %broadcast_in_dim3A_580 = vector.broadcast %jit3A_579 : f32 to vector<64x5120xf32>
    %select_n3A_581 = arith.select %eq3A_575, %broadcast_in_dim3A_580, %select_n3A_543 : vector<64x5120xi1>, vector<64x5120xf32>
    %reduce_min3A_582 = arith.constant dense<0x7F800000> : vector<64xf32>
    %reduce_min3A_583 = vector.multi_reduction <minimumf>, %select_n3A_557, %reduce_min3A_582 [1] : vector<64x5120xf32> to vector<64xf32>
    %broadcast_in_dim3A_584 = vector.shape_cast %reduce_min3A_583 : vector<64xf32> to vector<64x1xf32>
    %eq3A_585 = vector.broadcast %broadcast_in_dim3A_584 : vector<64x1xf32> to vector<64x5120xf32>
    %eq3A_586 = arith.cmpf oeq, %select_n3A_557, %eq3A_585 : vector<64x5120xf32>
    %jit3A_587 = arith.constant 2147483647 : i32
    %broadcast_in_dim3A_588 = vector.broadcast %jit3A_587 : i32 to vector<64x5120xi32>
    %select_n3A_589 = arith.select %eq3A_586, %select_n3A_559, %broadcast_in_dim3A_588 : vector<64x5120xi1>, vector<64x5120xi32>
    %reduce_min3A_590 = arith.constant dense<2147483647> : vector<64xi32>
    %reduce_min3A_591 = vector.multi_reduction <minsi>, %select_n3A_589, %reduce_min3A_590 [1] : vector<64x5120xi32> to vector<64xi32>
    %broadcast_in_dim3A_592 = vector.shape_cast %reduce_min3A_591 : vector<64xi32> to vector<64x1xi32>
    %eq3A_593 = vector.broadcast %broadcast_in_dim3A_592 : vector<64x1xi32> to vector<64x5120xi32>
    %eq3A_594 = arith.cmpi eq, %select_n3A_589, %eq3A_593 : vector<64x5120xi32>
    %select_n3A_595 = arith.select %eq3A_594, %select_n3A_562, %select_n3A_557 : vector<64x5120xi1>, vector<64x5120xf32>
    %sub3A_596 = arith.subi %add3A_39, %select_n3A_559 : vector<64x5120xi32>
    %select_n3A_597 = arith.select %eq3A_594, %sub3A_596, %select_n3A_559 : vector<64x5120xi1>, vector<64x5120xi32>
    %reduce_min3A_598 = arith.constant dense<0x7F800000> : vector<64xf32>
    %reduce_min3A_599 = vector.multi_reduction <minimumf>, %select_n3A_576, %reduce_min3A_598 [1] : vector<64x5120xf32> to vector<64xf32>
    %broadcast_in_dim3A_600 = vector.shape_cast %reduce_min3A_599 : vector<64xf32> to vector<64x1xf32>
    %eq3A_601 = vector.broadcast %broadcast_in_dim3A_600 : vector<64x1xf32> to vector<64x5120xf32>
    %eq3A_602 = arith.cmpf oeq, %select_n3A_576, %eq3A_601 : vector<64x5120xf32>
    %jit3A_603 = arith.constant 2147483647 : i32
    %broadcast_in_dim3A_604 = vector.broadcast %jit3A_603 : i32 to vector<64x5120xi32>
    %select_n3A_605 = arith.select %eq3A_602, %select_n3A_578, %broadcast_in_dim3A_604 : vector<64x5120xi1>, vector<64x5120xi32>
    %reduce_min3A_606 = arith.constant dense<2147483647> : vector<64xi32>
    %reduce_min3A_607 = vector.multi_reduction <minsi>, %select_n3A_605, %reduce_min3A_606 [1] : vector<64x5120xi32> to vector<64xi32>
    %broadcast_in_dim3A_608 = vector.shape_cast %reduce_min3A_607 : vector<64xi32> to vector<64x1xi32>
    %eq3A_609 = vector.broadcast %broadcast_in_dim3A_608 : vector<64x1xi32> to vector<64x5120xi32>
    %eq3A_610 = arith.cmpi eq, %select_n3A_605, %eq3A_609 : vector<64x5120xi32>
    %select_n3A_611 = arith.select %eq3A_610, %select_n3A_581, %select_n3A_576 : vector<64x5120xi1>, vector<64x5120xf32>
    %sub3A_612 = arith.subi %add3A_39, %select_n3A_578 : vector<64x5120xi32>
    %select_n3A_613 = arith.select %eq3A_610, %sub3A_612, %select_n3A_578 : vector<64x5120xi1>, vector<64x5120xi32>
    %reduce_min3A_614 = arith.constant dense<0x7F800000> : vector<64xf32>
    %reduce_min3A_615 = vector.multi_reduction <minimumf>, %select_n3A_595, %reduce_min3A_614 [1] : vector<64x5120xf32> to vector<64xf32>
    %broadcast_in_dim3A_616 = vector.shape_cast %reduce_min3A_615 : vector<64xf32> to vector<64x1xf32>
    %eq3A_617 = vector.broadcast %broadcast_in_dim3A_616 : vector<64x1xf32> to vector<64x5120xf32>
    %eq3A_618 = arith.cmpf oeq, %select_n3A_595, %eq3A_617 : vector<64x5120xf32>
    %jit3A_619 = arith.constant 2147483647 : i32
    %broadcast_in_dim3A_620 = vector.broadcast %jit3A_619 : i32 to vector<64x5120xi32>
    %select_n3A_621 = arith.select %eq3A_618, %select_n3A_597, %broadcast_in_dim3A_620 : vector<64x5120xi1>, vector<64x5120xi32>
    %reduce_min3A_622 = arith.constant dense<2147483647> : vector<64xi32>
    %reduce_min3A_623 = vector.multi_reduction <minsi>, %select_n3A_621, %reduce_min3A_622 [1] : vector<64x5120xi32> to vector<64xi32>
    %broadcast_in_dim3A_624 = vector.shape_cast %reduce_min3A_623 : vector<64xi32> to vector<64x1xi32>
    %reduce_min3A_625 = arith.constant dense<0x7F800000> : vector<64xf32>
    %reduce_min3A_626 = vector.multi_reduction <minimumf>, %select_n3A_611, %reduce_min3A_625 [1] : vector<64x5120xf32> to vector<64xf32>
    %broadcast_in_dim3A_627 = vector.shape_cast %reduce_min3A_626 : vector<64xf32> to vector<64x1xf32>
    %eq3A_628 = vector.broadcast %broadcast_in_dim3A_627 : vector<64x1xf32> to vector<64x5120xf32>
    %eq3A_629 = arith.cmpf oeq, %select_n3A_611, %eq3A_628 : vector<64x5120xf32>
    %jit3A_630 = arith.constant 2147483647 : i32
    %broadcast_in_dim3A_631 = vector.broadcast %jit3A_630 : i32 to vector<64x5120xi32>
    %select_n3A_632 = arith.select %eq3A_629, %select_n3A_613, %broadcast_in_dim3A_631 : vector<64x5120xi1>, vector<64x5120xi32>
    %reduce_min3A_633 = arith.constant dense<2147483647> : vector<64xi32>
    %reduce_min3A_634 = vector.multi_reduction <minsi>, %select_n3A_632, %reduce_min3A_633 [1] : vector<64x5120xi32> to vector<64xi32>
    %broadcast_in_dim3A_635 = vector.shape_cast %reduce_min3A_634 : vector<64xi32> to vector<64x1xi32>
    %concatenate3A = tpu.concatenate %broadcast_in_dim3A_60, %broadcast_in_dim3A_98, %broadcast_in_dim3A_136, %broadcast_in_dim3A_174, %broadcast_in_dim3A_212, %broadcast_in_dim3A_250, %broadcast_in_dim3A_288, %broadcast_in_dim3A_326, %broadcast_in_dim3A_364, %broadcast_in_dim3A_402, %broadcast_in_dim3A_440, %broadcast_in_dim3A_478, %broadcast_in_dim3A_516, %broadcast_in_dim3A_554, %broadcast_in_dim3A_592, %broadcast_in_dim3A_624 in 1 : vector<64x1xi32>, vector<64x1xi32>, vector<64x1xi32>, vector<64x1xi32>, vector<64x1xi32>, vector<64x1xi32>, vector<64x1xi32>, vector<64x1xi32>, vector<64x1xi32>, vector<64x1xi32>, vector<64x1xi32>, vector<64x1xi32>, vector<64x1xi32>, vector<64x1xi32>, vector<64x1xi32>, vector<64x1xi32> -> vector<64x16xi32>
    %swap3A_636 = arith.constant 0 : index
    %swap3A_637 = arith.constant 0 : index
    %swap3A_638 = vector.load %arg7[%swap3A_636, %swap3A_637] : memref<128x16xi32, #tpu.memory_space<vmem>>, vector<64x16xi32>
    tpu.vector_store %arg7[%swap3A_636, %swap3A_637], %concatenate3A {strides = array<i32>} : memref<128x16xi32, #tpu.memory_space<vmem>>, vector<64x16xi32>,
    %concatenate3A_639 = tpu.concatenate %broadcast_in_dim3A_79, %broadcast_in_dim3A_117, %broadcast_in_dim3A_155, %broadcast_in_dim3A_193, %broadcast_in_dim3A_231, %broadcast_in_dim3A_269, %broadcast_in_dim3A_307, %broadcast_in_dim3A_345, %broadcast_in_dim3A_383, %broadcast_in_dim3A_421, %broadcast_in_dim3A_459, %broadcast_in_dim3A_497, %broadcast_in_dim3A_535, %broadcast_in_dim3A_573, %broadcast_in_dim3A_608, %broadcast_in_dim3A_635 in 1 : vector<64x1xi32>, vector<64x1xi32>, vector<64x1xi32>, vector<64x1xi32>, vector<64x1xi32>, vector<64x1xi32>, vector<64x1xi32>, vector<64x1xi32>, vector<64x1xi32>, vector<64x1xi32>, vector<64x1xi32>, vector<64x1xi32>, vector<64x1xi32>, vector<64x1xi32>, vector<64x1xi32>, vector<64x1xi32> -> vector<64x16xi32>
    %swap3A_640 = arith.constant 64 : index
    %swap3A_641 = arith.constant 0 : index
    %swap3A_642 = vector.load %arg7[%swap3A_640, %swap3A_641] : memref<128x16xi32, #tpu.memory_space<vmem>>, vector<64x16xi32>
    tpu.vector_store %arg7[%swap3A_640, %swap3A_641], %concatenate3A_639 {strides = array<i32>} : memref<128x16xi32, #tpu.memory_space<vmem>>, vector<64x16xi32>,
    return
  }
  func.func @transform_0(%arg0: i32) -> (i32, i32) {
    %c0_i32 = arith.constant 0 : i32
    %c0_i32_0 = arith.constant 0 : i32
    return %arg0, %c0_i32 : i32, i32
  }
  func.func @transform_1(%arg0: i32) -> (i32, i32) {
    %c0_i32 = arith.constant 0 : i32
    %c0_i32_0 = arith.constant 0 : i32
    %c0_i32_1 = arith.constant 0 : i32
    return %c0_i32, %c0_i32_0 : i32, i32
  }
  func.func @transform_2(%arg0: i32) -> (i32, i32) {
    %c0_i32 = arith.constant 0 : i32
    %c0_i32_0 = arith.constant 0 : i32
    return %arg0, %c0_i32 : i32, i32
  }
  func.func @transform_3(%arg0: i32) -> (i32, i32) {
    %c0_i32 = arith.constant 0 : i32
    %c0_i32_0 = arith.constant 0 : i32
    %c0_i32_1 = arith.constant 0 : i32
    return %c0_i32, %c0_i32_0 : i32, i32
  }
  func.func @transform_4(%arg0: i32) -> (i32, i32) {
    %c0_i32 = arith.constant 0 : i32
    %c0_i32_0 = arith.constant 0 : i32
    %c0_i32_1 = arith.constant 0 : i32
    return %c0_i32, %c0_i32_0 : i32, i32
  }
  func.func @transform_5(%arg0: i32) -> (i32, i32) {
    %c0_i32 = arith.constant 0 : i32
    %c0_i32_0 = arith.constant 0 : i32
    %c0_i32_1 = arith.constant 0 : i32
    return %c0_i32, %c0_i32_0 : i32, i32
  }
  func.func @transform_6(%arg0: i32) -> (i32, i32) {
    %c0_i32 = arith.constant 0 : i32
    %c0_i32_0 = arith.constant 0 : i32
    return %arg0, %c0_i32 : i32, i32
  }
  func.func @transform_7(%arg0: i32) -> (i32, i32) {
    %c0_i32 = arith.constant 0 : i32
    %c0_i32_0 = arith.constant 0 : i32
    return %arg0, %c0_i32 : i32, i32
  }
  func.func @transform_8(%arg0: i32) -> (i32, i32) {
    %c0_i32 = arith.constant 0 : i32
    %c0_i32_0 = arith.constant 0 : i32
    return %arg0, %c0_i32 : i32, i32
  }
}

module attributes {stable_mosaic.version = 14 : i64} {
  func.func @_fin_body(%arg0: i32, %arg1: memref<512x128xf32, #tpu.memory_space<vmem>>, %arg2: memref<512x128xf32, #tpu.memory_space<vmem>>, %arg3: memref<64x128xf32, #tpu.memory_space<vmem>>, %arg4: memref<1x128xf32, #tpu.memory_space<vmem>>, %arg5: memref<1x128xf32, #tpu.memory_space<vmem>>, %arg6: memref<1x128x512xf32, #tpu.memory_space<vmem>>) attributes {dimension_semantics = [#tpu.dimension_semantics<arbitrary>], iteration_bounds = array<i64: 20>, scalar_prefetch = 0 : i64, scratch_operands = 0 : i64, tpu.core_type = #tpu.core_type<tc>, window_params = [{transform_indices = @transform_0, window_bounds = array<i64: 512, 128>}, {transform_indices = @transform_1, window_bounds = array<i64: 512, 128>}, {pipeline_mode = #tpu.pipeline_mode<synchronous>, transform_indices = @transform_2, window_bounds = array<i64: 64, 128>}, {pipeline_mode = #tpu.pipeline_mode<synchronous>, transform_indices = @transform_3, window_bounds = array<i64: 1, 128>}, {pipeline_mode = #tpu.pipeline_mode<synchronous>, transform_indices = @transform_4, window_bounds = array<i64: 1, 128>}, {transform_indices = @transform_5, window_bounds = array<i64: 1, 128, 512>}]} {
    %get3A = arith.constant 0 : index
    %get3A_0 = arith.constant 0 : index
    %get3A_1 = vector.load %arg3[%get3A, %get3A_0] : memref<64x128xf32, #tpu.memory_space<vmem>>, vector<64x128xf32>
    %slice3A = vector.extract_strided_slice %get3A_1 {offsets = [0, 0], sizes = [32, 128], strides = [1, 1]} : vector<64x128xf32> to vector<32x128xf32>
    %reduce_sum3A = arith.constant dense<0.000000e+00> : vector<128xf32>
    %reduce_sum3A_2 = vector.multi_reduction <add>, %slice3A, %reduce_sum3A [0] : vector<32x128xf32> to vector<128xf32>
    %broadcast_in_dim3A = vector.shape_cast %reduce_sum3A_2 : vector<128xf32> to vector<1x128xf32>
    %slice3A_3 = vector.extract_strided_slice %get3A_1 {offsets = [32, 0], sizes = [32, 128], strides = [1, 1]} : vector<64x128xf32> to vector<32x128xf32>
    %reduce_sum3A_4 = arith.constant dense<0.000000e+00> : vector<128xf32>
    %reduce_sum3A_5 = vector.multi_reduction <add>, %slice3A_3, %reduce_sum3A_4 [0] : vector<32x128xf32> to vector<128xf32>
    %broadcast_in_dim3A_6 = vector.shape_cast %reduce_sum3A_5 : vector<128xf32> to vector<1x128xf32>
    %div3A = arith.constant 1.600000e+05 : f32
    %div3A_7 = vector.broadcast %div3A : f32 to vector<1x128xf32>
    %div3A_8 = arith.divf %broadcast_in_dim3A, %div3A_7 : vector<1x128xf32>
    %div3A_9 = arith.constant 1.600000e+05 : f32
    %div3A_10 = vector.broadcast %div3A_9 : f32 to vector<1x128xf32>
    %div3A_11 = arith.divf %broadcast_in_dim3A_6, %div3A_10 : vector<1x128xf32>
    %mul3A = arith.mulf %div3A_8, %div3A_8 : vector<1x128xf32>
    %sub3A = arith.subf %div3A_11, %mul3A : vector<1x128xf32>
    %get3A_12 = arith.constant 0 : index
    %get3A_13 = arith.constant 0 : index
    %get3A_14 = vector.load %arg4[%get3A_12, %get3A_13] : memref<1x128xf32, #tpu.memory_space<vmem>>, vector<1x128xf32>
    %add3A = arith.constant 9.99999974E-6 : f32
    %add3A_15 = vector.broadcast %add3A : f32 to vector<1x128xf32>
    %add3A_16 = arith.addf %sub3A, %add3A_15 : vector<1x128xf32>
    %rsqrt3A = math.rsqrt %add3A_16 : vector<1x128xf32>
    %mul3A_17 = arith.mulf %get3A_14, %rsqrt3A : vector<1x128xf32>
    %get3A_18 = arith.constant 0 : index
    %get3A_19 = arith.constant 0 : index
    %get3A_20 = vector.load %arg5[%get3A_18, %get3A_19] : memref<1x128xf32, #tpu.memory_space<vmem>>, vector<1x128xf32>
    %mul3A_21 = arith.mulf %div3A_8, %mul3A_17 : vector<1x128xf32>
    %sub3A_22 = arith.subf %get3A_20, %mul3A_21 : vector<1x128xf32>
    %ge3A = arith.constant 0.000000e+00 : f32
    %ge3A_23 = vector.broadcast %ge3A : f32 to vector<1x128xf32>
    %ge3A_24 = arith.cmpf oge, %mul3A_17, %ge3A_23 : vector<1x128xf32>
    %get3A_25 = arith.constant 0 : index
    %get3A_26 = arith.constant 0 : index
    %get3A_27 = vector.load %arg1[%get3A_25, %get3A_26] : memref<512x128xf32, #tpu.memory_space<vmem>>, vector<512x128xf32>
    %get3A_28 = arith.constant 0 : index
    %get3A_29 = arith.constant 0 : index
    %get3A_30 = vector.load %arg2[%get3A_28, %get3A_29] : memref<512x128xf32, #tpu.memory_space<vmem>>, vector<512x128xf32>
    %broadcast_in_dim3A_31 = vector.shape_cast %ge3A_24 : vector<1x128xi1> to vector<1x128xi1>
    %broadcast_in_dim3A_32 = vector.broadcast %broadcast_in_dim3A_31 : vector<1x128xi1> to vector<512x128xi1>
    %select_n3A = arith.select %broadcast_in_dim3A_32, %get3A_27, %get3A_30 : vector<512x128xi1>, vector<512x128xf32>
    %mul3A_33 = vector.broadcast %mul3A_17 : vector<1x128xf32> to vector<512x128xf32>
    %mul3A_34 = arith.mulf %select_n3A, %mul3A_33 : vector<512x128xf32>
    %add3A_35 = vector.broadcast %sub3A_22 : vector<1x128xf32> to vector<512x128xf32>
    %add3A_36 = arith.addf %mul3A_34, %add3A_35 : vector<512x128xf32>
    %max3A = arith.constant 0.000000e+00 : f32
    %max3A_37 = vector.broadcast %max3A : f32 to vector<512x128xf32>
    %max3A_38 = arith.maximumf %add3A_36, %max3A_37 : vector<512x128xf32>
    %transpose3A = tpu.transpose %max3A_38, [1, 0] : vector<512x128xf32> -> vector<128x512xf32>
    %swap3A = arith.constant 0 : index
    %swap3A_39 = arith.constant 0 : index
    %swap3A_40 = arith.constant 0 : index
    %swap3A_41 = vector.load %arg6[%swap3A, %swap3A_39, %swap3A_40] : memref<1x128x512xf32, #tpu.memory_space<vmem>>, vector<1x128x512xf32>
    %swap3A_42 = vector.shape_cast %swap3A_41 : vector<1x128x512xf32> to vector<128x512xf32>
    %swap3A_43 = vector.shape_cast %transpose3A : vector<128x512xf32> to vector<1x128x512xf32>
    tpu.vector_store %arg6[%swap3A, %swap3A_39, %swap3A_40], %swap3A_43 {strides = array<i32>} : memref<1x128x512xf32, #tpu.memory_space<vmem>>, vector<1x128x512xf32>,
    return
  }
  func.func @transform_0(%arg0: i32) -> (i32, i32) {
    %c0_i32 = arith.constant 0 : i32
    %c0_i32_0 = arith.constant 0 : i32
    return %arg0, %c0_i32 : i32, i32
  }
  func.func @transform_1(%arg0: i32) -> (i32, i32) {
    %c0_i32 = arith.constant 0 : i32
    %c0_i32_0 = arith.constant 0 : i32
    return %arg0, %c0_i32 : i32, i32
  }
  func.func @transform_2(%arg0: i32) -> (i32, i32) {
    %c0_i32 = arith.constant 0 : i32
    %c0_i32_0 = arith.constant 0 : i32
    %c0_i32_1 = arith.constant 0 : i32
    return %c0_i32, %c0_i32_0 : i32, i32
  }
  func.func @transform_3(%arg0: i32) -> (i32, i32) {
    %c0_i32 = arith.constant 0 : i32
    %c0_i32_0 = arith.constant 0 : i32
    %c0_i32_1 = arith.constant 0 : i32
    return %c0_i32, %c0_i32_0 : i32, i32
  }
  func.func @transform_4(%arg0: i32) -> (i32, i32) {
    %c0_i32 = arith.constant 0 : i32
    %c0_i32_0 = arith.constant 0 : i32
    %c0_i32_1 = arith.constant 0 : i32
    return %c0_i32, %c0_i32_0 : i32, i32
  }
  func.func @transform_5(%arg0: i32) -> (i32, i32, i32) {
    %c0_i32 = arith.constant 0 : i32
    %c0_i32_0 = arith.constant 0 : i32
    %c0_i32_1 = arith.constant 0 : i32
    return %c0_i32, %c0_i32_0, %arg0 : i32, i32, i32
  }
}

</mosaic_0001>

<sc_bundles>
// kernel: kernel.5.cloned.1.call-start
scs
__scs_entry_jumppad:
0x0: {  	(pc) =	sbr.rel $0x88, $3  }
0x1: {  	(tag) =	ssettag $0x0;
	lr =	simm.s32 $0x1  }
0x2: {  	[smem:$0x3F9D] =	sst lr;
	_ =	strace $0xD0000000  }
0x3: {  	_ = 	snop  }
0x4: {  	_ = 	snop  }
0x5: {  	_ = 	snop  }
0x6: {  	_ = 	snop  }
0x7: {  	_ = 	snop  }
__scs_overlays_trampoline_lowered:
0x8: {  	[smem:$0x3FAC] =	sst s0  }
0x9: {  	[smem:$0x3FAD] =	sst s1  }
0xa: {  	[smem:$0x3FAE] =	sst s2  }
0xb: {  	[smem:$0x3FAF] =	sst s3  }
0xc: {  	[smem:$0x3FB0] =	sst s4  }
0xd: {  	[smem:$0x3FB1] =	sst s5  }
0xe: {  	[smem:$0x3FB2] =	sst s6  }
0xf: {  	[smem:$0x3FB3] =	sst s7  }
0x10: {  	[smem:$0x3FB4] =	sst s8  }
0x11: {  	[smem:$0x3FB5] =	sst s9;
	s0 =	simm.s32 @!p0 $0x0  }
0x12: {  	s1 =	sld [smem:$0x3F9B];
	s0 =	simm.s32 @p0 $0x1  }
0x13: {  	[smem:$0x3FB6] =	sst s0;
	s0 =	simm.s32 @!p1 $0x0  }
0x14: {  	s2 =	sld [smem:$0x3F9A];
	s0 =	simm.s32 @p1 $0x1  }
0x15: {  	[smem:$0x3FB7] =	sst s0;
	s0 =	simm.s32 @!p2 $0x0  }
0x16: {  	s3 =	sld [smem:$0x3FDB];
	s0 =	simm.s32 @p2 $0x1  }
0x17: {  	s4 =	simm.s32 $0x1BF5;
	[smem:$0x3FB9] =	sst s0  }
0x18: {  	s0 =	sld [smem:$0x3F9C];
	_ =	swait.ge [sflag:s4], $0x0  }
0x19: {  	s7 =	sld [smem:$0x3F9D]  }
0x1a: {  	s8 =	sadd.s32 $0xFFFFE003, lr  }
0x1b: {  	s9 =	sadd.s32 $0xFFFFFEF7, lr;
	s5 =	simm.s32 $0xFFFFFFFF;
	p2 =	slt.u32 s8, $0xFFFFF086  }
0x1c: {  	p1 =	slt.u32 s9, $0xF7A;
	s5 =	simm.s32 @!p2 $0x0  }
0x1d: {  	s5 =	simm.s32 @p1 $0x1;
	p0 =	seq.s32 s7, s2  }
0x1e: {  	s7 =	smul.u32 @!p0 $0xF7A, s2;
	p2 =	seq.s32 @!p0 s5, $0x0  }
0x1f: {  	s9 =	smul.u32 $0xF7A, s1;
	s8 =	simm.s32 @!p0 $0x1BF5;
	p2 =	por !p2, p0  }
0x20: {  	[sflag:s8] =	ssyncset.s32 @!p0 $0xFFFFF086;
	s6 =	sadd.s32 @!p0 s3, s7;
	s7 =	simm.s32 @!p0 $0x108  }
0x21: {  	s3 =	sadd.s32 s3, s9;
	s6 =	sadd.s32 @!p0 $0x88, s6;
	s7 =	simm.s32 @p2 $0x1082  }
0x22: {  	[simem:s7], [sflag:s8] =	dma.local @!p0 [hbm:s6], $0xF7A  }
0x23: {  	s9 =	sor.u32 $0xD0000000, s2;
	s6 =	simm.s32 $0x108;
	_ =	swait.ge @!p0 [sflag:s8], $0x0  }
0x24: {  	s3 =	sadd.s32 $0x88, s3;
	s6 =	simm.s32 @!p1 $0x1082;
	[sflag:s4] =	ssyncset.s32 $0xFFFFF086  }
0x25: {  	[simem:s6], [sflag:s4] =	dma.local [hbm:s3], $0xF7A  }
0x26: {  	[smem:$0x3F9D] =	sst s1;
	(tag) =	ssettag s2;
	_ =	strace s9  }
0x27: {  	s1 =	sld [smem:$0x3FAD]  }
0x28: {  	s2 =	sld [smem:$0x3FAE]  }
0x29: {  	s4 =	sld [smem:$0x3FB0]  }
0x2a: {  	p0 =	seq.s32 s5, $0x0;
	s5 =	sld [smem:$0x3FB1]  }
0x2b: {  	s6 =	sld [smem:$0x3FB2]  }
0x2c: {  	s7 =	sld [smem:$0x3FB3]  }
0x2d: {  	s3 =	simm.s32 $0x108;
	s8 =	sld [smem:$0x3FB4]  }
0x2e: {  	s3 =	simm.s32 @!p0 $0x1082;
	s9 =	sld [smem:$0x3FB5]  }
0x2f: {  	lr =	sadd.s32 s0, s3;
	s0 =	sld [smem:$0x3FAC]  }
0x30: {  	s3 =	sld [smem:$0x3FAF]  }
0x31: {  	[smem:$0x3FB8] =	sst s10  }
0x32: {  	s10 =	sld [smem:$0x3FB6];
	_ =	sdelay $0x3  }
0x33: {  	p0 =	seq.s32 s10, $0x1;
	s10 =	sld [smem:$0x3FB8];
	_ =	sdelay $0x3  }
0x34: {  	[smem:$0x3FB8] =	sst s10  }
0x35: {  	s10 =	sld [smem:$0x3FB7];
	_ =	sdelay $0x3  }
0x36: {  	p1 =	seq.s32 s10, $0x1;
	s10 =	sld [smem:$0x3FB8];
	_ =	sdelay $0x3  }
0x37: {  	[smem:$0x3FB8] =	sst s10  }
0x38: {  	s10 =	sld [smem:$0x3FB9]  }
0x39: {  	_ = 	snop;
	(pc) =	sbr.ind lr, $3  }
0x3a: {  	_ = 	snop  }
0x3b: {  	_ = 	snop  }
0x3c: {  	p2 =	seq.s32 s10, $0x1;
	s10 =	sld [smem:$0x3FB8]  }
0x3d: {  	_ =	shalt  }
0x3e: {  	_ =	shalt  }
0x3f: {  	_ =	shalt  }
0x40: {  	_ =	shalt  }
0x41: {  	_ =	shalt  }
0x42: {  	_ =	shalt  }
0x43: {  	_ =	shalt  }
0x44: {  	_ =	shalt  }
0x45: {  	_ =	shalt  }
0x46: {  	_ =	shalt  }
0x47: {  	_ =	shalt  }
0x48: {  	_ =	shalt  }
0x49: {  	_ =	shalt  }
0x4a: {  	_ =	shalt  }
0x4b: {  	_ =	shalt  }
0x4c: {  	_ =	shalt  }
0x4d: {  	_ =	shalt  }
0x4e: {  	_ =	shalt  }
0x4f: {  	_ =	shalt  }
0x50: {  	_ =	shalt  }
0x51: {  	_ =	shalt  }
0x52: {  	_ =	shalt  }
0x53: {  	_ =	shalt  }
0x54: {  	_ =	shalt  }
0x55: {  	_ =	shalt  }
0x56: {  	_ =	shalt  }
0x57: {  	_ =	shalt  }
0x58: {  	_ =	shalt  }
0x59: {  	_ =	shalt  }
0x5a: {  	_ =	shalt  }
0x5b: {  	_ =	shalt  }
0x5c: {  	_ =	shalt  }
0x5d: {  	_ =	shalt  }
0x5e: {  	_ =	shalt  }
0x5f: {  	_ =	shalt  }
0x60: {  	_ =	shalt  }
0x61: {  	_ =	shalt  }
0x62: {  	_ =	shalt  }
0x63: {  	_ =	shalt  }
0x64: {  	_ =	shalt  }
0x65: {  	_ =	shalt  }
0x66: {  	_ =	shalt  }
0x67: {  	_ =	shalt  }
0x68: {  	_ =	shalt  }
0x69: {  	_ =	shalt  }
0x6a: {  	_ =	shalt  }
0x6b: {  	_ =	shalt  }
0x6c: {  	_ =	shalt  }
0x6d: {  	_ =	shalt  }
0x6e: {  	_ =	shalt  }
0x6f: {  	_ =	shalt  }
0x70: {  	_ =	shalt  }
0x71: {  	_ =	shalt  }
0x72: {  	_ =	shalt  }
0x73: {  	_ =	shalt  }
0x74: {  	_ =	shalt  }
0x75: {  	_ =	shalt  }
0x76: {  	_ =	shalt  }
0x77: {  	_ =	shalt  }
0x78: {  	_ =	shalt  }
0x79: {  	_ =	shalt  }
0x7a: {  	_ =	shalt  }
0x7b: {  	_ =	shalt  }
0x7c: {  	_ =	shalt  }
0x7d: {  	_ =	shalt  }
0x7e: {  	_ =	shalt  }
0x7f: {  	_ =	shalt  }
0x80: {  	_ =	shalt  }
0x81: {  	_ =	shalt  }
0x82: {  	_ =	shalt  }
0x83: {  	_ =	shalt  }
0x84: {  	_ =	shalt  }
0x85: {  	_ =	shalt  }
0x86: {  	_ =	shalt  }
0x87: {  	_ =	shalt  }
.Lfunc_end0:
.L_simem_size_0:
called_computation_lowered:
.L_overlay_start_0:
0x88: {  	s2 =	sld [smem:$0x3FD9]  }
0x89: {  	s3 =	sld [smem:$0x3FFE];
	_ =	sdelay $0x1  }
0x8a: {  	s1 =	srdreg.scid  }
0x8b: {  	s0 =	sand.u32 $0x1, s1  }
0x8c: {  	s17 =	sshll.u32 s0, $0xA;
	s2 =	sadd.s32 s3, s2  }
0x8d: {  	s2 =	sadd.s32 s2, s17  }
0x8e: {  	[smem:$0x3FC4] =	sst s2  }
0x8f: {  	_ = 	snop  }
0x90: {  	s2 =	sld [smem:$0x3FD0];
	(tm) =	ssettm $0x1  }
0x91: {  	s18 =	sld [smem:$0x3FFB];
	_ =	sdelay $0x3  }
0x92: {  	_ =	strace s18  }
0x93: {  	s3 =	sld [smem:$0x3FFC];
	_ =	sdelay $0x3  }
0x94: {  	_ =	strace s3  }
0x95: {  	s3 =	sld [smem:$0x3FFD];
	_ =	sdelay $0x3  }
0x96: {  	_ =	strace s3  }
0x97: {  	_ =	strace $0x8FFFFFFF  }
0x98: {  	s19 =	sld [smem:$0x3FDB];
	_ =	sdelay $0x1  }
0x99: {  	s4 =	simm.s32 $_scs_section_size  }
0x9a: {  	s5 =	simm.s32 $_size__tile_overlayer_lowered;
	s6 =	simm.s32 $_tile_overlayer_lowered  }
0x9b: {  	s22 =	simm.s32 $0x1BFF;
	s21 =	sshll.u32 s6, $0x1;
	s3 =	sadd.s32 s4, s19  }
0x9c: {  	s7 =	simm.s32 $0x0;
	s20 =	sshll.u32 s5, $0x1;
	s5 =	sadd.s32 s21, s3  }
0x9d: {  	[timem:s7], [sflag:s22] =	dma.local [hbm:s5], s20  }
0x9e: {  	_ =	swait.ge [sflag:s22], s20  }
0x9f: {  	s4 =	ssub.s32 $0x0, s20;
	[sflag:s22] =	ssyncset.done $0x0  }
0xa0: {  	[sflag:s22] =	ssyncadd.s32 s4;
	_ =	sdelay $0x1  }
0xa1: {  	s23 =	simm.s32 $0x1B8B  }
0xa2: {  	_ =	swait.ge [sflag:s23], $0x1  }
0xa3: {  	[sflag:s23] =	ssyncset.done $0x0  }
0xa4: {  	s25 =	simm.s32 $0x1B8E;
	s24 =	sld [smem:$0x3FFE];
	[sflag:s23] =	ssyncadd.s32 $0xFFFFFFFF  }
0xa5: {  	s26 =	simm.s32 $execute0_lowered;
	[smem:$0x3FD2] =	sst s25  }
0xa6: {  	s5 =	sshll.u32 s26, $0x1;
	_ =	strace $0x80000046;
	[dreg:$0x1] =	wrdreg $0xFFFFFFFF  }
0xa7: {  	s28 =	simm.s32 $_size_execute0_lowered;
	s3 =	sadd.s32 s3, s5;
	[dreg:$0x0] =	wrdreg $0x0  }
0xa8: {  	s5 =	sshll.u32 s28, $0x1;
	[dreg:$0x2] =	wrdreg s3  }
0xa9: {  	[dreg:$0x3] =	wrdreg s5  }
0xaa: {  	[dreg:$0x4] =	wrdreg $0xC0  }
0xab: {  	_ =	task [dreg:s7], $0x5FFFF  }
0xac: {  	[dreg:$0x1] =	wrdreg $0xFFFFFFFF  }
0xad: {  	[dreg:$0x0] =	wrdreg $0x60  }
0xae: {  	[dreg:$0x2] =	wrdreg s24  }
0xaf: {  	[dreg:$0x3] =	wrdreg s2  }
0xb0: {  	[dreg:$0x4] =	wrdreg $0x9  }
0xb1: {  	_ =	task.clear_ibuf [dreg:s7], $0x5FFFF;
	_ =	strace $0x90000046  }
0xb2: {  	s29 =	simm.s32 $0x9;
	_ =	strace $0x80000048  }
0xb3: {  	_ =	swait.ge [sflag:s29], $0x1  }
0xb4: {  	[sflag:s29] =	ssyncadd.s32 $0xFFFFFFFF  }
0xb5: {  	_ =	strace $0x90000048  }
0xb6: {  	_ =	sfence  }
0xb7: {  	s30 =	sld [smem:$0x0];
	_ =	sdelay $0x2  }
0xb8: {  	s31 =	sshll.u32 s1, $0xD;
	s1 =	sshrl.u32 s1, $0x2  }
0xb9: {  	s3 =	sand.u32 $0x4000, s31;
	s1 =	sadd.s32 s1, s30  }
0xba: {  	s0 =	sor.u32 s3, s0;
	s1 =	sshll.u32 s1, $0x11  }
0xbb: {  	s0 =	sor.u32 s1, s0  }
0xbc: {  	s0 =	sadd.s32 $0x8F2B, s0  }
0xbd: {  	[sflag:s0] =	ssyncadd.remote.s32 $0x1  }
0xbe: {  	_ =	sfence.sel $0xFFFF  }
0xbf: {  	[dreg:$0x0] =	wrdreg $0xFFFFFFFF;
	(pc) =	sbr.abs _section_cstart, $3  }
0xc0: {  	[dreg:$0x1] =	wrdreg $0xFFFFFFFF  }
0xc1: {  	_ =	task.clear_ibuf [dreg:s7], $0x2FFFF;
	_ =	strace $0x9FFFFFFF  }
0xc2: {  	(tm) =	ssettm $0x7FFFFFFF  }
0xc3: {  	_ =	shalt  }
tec
execute0_lowered:
.L_overlay_start_1:
0x0: {  	(tag) =	ssettag $0x1  }
0x1: {  	s8 =	rddreg [dreg:$0x0]  }
0x2: {  	s1 =	rddreg [dreg:$0x1]  }
0x3: {  	s0 =	rddreg [dreg:$0x2]  }
0x4: {  	s2 =	simm.s32 $0x0;
	s6 =	srdreg.scid;
	s3 =	stileid.u32  }
0x5: {  	s13 =	simm.s32 $0x80;
	s14 =	simm.s32 $0x1;
	s15 =	simm.s32 $0x4080  }
0x6: {  	s16 =	simm.s32 $0x4480;
	s17 =	simm.s32 $0x4880;
	s18 =	simm.s32 $0x4C80  }
0x7: {  	s19 =	simm.s32 $0x4D00;
	s20 =	simm.s32 $0x0;
	[smem:$0x7FF] =	sst s2  }
0x8: {  	s4 =	sadd.s32 $0x29800, s8;
	s7 =	sand.u32 $0x1, s6;
	s9 =	sshll.u32 s3, $0x1  }
0x9: {  	s5 =	sadd.s32 $0x1800, s8;
	s6 =	sadd.s32 $0x51800, s8;
	s9 =	sor.u32 s7, s9  }
0xa: {  	_ =	strace $0x80000047;
	s10 =	ssub.s32 $0x2, s7;
	s11 =	sshll.u32 s9, $0x4  }
0xb: {  	s7 =	sadd.s32 $0x79800, s8;
	s12 =	sshrl.u32 s10, $0x1;
	s11 =	sadd.s32 s11, s8  }
0xc: {  	s12 =	ssub.s32 s10, s12;
	s8 =	smul.u32 $0x140, s9;
	s9 =	sadd.s32 $0xA1800, s11  }
0xd: {  	v0 =	vimm.f32 $0.0e+00;
	s10 =	sadd.s32 $0xA1A00, s11;
	s11 =	smax.u32 s12, $0x1;
	s12 =	simm.s32 $0x2  }
.LBB2_1:
0xe: {  	[tilespmem:$0x4C80] =	vst v0  }
0xf: {  	[tilespmem:$0x4D00] =	vst v0  }
0x10: {  	[tilespmem:$0x4C90] =	vst v0  }
0x11: {  	[tilespmem:$0x4D10] =	vst v0  }
0x12: {  	[tilespmem:$0x4CA0] =	vst v0  }
0x13: {  	[tilespmem:$0x4D20] =	vst v0  }
0x14: {  	[tilespmem:$0x4CB0] =	vst v0  }
0x15: {  	[tilespmem:$0x4D30] =	vst v0  }
0x16: {  	[tilespmem:$0x4CC0] =	vst v0  }
0x17: {  	[tilespmem:$0x4D40] =	vst v0  }
0x18: {  	[tilespmem:$0x4CD0] =	vst v0  }
0x19: {  	[tilespmem:$0x4D50] =	vst v0  }
0x1a: {  	[tilespmem:$0x4CE0] =	vst v0  }
0x1b: {  	[tilespmem:$0x4D60] =	vst v0  }
0x1c: {  	[tilespmem:$0x4CF0] =	vst v0  }
0x1d: {  	[tilespmem:$0x4D70] =	vst v0;
	s21 =	simm.s32 $0x0  }
.LBB2_2:
0x1e: {  	s22 =	sshll.u32 s21, $0x3  }
0x1f: {  	s25 =	sadd.s32 s8, s22  }
0x20: {  	s22 =	sshll.u32 s25, $0x1  }
0x21: {  	s23 =	sadd.s32 s1, s22;
	s22 =	simm.s32 $0x0  }
0x22: {  	[tilespmem:s22], [sflag:$0x2] =	stream.linear.gather [hbm4b:s23+s22], $0x80, $0x38;
	[tilespmem:$0x4D80] =	vst v63  }
0x23: {  	_ =	swait.ge [sflag:s12], $0x80  }
0x24: {  	[sflag:s12] =	ssyncset.done $0x0  }
0x25: {  	[sflag:s12] =	ssyncadd.s32 $0xFFFFFF80  }
0x26: {  	[tilespmem:s13], [sflag:$0x1] =	stream.indirect.gather [hbm4b:s4+s13], $0x80, s22, s13, $0xb8;
	[tilespmem:$0x4D80] =	vst v63  }
0x27: {  	_ =	swait.ge [sflag:s14], $0x4000  }
0x28: {  	s23 =	sshll.u32 s25, $0x4;
	[sflag:s14] =	ssyncset.done $0x0  }
0x29: {  	s24 =	sadd.s32 s5, s23;
	[sflag:s14] =	ssyncadd.s32 $0xFFFFC000  }
0x2a: {  	[tilespmem:s15], [sflag:$0x2] =	stream.linear.gather [hbm4b:s24+s22], $0x400, $0x38;
	[tilespmem:$0x4D80] =	vst v63  }
0x2b: {  	_ =	swait.ge [sflag:s12], $0x400  }
0x2c: {  	[sflag:s12] =	ssyncset.done $0x0  }
0x2d: {  	p0 =	sgt.u32 s25, $0x270F;
	s24 =	simm.s32 $0x480;
	[sflag:s12] =	ssyncadd.s32 $0xFFFFFC00  }
.LBB2_3:
0x2e: {  	v2 =	vld [tilespmem:s24+$0xFFFFFC00]  }
0x2f: {  	v3 =	vld [tilespmem:s24+$0xFFFFFC80]  }
0x30: {  	v4 =	vld [tilespmem:s24+$0xFFFFFD00]  }
0x31: {  	s25 =	sshra.s32 s22, $0x2;
	v5 =	vld [tilespmem:s24+$0xFFFFFD80]  }
0x32: {  	v1 =	vld [tilespmem:s25+$0x4080]  }
0x33: {  	v6 =	vld [tilespmem:s24+$0xFFFFFE00]  }
0x34: {  	v7 =	vld [tilespmem:s24+$0xFFFFFE80]  }
0x35: {  	v11 =	vld [tilespmem:s24+$0xFFFFFF80];
	_ =	sdelay $0x1  }
0x36: {  	v2 =	vadd.f32 v2, v1;
	v3 =	vadd.f32 v3, v1  }
0x37: {  	v4 =	vadd.f32 v4, v1;
	v5 =	vadd.f32 v5, v1  }
0x38: {  	v10 =	vld [tilespmem:s24+$0xFFFFFF00];
	v6 =	vadd.f32 v6, v1;
	v7 =	vadd.f32 v7, v1  }
0x39: {  	v27 =	vld [tilespmem:s24+$0x80];
	v11 =	vadd.f32 v11, v1;
	v8 =	vmax.f32 v2, v3;
	v9 =	vmin.f32 v2, v3  }
0x3a: {  	v29 =	vld [tilespmem:s24+$0x180];
	v12 =	vmul.f32 @!p0 v2, v2;
	v13 =	vmul.f32 @!p0 v3, v3;
	v8 =	vmax.f32 v8, v4  }
0x3b: {  	v2 =	vadd.f32 @!p0 v3, v2;
	v9 =	vmin.f32 v9, v4;
	v8 =	vmax.f32 v8, v5  }
0x3c: {  	v3 =	vmax.f32 v8, v6;
	v8 =	vadd.f32 @!p0 v13, v12;
	v12 =	vmul.f32 @!p0 v4, v4  }
0x3d: {  	v9 =	vmin.f32 v9, v5;
	v2 =	vadd.f32 @!p0 v4, v2;
	v4 =	vadd.f32 v10, v1  }
0x3e: {  	v26 =	vld [tilespmem:s24+$0x0];
	v10 =	vadd.f32 v27, v1;
	v8 =	vadd.f32 @!p0 v12, v8;
	v12 =	vmul.f32 @!p0 v5, v5  }
0x3f: {  	v9 =	vmin.f32 v9, v6;
	v13 =	vadd.f32 v29, v1;
	v2 =	vadd.f32 @!p0 v5, v2  }
0x40: {  	v32 =	vld [tilespmem:s24+$0x280];
	v3 =	vmax.f32 v3, v7;
	v5 =	vadd.f32 @!p0 v12, v8;
	v8 =	vmul.f32 @!p0 v6, v6  }
0x41: {  	v9 =	vmin.f32 v9, v7;
	v3 =	vmax.f32 v3, v4;
	v2 =	vadd.f32 @!p0 v6, v2  }
0x42: {  	v28 =	vld [tilespmem:s24+$0x100];
	v9 =	vmin.f32 v9, v4;
	v5 =	vadd.f32 @!p0 v8, v5;
	v8 =	vmul.f32 @!p0 v7, v7  }
0x43: {  	v3 =	vmax.f32 v3, v11;
	v6 =	vadd.f32 v26, v1;
	v2 =	vadd.f32 @!p0 v7, v2  }
0x44: {  	v9 =	vmin.f32 v9, v11;
	v7 =	vmul.f32 @!p0 v4, v4;
	v5 =	vadd.f32 @!p0 v8, v5  }
0x45: {  	v31 =	vld [tilespmem:s24+$0x200];
	v12 =	vadd.f32 v32, v1;
	v3 =	vmax.f32 v3, v6;
	v2 =	vadd.f32 @!p0 v4, v2  }
0x46: {  	v30 =	vmin.f32 v9, v6;
	v5 =	vadd.f32 @!p0 v7, v5;
	v7 =	vmul.f32 @!p0 v11, v11  }
0x47: {  	v3 =	vmax.f32 v3, v10;
	v4 =	vadd.f32 v28, v1;
	v2 =	vadd.f32 @!p0 v11, v2  }
0x48: {  	v8 =	vmin.f32 v30, v10;
	v5 =	vadd.f32 @!p0 v7, v5;
	v7 =	vmul.f32 @!p0 v6, v6  }
0x49: {  	v33 =	vld [tilespmem:s24+$0x300];
	v3 =	vmax.f32 v3, v4;
	v8 =	vmin.f32 v8, v4;
	v2 =	vadd.f32 @!p0 v6, v2  }
0x4a: {  	v34 =	vld [tilespmem:s24+$0x380];
	v6 =	vadd.f32 v31, v1;
	v5 =	vadd.f32 @!p0 v7, v5;
	v7 =	vmul.f32 @!p0 v10, v10  }
0x4b: {  	v3 =	vmax.f32 v3, v13;
	v8 =	vmin.f32 v8, v13;
	v2 =	vadd.f32 @!p0 v10, v2  }
0x4c: {  	v3 =	vmax.f32 v3, v6;
	v5 =	vadd.f32 @!p0 v7, v5;
	v7 =	vmul.f32 @!p0 v4, v4  }
0x4d: {  	v8 =	vmin.f32 v8, v6;
	v3 =	vmax.f32 v3, v12;
	v2 =	vadd.f32 @!p0 v4, v2  }
0x4e: {  	v4 =	vadd.f32 v33, v1;
	v5 =	vadd.f32 @!p0 v7, v5;
	v7 =	vmul.f32 @!p0 v13, v13  }
0x4f: {  	v8 =	vmin.f32 v8, v12;
	v1 =	vadd.f32 v34, v1;
	v2 =	vadd.f32 @!p0 v13, v2  }
0x50: {  	v3 =	vmax.f32 v3, v4;
	v5 =	vadd.f32 @!p0 v7, v5;
	v7 =	vmul.f32 @!p0 v6, v6  }
0x51: {  	v8 =	vmin.f32 v8, v4;
	v3 =	vmax.f32 v3, v1;
	v2 =	vadd.f32 @!p0 v6, v2  }
0x52: {  	v35 =	vmin.f32 v8, v1;
	[tilespmem:s25+$0x4480] =	vst v3;
	v3 =	vadd.f32 @!p0 v7, v5;
	v5 =	vmul.f32 @!p0 v12, v12  }
0x53: {  	[tilespmem:s25+$0x4880] =	vst v35;
	v2 =	vadd.f32 @!p0 v12, v2  }
0x54: {  	v6 =	vld @!p0 [tilespmem:$0x4C80];
	v3 =	vadd.f32 @!p0 v5, v3;
	v5 =	vmul.f32 @!p0 v4, v4  }
0x55: {  	v2 =	vadd.f32 @!p0 v4, v2;
	v4 =	vld @!p0 [tilespmem:$0x4D00]  }
0x56: {  	v3 =	vadd.f32 @!p0 v5, v3;
	v5 =	vmul.f32 @!p0 v1, v1  }
0x57: {  	v1 =	vadd.f32 @!p0 v1, v2  }
0x58: {  	v2 =	vadd.f32 @!p0 v5, v3  }
0x59: {  	v1 =	vadd.f32 @!p0 v6, v1  }
0x5a: {  	v2 =	vadd.f32 @!p0 v4, v2  }
0x5b: {  	[tilespmem:$0x4C80] =	vst @!p0 v1  }
0x5c: {  	[tilespmem:$0x4D00] =	vst @!p0 v2  }
0x5d: {  	v1 =	vld [tilespmem:s25+$0x4090]  }
0x5e: {  	v2 =	vld [tilespmem:s24+$0xFFFFFC10]  }
0x5f: {  	v3 =	vld [tilespmem:s24+$0xFFFFFC90]  }
0x60: {  	v36 =	vld [tilespmem:s24+$0xFFFFFD10]  }
0x61: {  	v37 =	vld [tilespmem:s24+$0xFFFFFD90]  }
0x62: {  	v38 =	vld [tilespmem:s24+$0xFFFFFE10]  }
0x63: {  	v39 =	vld [tilespmem:s24+$0xFFFFFE90]  }
0x64: {  	v43 =	vld [tilespmem:s24+$0xFFFFFF90];
	_ =	sdelay $0x1  }
0x65: {  	v2 =	vadd.f32 v2, v1;
	v3 =	vadd.f32 v3, v1  }
0x66: {  	v4 =	vadd.f32 v36, v1;
	v5 =	vadd.f32 v37, v1  }
0x67: {  	v45 =	vld [tilespmem:s24+$0x90];
	v6 =	vadd.f32 v38, v1;
	v7 =	vadd.f32 v39, v1  }
0x68: {  	v42 =	vld [tilespmem:s24+$0xFFFFFF10];
	v11 =	vadd.f32 v43, v1;
	v40 =	vmax.f32 v2, v3;
	v41 =	vmin.f32 v2, v3  }
0x69: {  	v47 =	vld [tilespmem:s24+$0x190];
	v12 =	vmul.f32 @!p0 v2, v2;
	v13 =	vmul.f32 @!p0 v3, v3;
	v8 =	vmax.f32 v40, v4  }
0x6a: {  	v2 =	vadd.f32 @!p0 v3, v2;
	v9 =	vmin.f32 v41, v4;
	v8 =	vmax.f32 v8, v5  }
0x6b: {  	v3 =	vmax.f32 v8, v6;
	v8 =	vadd.f32 @!p0 v13, v12;
	v12 =	vmul.f32 @!p0 v4, v4  }
0x6c: {  	v10 =	vadd.f32 v45, v1;
	v9 =	vmin.f32 v9, v5;
	v2 =	vadd.f32 @!p0 v4, v2  }
0x6d: {  	v44 =	vld [tilespmem:s24+$0x10];
	v4 =	vadd.f32 v42, v1;
	v8 =	vadd.f32 @!p0 v12, v8;
	v12 =	vmul.f32 @!p0 v5, v5  }
0x6e: {  	v9 =	vmin.f32 v9, v6;
	v13 =	vadd.f32 v47, v1;
	v2 =	vadd.f32 @!p0 v5, v2  }
0x6f: {  	v50 =	vld [tilespmem:s24+$0x290];
	v3 =	vmax.f32 v3, v7;
	v5 =	vadd.f32 @!p0 v12, v8;
	v8 =	vmul.f32 @!p0 v6, v6  }
0x70: {  	v9 =	vmin.f32 v9, v7;
	v3 =	vmax.f32 v3, v4;
	v2 =	vadd.f32 @!p0 v6, v2  }
0x71: {  	v46 =	vld [tilespmem:s24+$0x110];
	v9 =	vmin.f32 v9, v4;
	v5 =	vadd.f32 @!p0 v8, v5;
	v8 =	vmul.f32 @!p0 v7, v7  }
0x72: {  	v3 =	vmax.f32 v3, v11;
	v6 =	vadd.f32 v44, v1;
	v2 =	vadd.f32 @!p0 v7, v2  }
0x73: {  	v9 =	vmin.f32 v9, v11;
	v7 =	vmul.f32 @!p0 v4, v4;
	v5 =	vadd.f32 @!p0 v8, v5  }
0x74: {  	v49 =	vld [tilespmem:s24+$0x210];
	v12 =	vadd.f32 v50, v1;
	v3 =	vmax.f32 v3, v6;
	v2 =	vadd.f32 @!p0 v4, v2  }
0x75: {  	v48 =	vmin.f32 v9, v6;
	v5 =	vadd.f32 @!p0 v7, v5;
	v7 =	vmul.f32 @!p0 v11, v11  }
0x76: {  	v3 =	vmax.f32 v3, v10;
	v4 =	vadd.f32 v46, v1;
	v2 =	vadd.f32 @!p0 v11, v2  }
0x77: {  	v8 =	vmin.f32 v48, v10;
	v5 =	vadd.f32 @!p0 v7, v5;
	v7 =	vmul.f32 @!p0 v6, v6  }
0x78: {  	v51 =	vld [tilespmem:s24+$0x310];
	v3 =	vmax.f32 v3, v4;
	v8 =	vmin.f32 v8, v4;
	v2 =	vadd.f32 @!p0 v6, v2  }
0x79: {  	v52 =	vld [tilespmem:s24+$0x390];
	v6 =	vadd.f32 v49, v1;
	v5 =	vadd.f32 @!p0 v7, v5;
	v7 =	vmul.f32 @!p0 v10, v10  }
0x7a: {  	v3 =	vmax.f32 v3, v13;
	v8 =	vmin.f32 v8, v13;
	v2 =	vadd.f32 @!p0 v10, v2  }
0x7b: {  	v3 =	vmax.f32 v3, v6;
	v5 =	vadd.f32 @!p0 v7, v5;
	v7 =	vmul.f32 @!p0 v4, v4  }
0x7c: {  	v8 =	vmin.f32 v8, v6;
	v3 =	vmax.f32 v3, v12;
	v2 =	vadd.f32 @!p0 v4, v2  }
0x7d: {  	v4 =	vadd.f32 v51, v1;
	v5 =	vadd.f32 @!p0 v7, v5;
	v7 =	vmul.f32 @!p0 v13, v13  }
0x7e: {  	v8 =	vmin.f32 v8, v12;
	v1 =	vadd.f32 v52, v1;
	v2 =	vadd.f32 @!p0 v13, v2  }
0x7f: {  	v3 =	vmax.f32 v3, v4;
	v5 =	vadd.f32 @!p0 v7, v5;
	v7 =	vmul.f32 @!p0 v6, v6  }
0x80: {  	v8 =	vmin.f32 v8, v4;
	v3 =	vmax.f32 v3, v1;
	v2 =	vadd.f32 @!p0 v6, v2  }
0x81: {  	v53 =	vmin.f32 v8, v1;
	[tilespmem:s25+$0x4490] =	vst v3;
	v3 =	vadd.f32 @!p0 v7, v5;
	v5 =	vmul.f32 @!p0 v12, v12  }
0x82: {  	[tilespmem:s25+$0x4890] =	vst v53;
	v2 =	vadd.f32 @!p0 v12, v2  }
0x83: {  	v6 =	vld @!p0 [tilespmem:$0x4C90];
	v3 =	vadd.f32 @!p0 v5, v3;
	v5 =	vmul.f32 @!p0 v4, v4  }
0x84: {  	v2 =	vadd.f32 @!p0 v4, v2;
	v4 =	vld @!p0 [tilespmem:$0x4D10]  }
0x85: {  	v3 =	vadd.f32 @!p0 v5, v3;
	v5 =	vmul.f32 @!p0 v1, v1  }
0x86: {  	v1 =	vadd.f32 @!p0 v1, v2  }
0x87: {  	v2 =	vadd.f32 @!p0 v5, v3  }
0x88: {  	v1 =	vadd.f32 @!p0 v6, v1  }
0x89: {  	v2 =	vadd.f32 @!p0 v4, v2  }
0x8a: {  	[tilespmem:$0x4C90] =	vst @!p0 v1  }
0x8b: {  	[tilespmem:$0x4D10] =	vst @!p0 v2  }
0x8c: {  	v1 =	vld [tilespmem:s25+$0x40A0]  }
0x8d: {  	v2 =	vld [tilespmem:s24+$0xFFFFFC20]  }
0x8e: {  	v3 =	vld [tilespmem:s24+$0xFFFFFCA0]  }
0x8f: {  	v54 =	vld [tilespmem:s24+$0xFFFFFD20]  }
0x90: {  	v55 =	vld [tilespmem:s24+$0xFFFFFDA0]  }
0x91: {  	v56 =	vld [tilespmem:s24+$0xFFFFFE20]  }
0x92: {  	v57 =	vld [tilespmem:s24+$0xFFFFFEA0]  }
0x93: {  	v61 =	vld [tilespmem:s24+$0xFFFFFFA0];
	_ =	sdelay $0x1  }
0x94: {  	v2 =	vadd.f32 v2, v1;
	v3 =	vadd.f32 v3, v1  }
0x95: {  	v4 =	vadd.f32 v54, v1;
	v5 =	vadd.f32 v55, v1  }
0x96: {  	v63 =	vld [tilespmem:s24+$0xA0];
	v6 =	vadd.f32 v56, v1;
	v7 =	vadd.f32 v57, v1  }
0x97: {  	v60 =	vld [tilespmem:s24+$0xFFFFFF20];
	v11 =	vadd.f32 v61, v1;
	v58 =	vmax.f32 v2, v3;
	v59 =	vmin.f32 v2, v3  }
0x98: {  	v17 =	vld [tilespmem:s24+$0x1A0];
	v12 =	vmul.f32 @!p0 v2, v2;
	v13 =	vmul.f32 @!p0 v3, v3;
	v8 =	vmax.f32 v58, v4  }
0x99: {  	v2 =	vadd.f32 @!p0 v3, v2;
	v9 =	vmin.f32 v59, v4;
	v8 =	vmax.f32 v8, v5  }
0x9a: {  	v3 =	vmax.f32 v8, v6;
	v8 =	vadd.f32 @!p0 v13, v12;
	v12 =	vmul.f32 @!p0 v4, v4  }
0x9b: {  	v10 =	vadd.f32 v63, v1;
	v9 =	vmin.f32 v9, v5;
	v2 =	vadd.f32 @!p0 v4, v2  }
0x9c: {  	v62 =	vld [tilespmem:s24+$0x20];
	v4 =	vadd.f32 v60, v1;
	v8 =	vadd.f32 @!p0 v12, v8;
	v12 =	vmul.f32 @!p0 v5, v5  }
0x9d: {  	v9 =	vmin.f32 v9, v6;
	v13 =	vadd.f32 v17, v1;
	v2 =	vadd.f32 @!p0 v5, v2  }
0x9e: {  	v20 =	vld [tilespmem:s24+$0x2A0];
	v3 =	vmax.f32 v3, v7;
	v5 =	vadd.f32 @!p0 v12, v8;
	v8 =	vmul.f32 @!p0 v6, v6  }
0x9f: {  	v9 =	vmin.f32 v9, v7;
	v3 =	vmax.f32 v3, v4;
	v2 =	vadd.f32 @!p0 v6, v2  }
0xa0: {  	v16 =	vld [tilespmem:s24+$0x120];
	v9 =	vmin.f32 v9, v4;
	v5 =	vadd.f32 @!p0 v8, v5;
	v8 =	vmul.f32 @!p0 v7, v7  }
0xa1: {  	v3 =	vmax.f32 v3, v11;
	v6 =	vadd.f32 v62, v1;
	v2 =	vadd.f32 @!p0 v7, v2  }
0xa2: {  	v9 =	vmin.f32 v9, v11;
	v7 =	vmul.f32 @!p0 v4, v4;
	v5 =	vadd.f32 @!p0 v8, v5  }
0xa3: {  	v19 =	vld [tilespmem:s24+$0x220];
	v12 =	vadd.f32 v20, v1;
	v3 =	vmax.f32 v3, v6;
	v2 =	vadd.f32 @!p0 v4, v2  }
0xa4: {  	v18 =	vmin.f32 v9, v6;
	v5 =	vadd.f32 @!p0 v7, v5;
	v7 =	vmul.f32 @!p0 v11, v11  }
0xa5: {  	v3 =	vmax.f32 v3, v10;
	v4 =	vadd.f32 v16, v1;
	v2 =	vadd.f32 @!p0 v11, v2  }
0xa6: {  	v8 =	vmin.f32 v18, v10;
	v5 =	vadd.f32 @!p0 v7, v5;
	v7 =	vmul.f32 @!p0 v6, v6  }
0xa7: {  	v21 =	vld [tilespmem:s24+$0x320];
	v3 =	vmax.f32 v3, v4;
	v8 =	vmin.f32 v8, v4;
	v2 =	vadd.f32 @!p0 v6, v2  }
0xa8: {  	v22 =	vld [tilespmem:s24+$0x3A0];
	v6 =	vadd.f32 v19, v1;
	v5 =	vadd.f32 @!p0 v7, v5;
	v7 =	vmul.f32 @!p0 v10, v10  }
0xa9: {  	v3 =	vmax.f32 v3, v13;
	v8 =	vmin.f32 v8, v13;
	v2 =	vadd.f32 @!p0 v10, v2  }
0xaa: {  	v3 =	vmax.f32 v3, v6;
	v5 =	vadd.f32 @!p0 v7, v5;
	v7 =	vmul.f32 @!p0 v4, v4  }
0xab: {  	v8 =	vmin.f32 v8, v6;
	v3 =	vmax.f32 v3, v12;
	v2 =	vadd.f32 @!p0 v4, v2  }
0xac: {  	v4 =	vadd.f32 v21, v1;
	v5 =	vadd.f32 @!p0 v7, v5;
	v7 =	vmul.f32 @!p0 v13, v13  }
0xad: {  	v8 =	vmin.f32 v8, v12;
	v1 =	vadd.f32 v22, v1;
	v2 =	vadd.f32 @!p0 v13, v2  }
0xae: {  	v3 =	vmax.f32 v3, v4;
	v5 =	vadd.f32 @!p0 v7, v5;
	v7 =	vmul.f32 @!p0 v6, v6  }
0xaf: {  	v8 =	vmin.f32 v8, v4;
	v3 =	vmax.f32 v3, v1;
	v2 =	vadd.f32 @!p0 v6, v2  }
0xb0: {  	v23 =	vmin.f32 v8, v1;
	[tilespmem:s25+$0x44A0] =	vst v3;
	v3 =	vadd.f32 @!p0 v7, v5;
	v5 =	vmul.f32 @!p0 v12, v12  }
0xb1: {  	[tilespmem:s25+$0x48A0] =	vst v23;
	v2 =	vadd.f32 @!p0 v12, v2  }
0xb2: {  	v6 =	vld @!p0 [tilespmem:$0x4CA0];
	v3 =	vadd.f32 @!p0 v5, v3;
	v5 =	vmul.f32 @!p0 v4, v4  }
0xb3: {  	v2 =	vadd.f32 @!p0 v4, v2;
	v4 =	vld @!p0 [tilespmem:$0x4D20]  }
0xb4: {  	v3 =	vadd.f32 @!p0 v5, v3;
	v5 =	vmul.f32 @!p0 v1, v1  }
0xb5: {  	v1 =	vadd.f32 @!p0 v1, v2  }
0xb6: {  	v2 =	vadd.f32 @!p0 v5, v3  }
0xb7: {  	v1 =	vadd.f32 @!p0 v6, v1  }
0xb8: {  	v2 =	vadd.f32 @!p0 v4, v2  }
0xb9: {  	[tilespmem:$0x4CA0] =	vst @!p0 v1  }
0xba: {  	[tilespmem:$0x4D20] =	vst @!p0 v2  }
0xbb: {  	v1 =	vld [tilespmem:s25+$0x40B0]  }
0xbc: {  	v2 =	vld [tilespmem:s24+$0xFFFFFC30]  }
0xbd: {  	v3 =	vld [tilespmem:s24+$0xFFFFFCB0]  }
0xbe: {  	v24 =	vld [tilespmem:s24+$0xFFFFFD30]  }
0xbf: {  	v25 =	vld [tilespmem:s24+$0xFFFFFDB0]  }
0xc0: {  	v26 =	vld [tilespmem:s24+$0xFFFFFE30]  }
0xc1: {  	v27 =	vld [tilespmem:s24+$0xFFFFFEB0]  }
0xc2: {  	v31 =	vld [tilespmem:s24+$0xFFFFFFB0];
	_ =	sdelay $0x1  }
0xc3: {  	v2 =	vadd.f32 v2, v1;
	v3 =	vadd.f32 v3, v1  }
0xc4: {  	v4 =	vadd.f32 v24, v1;
	v5 =	vadd.f32 v25, v1  }
0xc5: {  	v33 =	vld [tilespmem:s24+$0xB0];
	v6 =	vadd.f32 v26, v1;
	v7 =	vadd.f32 v27, v1  }
0xc6: {  	v30 =	vld [tilespmem:s24+$0xFFFFFF30];
	v11 =	vadd.f32 v31, v1;
	v28 =	vmax.f32 v2, v3;
	v29 =	vmin.f32 v2, v3  }
0xc7: {  	v35 =	vld [tilespmem:s24+$0x1B0];
	v12 =	vmul.f32 @!p0 v2, v2;
	v13 =	vmul.f32 @!p0 v3, v3;
	v8 =	vmax.f32 v28, v4  }
0xc8: {  	v2 =	vadd.f32 @!p0 v3, v2;
	v9 =	vmin.f32 v29, v4;
	v8 =	vmax.f32 v8, v5  }
0xc9: {  	v3 =	vmax.f32 v8, v6;
	v8 =	vadd.f32 @!p0 v13, v12;
	v12 =	vmul.f32 @!p0 v4, v4  }
0xca: {  	v10 =	vadd.f32 v33, v1;
	v9 =	vmin.f32 v9, v5;
	v2 =	vadd.f32 @!p0 v4, v2  }
0xcb: {  	v32 =	vld [tilespmem:s24+$0x30];
	v4 =	vadd.f32 v30, v1;
	v8 =	vadd.f32 @!p0 v12, v8;
	v12 =	vmul.f32 @!p0 v5, v5  }
0xcc: {  	v9 =	vmin.f32 v9, v6;
	v13 =	vadd.f32 v35, v1;
	v2 =	vadd.f32 @!p0 v5, v2  }
0xcd: {  	v38 =	vld [tilespmem:s24+$0x2B0];
	v3 =	vmax.f32 v3, v7;
	v5 =	vadd.f32 @!p0 v12, v8;
	v8 =	vmul.f32 @!p0 v6, v6  }
0xce: {  	v9 =	vmin.f32 v9, v7;
	v3 =	vmax.f32 v3, v4;
	v2 =	vadd.f32 @!p0 v6, v2  }
0xcf: {  	v34 =	vld [tilespmem:s24+$0x130];
	v9 =	vmin.f32 v9, v4;
	v5 =	vadd.f32 @!p0 v8, v5;
	v8 =	vmul.f32 @!p0 v7, v7  }
0xd0: {  	v3 =	vmax.f32 v3, v11;
	v6 =	vadd.f32 v32, v1;
	v2 =	vadd.f32 @!p0 v7, v2  }
0xd1: {  	v9 =	vmin.f32 v9, v11;
	v7 =	vmul.f32 @!p0 v4, v4;
	v5 =	vadd.f32 @!p0 v8, v5  }
0xd2: {  	v37 =	vld [tilespmem:s24+$0x230];
	v12 =	vadd.f32 v38, v1;
	v3 =	vmax.f32 v3, v6;
	v2 =	vadd.f32 @!p0 v4, v2  }
0xd3: {  	v36 =	vmin.f32 v9, v6;
	v5 =	vadd.f32 @!p0 v7, v5;
	v7 =	vmul.f32 @!p0 v11, v11  }
0xd4: {  	v3 =	vmax.f32 v3, v10;
	v4 =	vadd.f32 v34, v1;
	v2 =	vadd.f32 @!p0 v11, v2  }
0xd5: {  	v8 =	vmin.f32 v36, v10;
	v5 =	vadd.f32 @!p0 v7, v5;
	v7 =	vmul.f32 @!p0 v6, v6  }
0xd6: {  	v39 =	vld [tilespmem:s24+$0x330];
	v3 =	vmax.f32 v3, v4;
	v8 =	vmin.f32 v8, v4;
	v2 =	vadd.f32 @!p0 v6, v2  }
0xd7: {  	v40 =	vld [tilespmem:s24+$0x3B0];
	v6 =	vadd.f32 v37, v1;
	v5 =	vadd.f32 @!p0 v7, v5;
	v7 =	vmul.f32 @!p0 v10, v10  }
0xd8: {  	v3 =	vmax.f32 v3, v13;
	v8 =	vmin.f32 v8, v13;
	v2 =	vadd.f32 @!p0 v10, v2  }
0xd9: {  	v3 =	vmax.f32 v3, v6;
	v5 =	vadd.f32 @!p0 v7, v5;
	v7 =	vmul.f32 @!p0 v4, v4  }
0xda: {  	v8 =	vmin.f32 v8, v6;
	v3 =	vmax.f32 v3, v12;
	v2 =	vadd.f32 @!p0 v4, v2  }
0xdb: {  	v4 =	vadd.f32 v39, v1;
	v5 =	vadd.f32 @!p0 v7, v5;
	v7 =	vmul.f32 @!p0 v13, v13  }
0xdc: {  	v8 =	vmin.f32 v8, v12;
	v1 =	vadd.f32 v40, v1;
	v2 =	vadd.f32 @!p0 v13, v2  }
0xdd: {  	v3 =	vmax.f32 v3, v4;
	v5 =	vadd.f32 @!p0 v7, v5;
	v7 =	vmul.f32 @!p0 v6, v6  }
0xde: {  	v8 =	vmin.f32 v8, v4;
	v3 =	vmax.f32 v3, v1;
	v2 =	vadd.f32 @!p0 v6, v2  }
0xdf: {  	v41 =	vmin.f32 v8, v1;
	[tilespmem:s25+$0x44B0] =	vst v3;
	v3 =	vadd.f32 @!p0 v7, v5;
	v5 =	vmul.f32 @!p0 v12, v12  }
0xe0: {  	[tilespmem:s25+$0x48B0] =	vst v41;
	v2 =	vadd.f32 @!p0 v12, v2  }
0xe1: {  	v6 =	vld @!p0 [tilespmem:$0x4CB0];
	v3 =	vadd.f32 @!p0 v5, v3;
	v5 =	vmul.f32 @!p0 v4, v4  }
0xe2: {  	v2 =	vadd.f32 @!p0 v4, v2;
	v4 =	vld @!p0 [tilespmem:$0x4D30]  }
0xe3: {  	v3 =	vadd.f32 @!p0 v5, v3;
	v5 =	vmul.f32 @!p0 v1, v1  }
0xe4: {  	v1 =	vadd.f32 @!p0 v1, v2  }
0xe5: {  	v2 =	vadd.f32 @!p0 v5, v3  }
0xe6: {  	v1 =	vadd.f32 @!p0 v6, v1  }
0xe7: {  	v2 =	vadd.f32 @!p0 v4, v2  }
0xe8: {  	[tilespmem:$0x4CB0] =	vst @!p0 v1  }
0xe9: {  	[tilespmem:$0x4D30] =	vst @!p0 v2  }
0xea: {  	v1 =	vld [tilespmem:s25+$0x40C0]  }
0xeb: {  	v2 =	vld [tilespmem:s24+$0xFFFFFC40]  }
0xec: {  	v3 =	vld [tilespmem:s24+$0xFFFFFCC0]  }
0xed: {  	v42 =	vld [tilespmem:s24+$0xFFFFFD40]  }
0xee: {  	v43 =	vld [tilespmem:s24+$0xFFFFFDC0]  }
0xef: {  	v44 =	vld [tilespmem:s24+$0xFFFFFE40]  }
0xf0: {  	v45 =	vld [tilespmem:s24+$0xFFFFFEC0]  }
0xf1: {  	v49 =	vld [tilespmem:s24+$0xFFFFFFC0];
	_ =	sdelay $0x1  }
0xf2: {  	v2 =	vadd.f32 v2, v1;
	v3 =	vadd.f32 v3, v1  }
0xf3: {  	v4 =	vadd.f32 v42, v1;
	v5 =	vadd.f32 v43, v1  }
0xf4: {  	v51 =	vld [tilespmem:s24+$0xC0];
	v6 =	vadd.f32 v44, v1;
	v7 =	vadd.f32 v45, v1  }
0xf5: {  	v48 =	vld [tilespmem:s24+$0xFFFFFF40];
	v11 =	vadd.f32 v49, v1;
	v46 =	vmax.f32 v2, v3;
	v47 =	vmin.f32 v2, v3  }
0xf6: {  	v53 =	vld [tilespmem:s24+$0x1C0];
	v12 =	vmul.f32 @!p0 v2, v2;
	v13 =	vmul.f32 @!p0 v3, v3;
	v8 =	vmax.f32 v46, v4  }
0xf7: {  	v2 =	vadd.f32 @!p0 v3, v2;
	v9 =	vmin.f32 v47, v4;
	v8 =	vmax.f32 v8, v5  }
0xf8: {  	v3 =	vmax.f32 v8, v6;
	v8 =	vadd.f32 @!p0 v13, v12;
	v12 =	vmul.f32 @!p0 v4, v4  }
0xf9: {  	v10 =	vadd.f32 v51, v1;
	v9 =	vmin.f32 v9, v5;
	v2 =	vadd.f32 @!p0 v4, v2  }
0xfa: {  	v50 =	vld [tilespmem:s24+$0x40];
	v4 =	vadd.f32 v48, v1;
	v8 =	vadd.f32 @!p0 v12, v8;
	v12 =	vmul.f32 @!p0 v5, v5  }
0xfb: {  	v9 =	vmin.f32 v9, v6;
	v13 =	vadd.f32 v53, v1;
	v2 =	vadd.f32 @!p0 v5, v2  }
0xfc: {  	v56 =	vld [tilespmem:s24+$0x2C0];
	v3 =	vmax.f32 v3, v7;
	v5 =	vadd.f32 @!p0 v12, v8;
	v8 =	vmul.f32 @!p0 v6, v6  }
0xfd: {  	v9 =	vmin.f32 v9, v7;
	v3 =	vmax.f32 v3, v4;
	v2 =	vadd.f32 @!p0 v6, v2  }
0xfe: {  	v52 =	vld [tilespmem:s24+$0x140];
	v9 =	vmin.f32 v9, v4;
	v5 =	vadd.f32 @!p0 v8, v5;
	v8 =	vmul.f32 @!p0 v7, v7  }
0xff: {  	v3 =	vmax.f32 v3, v11;
	v6 =	vadd.f32 v50, v1;
	v2 =	vadd.f32 @!p0 v7, v2  }
0x100: {  	v9 =	vmin.f32 v9, v11;
	v7 =	vmul.f32 @!p0 v4, v4;
	v5 =	vadd.f32 @!p0 v8, v5  }
0x101: {  	v55 =	vld [tilespmem:s24+$0x240];
	v12 =	vadd.f32 v56, v1;
	v3 =	vmax.f32 v3, v6;
	v2 =	vadd.f32 @!p0 v4, v2  }
0x102: {  	v54 =	vmin.f32 v9, v6;
	v5 =	vadd.f32 @!p0 v7, v5;
	v7 =	vmul.f32 @!p0 v11, v11  }
0x103: {  	v3 =	vmax.f32 v3, v10;
	v4 =	vadd.f32 v52, v1;
	v2 =	vadd.f32 @!p0 v11, v2  }
0x104: {  	v8 =	vmin.f32 v54, v10;
	v5 =	vadd.f32 @!p0 v7, v5;
	v7 =	vmul.f32 @!p0 v6, v6  }
0x105: {  	v57 =	vld [tilespmem:s24+$0x340];
	v3 =	vmax.f32 v3, v4;
	v8 =	vmin.f32 v8, v4;
	v2 =	vadd.f32 @!p0 v6, v2  }
0x106: {  	v58 =	vld [tilespmem:s24+$0x3C0];
	v6 =	vadd.f32 v55, v1;
	v5 =	vadd.f32 @!p0 v7, v5;
	v7 =	vmul.f32 @!p0 v10, v10  }
0x107: {  	v3 =	vmax.f32 v3, v13;
	v8 =	vmin.f32 v8, v13;
	v2 =	vadd.f32 @!p0 v10, v2  }
0x108: {  	v3 =	vmax.f32 v3, v6;
	v5 =	vadd.f32 @!p0 v7, v5;
	v7 =	vmul.f32 @!p0 v4, v4  }
0x109: {  	v8 =	vmin.f32 v8, v6;
	v3 =	vmax.f32 v3, v12;
	v2 =	vadd.f32 @!p0 v4, v2  }
0x10a: {  	v4 =	vadd.f32 v57, v1;
	v5 =	vadd.f32 @!p0 v7, v5;
	v7 =	vmul.f32 @!p0 v13, v13  }
0x10b: {  	v8 =	vmin.f32 v8, v12;
	v1 =	vadd.f32 v58, v1;
	v2 =	vadd.f32 @!p0 v13, v2  }
0x10c: {  	v3 =	vmax.f32 v3, v4;
	v5 =	vadd.f32 @!p0 v7, v5;
	v7 =	vmul.f32 @!p0 v6, v6  }
0x10d: {  	v8 =	vmin.f32 v8, v4;
	v3 =	vmax.f32 v3, v1;
	v2 =	vadd.f32 @!p0 v6, v2  }
0x10e: {  	v59 =	vmin.f32 v8, v1;
	[tilespmem:s25+$0x44C0] =	vst v3;
	v3 =	vadd.f32 @!p0 v7, v5;
	v5 =	vmul.f32 @!p0 v12, v12  }
0x10f: {  	[tilespmem:s25+$0x48C0] =	vst v59;
	v2 =	vadd.f32 @!p0 v12, v2  }
0x110: {  	v6 =	vld @!p0 [tilespmem:$0x4CC0];
	v3 =	vadd.f32 @!p0 v5, v3;
	v5 =	vmul.f32 @!p0 v4, v4  }
0x111: {  	v2 =	vadd.f32 @!p0 v4, v2;
	v4 =	vld @!p0 [tilespmem:$0x4D40]  }
0x112: {  	v3 =	vadd.f32 @!p0 v5, v3;
	v5 =	vmul.f32 @!p0 v1, v1  }
0x113: {  	v1 =	vadd.f32 @!p0 v1, v2  }
0x114: {  	v2 =	vadd.f32 @!p0 v5, v3  }
0x115: {  	v1 =	vadd.f32 @!p0 v6, v1  }
0x116: {  	v2 =	vadd.f32 @!p0 v4, v2  }
0x117: {  	[tilespmem:$0x4CC0] =	vst @!p0 v1  }
0x118: {  	[tilespmem:$0x4D40] =	vst @!p0 v2  }
0x119: {  	v1 =	vld [tilespmem:s25+$0x40D0]  }
0x11a: {  	v2 =	vld [tilespmem:s24+$0xFFFFFC50]  }
0x11b: {  	v3 =	vld [tilespmem:s24+$0xFFFFFCD0]  }
0x11c: {  	v60 =	vld [tilespmem:s24+$0xFFFFFD50]  }
0x11d: {  	v61 =	vld [tilespmem:s24+$0xFFFFFDD0]  }
0x11e: {  	v62 =	vld [tilespmem:s24+$0xFFFFFE50]  }
0x11f: {  	v63 =	vld [tilespmem:s24+$0xFFFFFED0]  }
0x120: {  	v17 =	vld [tilespmem:s24+$0xFFFFFFD0];
	_ =	sdelay $0x1  }
0x121: {  	v2 =	vadd.f32 v2, v1;
	v3 =	vadd.f32 v3, v1  }
0x122: {  	v4 =	vadd.f32 v60, v1;
	v5 =	vadd.f32 v61, v1  }
0x123: {  	v19 =	vld [tilespmem:s24+$0xD0];
	v6 =	vadd.f32 v62, v1;
	v7 =	vadd.f32 v63, v1  }
0x124: {  	v16 =	vld [tilespmem:s24+$0xFFFFFF50];
	v11 =	vadd.f32 v17, v1;
	v14 =	vmax.f32 v2, v3;
	v15 =	vmin.f32 v2, v3  }
0x125: {  	v21 =	vld [tilespmem:s24+$0x1D0];
	v12 =	vmul.f32 @!p0 v2, v2;
	v13 =	vmul.f32 @!p0 v3, v3;
	v8 =	vmax.f32 v14, v4  }
0x126: {  	v2 =	vadd.f32 @!p0 v3, v2;
	v9 =	vmin.f32 v15, v4;
	v8 =	vmax.f32 v8, v5  }
0x127: {  	v3 =	vmax.f32 v8, v6;
	v8 =	vadd.f32 @!p0 v13, v12;
	v12 =	vmul.f32 @!p0 v4, v4  }
0x128: {  	v10 =	vadd.f32 v19, v1;
	v9 =	vmin.f32 v9, v5;
	v2 =	vadd.f32 @!p0 v4, v2  }
0x129: {  	v18 =	vld [tilespmem:s24+$0x50];
	v4 =	vadd.f32 v16, v1;
	v8 =	vadd.f32 @!p0 v12, v8;
	v12 =	vmul.f32 @!p0 v5, v5  }
0x12a: {  	v9 =	vmin.f32 v9, v6;
	v13 =	vadd.f32 v21, v1;
	v2 =	vadd.f32 @!p0 v5, v2  }
0x12b: {  	v24 =	vld [tilespmem:s24+$0x2D0];
	v3 =	vmax.f32 v3, v7;
	v5 =	vadd.f32 @!p0 v12, v8;
	v8 =	vmul.f32 @!p0 v6, v6  }
0x12c: {  	v9 =	vmin.f32 v9, v7;
	v3 =	vmax.f32 v3, v4;
	v2 =	vadd.f32 @!p0 v6, v2  }
0x12d: {  	v20 =	vld [tilespmem:s24+$0x150];
	v9 =	vmin.f32 v9, v4;
	v5 =	vadd.f32 @!p0 v8, v5;
	v8 =	vmul.f32 @!p0 v7, v7  }
0x12e: {  	v3 =	vmax.f32 v3, v11;
	v6 =	vadd.f32 v18, v1;
	v2 =	vadd.f32 @!p0 v7, v2  }
0x12f: {  	v9 =	vmin.f32 v9, v11;
	v7 =	vmul.f32 @!p0 v4, v4;
	v5 =	vadd.f32 @!p0 v8, v5  }
0x130: {  	v23 =	vld [tilespmem:s24+$0x250];
	v12 =	vadd.f32 v24, v1;
	v3 =	vmax.f32 v3, v6;
	v2 =	vadd.f32 @!p0 v4, v2  }
0x131: {  	v22 =	vmin.f32 v9, v6;
	v5 =	vadd.f32 @!p0 v7, v5;
	v7 =	vmul.f32 @!p0 v11, v11  }
0x132: {  	v3 =	vmax.f32 v3, v10;
	v4 =	vadd.f32 v20, v1;
	v2 =	vadd.f32 @!p0 v11, v2  }
0x133: {  	v8 =	vmin.f32 v22, v10;
	v5 =	vadd.f32 @!p0 v7, v5;
	v7 =	vmul.f32 @!p0 v6, v6  }
0x134: {  	v25 =	vld [tilespmem:s24+$0x350];
	v3 =	vmax.f32 v3, v4;
	v8 =	vmin.f32 v8, v4;
	v2 =	vadd.f32 @!p0 v6, v2  }
0x135: {  	v26 =	vld [tilespmem:s24+$0x3D0];
	v6 =	vadd.f32 v23, v1;
	v5 =	vadd.f32 @!p0 v7, v5;
	v7 =	vmul.f32 @!p0 v10, v10  }
0x136: {  	v3 =	vmax.f32 v3, v13;
	v8 =	vmin.f32 v8, v13;
	v2 =	vadd.f32 @!p0 v10, v2  }
0x137: {  	v3 =	vmax.f32 v3, v6;
	v5 =	vadd.f32 @!p0 v7, v5;
	v7 =	vmul.f32 @!p0 v4, v4  }
0x138: {  	v8 =	vmin.f32 v8, v6;
	v3 =	vmax.f32 v3, v12;
	v2 =	vadd.f32 @!p0 v4, v2  }
0x139: {  	v4 =	vadd.f32 v25, v1;
	v5 =	vadd.f32 @!p0 v7, v5;
	v7 =	vmul.f32 @!p0 v13, v13  }
0x13a: {  	v8 =	vmin.f32 v8, v12;
	v1 =	vadd.f32 v26, v1;
	v2 =	vadd.f32 @!p0 v13, v2  }
0x13b: {  	v3 =	vmax.f32 v3, v4;
	v5 =	vadd.f32 @!p0 v7, v5;
	v7 =	vmul.f32 @!p0 v6, v6  }
0x13c: {  	v8 =	vmin.f32 v8, v4;
	v3 =	vmax.f32 v3, v1;
	v2 =	vadd.f32 @!p0 v6, v2  }
0x13d: {  	v27 =	vmin.f32 v8, v1;
	[tilespmem:s25+$0x44D0] =	vst v3;
	v3 =	vadd.f32 @!p0 v7, v5;
	v5 =	vmul.f32 @!p0 v12, v12  }
0x13e: {  	[tilespmem:s25+$0x48D0] =	vst v27;
	v2 =	vadd.f32 @!p0 v12, v2  }
0x13f: {  	v6 =	vld @!p0 [tilespmem:$0x4CD0];
	v3 =	vadd.f32 @!p0 v5, v3;
	v5 =	vmul.f32 @!p0 v4, v4  }
0x140: {  	v2 =	vadd.f32 @!p0 v4, v2;
	v4 =	vld @!p0 [tilespmem:$0x4D50]  }
0x141: {  	v3 =	vadd.f32 @!p0 v5, v3;
	v5 =	vmul.f32 @!p0 v1, v1  }
0x142: {  	v1 =	vadd.f32 @!p0 v1, v2  }
0x143: {  	v2 =	vadd.f32 @!p0 v5, v3  }
0x144: {  	v1 =	vadd.f32 @!p0 v6, v1  }
0x145: {  	v2 =	vadd.f32 @!p0 v4, v2  }
0x146: {  	[tilespmem:$0x4CD0] =	vst @!p0 v1  }
0x147: {  	[tilespmem:$0x4D50] =	vst @!p0 v2  }
0x148: {  	v1 =	vld [tilespmem:s25+$0x40E0]  }
0x149: {  	v2 =	vld [tilespmem:s24+$0xFFFFFC60]  }
0x14a: {  	v3 =	vld [tilespmem:s24+$0xFFFFFCE0]  }
0x14b: {  	v28 =	vld [tilespmem:s24+$0xFFFFFD60]  }
0x14c: {  	v29 =	vld [tilespmem:s24+$0xFFFFFDE0]  }
0x14d: {  	v30 =	vld [tilespmem:s24+$0xFFFFFE60]  }
0x14e: {  	v31 =	vld [tilespmem:s24+$0xFFFFFEE0]  }
0x14f: {  	v35 =	vld [tilespmem:s24+$0xFFFFFFE0];
	_ =	sdelay $0x1  }
0x150: {  	v2 =	vadd.f32 v2, v1;
	v3 =	vadd.f32 v3, v1  }
0x151: {  	v4 =	vadd.f32 v28, v1;
	v5 =	vadd.f32 v29, v1  }
0x152: {  	v37 =	vld [tilespmem:s24+$0xE0];
	v6 =	vadd.f32 v30, v1;
	v7 =	vadd.f32 v31, v1  }
0x153: {  	v34 =	vld [tilespmem:s24+$0xFFFFFF60];
	v11 =	vadd.f32 v35, v1;
	v32 =	vmax.f32 v2, v3;
	v33 =	vmin.f32 v2, v3  }
0x154: {  	v39 =	vld [tilespmem:s24+$0x1E0];
	v12 =	vmul.f32 @!p0 v2, v2;
	v13 =	vmul.f32 @!p0 v3, v3;
	v8 =	vmax.f32 v32, v4  }
0x155: {  	v2 =	vadd.f32 @!p0 v3, v2;
	v9 =	vmin.f32 v33, v4;
	v8 =	vmax.f32 v8, v5  }
0x156: {  	v3 =	vmax.f32 v8, v6;
	v8 =	vadd.f32 @!p0 v13, v12;
	v12 =	vmul.f32 @!p0 v4, v4  }
0x157: {  	v10 =	vadd.f32 v37, v1;
	v9 =	vmin.f32 v9, v5;
	v2 =	vadd.f32 @!p0 v4, v2  }
0x158: {  	v36 =	vld [tilespmem:s24+$0x60];
	v4 =	vadd.f32 v34, v1;
	v8 =	vadd.f32 @!p0 v12, v8;
	v12 =	vmul.f32 @!p0 v5, v5  }
0x159: {  	v9 =	vmin.f32 v9, v6;
	v13 =	vadd.f32 v39, v1;
	v2 =	vadd.f32 @!p0 v5, v2  }
0x15a: {  	v42 =	vld [tilespmem:s24+$0x2E0];
	v3 =	vmax.f32 v3, v7;
	v5 =	vadd.f32 @!p0 v12, v8;
	v8 =	vmul.f32 @!p0 v6, v6  }
0x15b: {  	v9 =	vmin.f32 v9, v7;
	v3 =	vmax.f32 v3, v4;
	v2 =	vadd.f32 @!p0 v6, v2  }
0x15c: {  	v38 =	vld [tilespmem:s24+$0x160];
	v9 =	vmin.f32 v9, v4;
	v5 =	vadd.f32 @!p0 v8, v5;
	v8 =	vmul.f32 @!p0 v7, v7  }
0x15d: {  	v3 =	vmax.f32 v3, v11;
	v6 =	vadd.f32 v36, v1;
	v2 =	vadd.f32 @!p0 v7, v2  }
0x15e: {  	v9 =	vmin.f32 v9, v11;
	v7 =	vmul.f32 @!p0 v4, v4;
	v5 =	vadd.f32 @!p0 v8, v5  }
0x15f: {  	v41 =	vld [tilespmem:s24+$0x260];
	v12 =	vadd.f32 v42, v1;
	v3 =	vmax.f32 v3, v6;
	v2 =	vadd.f32 @!p0 v4, v2  }
0x160: {  	v40 =	vmin.f32 v9, v6;
	v5 =	vadd.f32 @!p0 v7, v5;
	v7 =	vmul.f32 @!p0 v11, v11  }
0x161: {  	v3 =	vmax.f32 v3, v10;
	v4 =	vadd.f32 v38, v1;
	v2 =	vadd.f32 @!p0 v11, v2  }
0x162: {  	v8 =	vmin.f32 v40, v10;
	v5 =	vadd.f32 @!p0 v7, v5;
	v7 =	vmul.f32 @!p0 v6, v6  }
0x163: {  	v43 =	vld [tilespmem:s24+$0x360];
	v3 =	vmax.f32 v3, v4;
	v8 =	vmin.f32 v8, v4;
	v2 =	vadd.f32 @!p0 v6, v2  }
0x164: {  	v44 =	vld [tilespmem:s24+$0x3E0];
	v6 =	vadd.f32 v41, v1;
	v5 =	vadd.f32 @!p0 v7, v5;
	v7 =	vmul.f32 @!p0 v10, v10  }
0x165: {  	v3 =	vmax.f32 v3, v13;
	v8 =	vmin.f32 v8, v13;
	v2 =	vadd.f32 @!p0 v10, v2  }
0x166: {  	v3 =	vmax.f32 v3, v6;
	v5 =	vadd.f32 @!p0 v7, v5;
	v7 =	vmul.f32 @!p0 v4, v4  }
0x167: {  	v8 =	vmin.f32 v8, v6;
	v3 =	vmax.f32 v3, v12;
	v2 =	vadd.f32 @!p0 v4, v2  }
0x168: {  	v4 =	vadd.f32 v43, v1;
	v5 =	vadd.f32 @!p0 v7, v5;
	v7 =	vmul.f32 @!p0 v13, v13  }
0x169: {  	v8 =	vmin.f32 v8, v12;
	v1 =	vadd.f32 v44, v1;
	v2 =	vadd.f32 @!p0 v13, v2  }
0x16a: {  	v3 =	vmax.f32 v3, v4;
	v5 =	vadd.f32 @!p0 v7, v5;
	v7 =	vmul.f32 @!p0 v6, v6  }
0x16b: {  	v8 =	vmin.f32 v8, v4;
	v3 =	vmax.f32 v3, v1;
	v2 =	vadd.f32 @!p0 v6, v2  }
0x16c: {  	v45 =	vmin.f32 v8, v1;
	[tilespmem:s25+$0x44E0] =	vst v3;
	v3 =	vadd.f32 @!p0 v7, v5;
	v5 =	vmul.f32 @!p0 v12, v12  }
0x16d: {  	[tilespmem:s25+$0x48E0] =	vst v45;
	v2 =	vadd.f32 @!p0 v12, v2  }
0x16e: {  	v6 =	vld @!p0 [tilespmem:$0x4CE0];
	v3 =	vadd.f32 @!p0 v5, v3;
	v5 =	vmul.f32 @!p0 v4, v4  }
0x16f: {  	v2 =	vadd.f32 @!p0 v4, v2;
	v4 =	vld @!p0 [tilespmem:$0x4D60]  }
0x170: {  	v3 =	vadd.f32 @!p0 v5, v3;
	v5 =	vmul.f32 @!p0 v1, v1  }
0x171: {  	v1 =	vadd.f32 @!p0 v1, v2  }
0x172: {  	v2 =	vadd.f32 @!p0 v5, v3  }
0x173: {  	v1 =	vadd.f32 @!p0 v6, v1  }
0x174: {  	v2 =	vadd.f32 @!p0 v4, v2  }
0x175: {  	[tilespmem:$0x4CE0] =	vst @!p0 v1  }
0x176: {  	[tilespmem:$0x4D60] =	vst @!p0 v2  }
0x177: {  	v1 =	vld [tilespmem:s25+$0x40F0]  }
0x178: {  	v2 =	vld [tilespmem:s24+$0xFFFFFC70]  }
0x179: {  	v3 =	vld [tilespmem:s24+$0xFFFFFCF0]  }
0x17a: {  	v46 =	vld [tilespmem:s24+$0xFFFFFD70]  }
0x17b: {  	v47 =	vld [tilespmem:s24+$0xFFFFFDF0]  }
0x17c: {  	v48 =	vld [tilespmem:s24+$0xFFFFFE70]  }
0x17d: {  	v49 =	vld [tilespmem:s24+$0xFFFFFEF0]  }
0x17e: {  	v53 =	vld [tilespmem:s24+$0xFFFFFFF0];
	_ =	sdelay $0x1  }
0x17f: {  	v2 =	vadd.f32 v2, v1;
	v3 =	vadd.f32 v3, v1  }
0x180: {  	v4 =	vadd.f32 v46, v1;
	v5 =	vadd.f32 v47, v1  }
0x181: {  	v55 =	vld [tilespmem:s24+$0xF0];
	v6 =	vadd.f32 v48, v1;
	v7 =	vadd.f32 v49, v1  }
0x182: {  	v52 =	vld [tilespmem:s24+$0xFFFFFF70];
	v11 =	vadd.f32 v53, v1;
	v50 =	vmax.f32 v2, v3;
	v51 =	vmin.f32 v2, v3  }
0x183: {  	v57 =	vld [tilespmem:s24+$0x1F0];
	v12 =	vmul.f32 @!p0 v2, v2;
	v13 =	vmul.f32 @!p0 v3, v3;
	v8 =	vmax.f32 v50, v4  }
0x184: {  	v2 =	vadd.f32 @!p0 v3, v2;
	v9 =	vmin.f32 v51, v4;
	v8 =	vmax.f32 v8, v5  }
0x185: {  	v3 =	vmax.f32 v8, v6;
	v8 =	vadd.f32 @!p0 v13, v12;
	v12 =	vmul.f32 @!p0 v4, v4  }
0x186: {  	v10 =	vadd.f32 v55, v1;
	v9 =	vmin.f32 v9, v5;
	v2 =	vadd.f32 @!p0 v4, v2  }
0x187: {  	v54 =	vld [tilespmem:s24+$0x70];
	v4 =	vadd.f32 v52, v1;
	v8 =	vadd.f32 @!p0 v12, v8;
	v12 =	vmul.f32 @!p0 v5, v5  }
0x188: {  	v9 =	vmin.f32 v9, v6;
	v13 =	vadd.f32 v57, v1;
	v2 =	vadd.f32 @!p0 v5, v2  }
0x189: {  	v60 =	vld [tilespmem:s24+$0x2F0];
	v3 =	vmax.f32 v3, v7;
	v5 =	vadd.f32 @!p0 v12, v8;
	v8 =	vmul.f32 @!p0 v6, v6  }
0x18a: {  	v9 =	vmin.f32 v9, v7;
	v3 =	vmax.f32 v3, v4;
	v2 =	vadd.f32 @!p0 v6, v2  }
0x18b: {  	v56 =	vld [tilespmem:s24+$0x170];
	v9 =	vmin.f32 v9, v4;
	v5 =	vadd.f32 @!p0 v8, v5;
	v8 =	vmul.f32 @!p0 v7, v7  }
0x18c: {  	v3 =	vmax.f32 v3, v11;
	v6 =	vadd.f32 v54, v1;
	v2 =	vadd.f32 @!p0 v7, v2  }
0x18d: {  	v9 =	vmin.f32 v9, v11;
	v7 =	vmul.f32 @!p0 v4, v4;
	v5 =	vadd.f32 @!p0 v8, v5  }
0x18e: {  	v59 =	vld [tilespmem:s24+$0x270];
	v12 =	vadd.f32 v60, v1;
	v3 =	vmax.f32 v3, v6;
	v2 =	vadd.f32 @!p0 v4, v2  }
0x18f: {  	v58 =	vmin.f32 v9, v6;
	v5 =	vadd.f32 @!p0 v7, v5;
	v7 =	vmul.f32 @!p0 v11, v11  }
0x190: {  	v3 =	vmax.f32 v3, v10;
	v4 =	vadd.f32 v56, v1;
	v2 =	vadd.f32 @!p0 v11, v2  }
0x191: {  	v8 =	vmin.f32 v58, v10;
	v5 =	vadd.f32 @!p0 v7, v5;
	v7 =	vmul.f32 @!p0 v6, v6  }
0x192: {  	v61 =	vld [tilespmem:s24+$0x370];
	v3 =	vmax.f32 v3, v4;
	v8 =	vmin.f32 v8, v4;
	v2 =	vadd.f32 @!p0 v6, v2  }
0x193: {  	v62 =	vld [tilespmem:s24+$0x3F0];
	v6 =	vadd.f32 v59, v1;
	v5 =	vadd.f32 @!p0 v7, v5;
	v7 =	vmul.f32 @!p0 v10, v10  }
0x194: {  	v3 =	vmax.f32 v3, v13;
	v8 =	vmin.f32 v8, v13;
	v2 =	vadd.f32 @!p0 v10, v2  }
0x195: {  	v3 =	vmax.f32 v3, v6;
	v5 =	vadd.f32 @!p0 v7, v5;
	v7 =	vmul.f32 @!p0 v4, v4  }
0x196: {  	v8 =	vmin.f32 v8, v6;
	v3 =	vmax.f32 v3, v12;
	v2 =	vadd.f32 @!p0 v4, v2  }
0x197: {  	v4 =	vadd.f32 v61, v1;
	v5 =	vadd.f32 @!p0 v7, v5;
	v7 =	vmul.f32 @!p0 v13, v13  }
0x198: {  	v8 =	vmin.f32 v8, v12;
	v1 =	vadd.f32 v62, v1;
	v2 =	vadd.f32 @!p0 v13, v2  }
0x199: {  	v3 =	vmax.f32 v3, v4;
	v5 =	vadd.f32 @!p0 v7, v5;
	v7 =	vmul.f32 @!p0 v6, v6  }
0x19a: {  	v8 =	vmin.f32 v8, v4;
	v3 =	vmax.f32 v3, v1;
	v2 =	vadd.f32 @!p0 v6, v2  }
0x19b: {  	v63 =	vmin.f32 v8, v1;
	[tilespmem:s25+$0x44F0] =	vst v3;
	v3 =	vadd.f32 @!p0 v7, v5;
	v5 =	vmul.f32 @!p0 v12, v12  }
0x19c: {  	[tilespmem:s25+$0x48F0] =	vst v63;
	v2 =	vadd.f32 @!p0 v12, v2  }
0x19d: {  	v6 =	vld @!p0 [tilespmem:$0x4CF0];
	v3 =	vadd.f32 @!p0 v5, v3;
	v5 =	vmul.f32 @!p0 v4, v4  }
0x19e: {  	v2 =	vadd.f32 @!p0 v4, v2;
	v4 =	vld @!p0 [tilespmem:$0x4D70]  }
0x19f: {  	s22 =	sadd.s32 $0x200, s22;
	v3 =	vadd.f32 @!p0 v5, v3;
	v5 =	vmul.f32 @!p0 v1, v1  }
0x1a0: {  	p1 =	sne.s32 s22, $0x1000;
	v1 =	vadd.f32 @!p0 v1, v2  }
.Ltmp0:
0x1a1: {  	v2 =	vadd.f32 @!p0 v5, v3;
	(pc) =	sbr.rel @p1 .LBB2_3-.Ltmp0, $4  }
0x1a2: {  	v1 =	vadd.f32 @!p0 v6, v1  }
0x1a3: {  	v2 =	vadd.f32 @!p0 v4, v2  }
0x1a4: {  	[tilespmem:$0x4CF0] =	vst @!p0 v1  }
0x1a5: {  	s24 =	sadd.s32 $0x800, s24;
	[tilespmem:$0x4D70] =	vst @!p0 v2  }
0x1a6: {  	s22 =	sadd.s32 s6, s23  }
0x1a7: {  	[hbm4b:s22+s2] =	stream.linear.scatter [tilespmem:s16], [sflag:$0x2], $0x400, $0x38;
	[tilespmem:$0x4D80] =	vst v63  }
0x1a8: {  	s21 =	sadd.s32 $0x1, s21;
	_ =	swait.ge [sflag:s12], $0x400  }
0x1a9: {  	p0 =	sne.s32 s21, $0x28;
	[sflag:s12] =	ssyncset.done $0x0  }
.Ltmp1:
0x1aa: {  	s31 =	sadd.s32 s7, s23;
	[sflag:s12] =	ssyncadd.s32 $0xFFFFFC00;
	(pc) =	sbr.rel @p0 .LBB2_2-.Ltmp1, $4  }
0x1ab: {  	[hbm4b:s31+s2] =	stream.linear.scatter [tilespmem:s17], [sflag:$0x2], $0x400, $0x38;
	[tilespmem:$0x4D80] =	vst v63  }
0x1ac: {  	_ =	swait.ge [sflag:s12], $0x400  }
0x1ad: {  	[sflag:s12] =	ssyncset.done $0x0  }
0x1ae: {  	[sflag:s12] =	ssyncadd.s32 $0xFFFFFC00  }
0x1af: {  	[hbm4b:s9+s2] =	stream.linear.scatter [tilespmem:s18], [sflag:$0x2], $0x80, $0x38;
	[tilespmem:$0x4D80] =	vst v63  }
0x1b0: {  	s20 =	sadd.s32 $0x1, s20;
	_ =	swait.ge [sflag:s12], $0x80  }
0x1b1: {  	p0 =	sne.s32 s20, s11;
	[sflag:s12] =	ssyncset.done $0x0  }
.Ltmp2:
0x1b2: {  	[sflag:s12] =	ssyncadd.s32 $0xFFFFFF80;
	(pc) =	sbr.rel @p0 .LBB2_1-.Ltmp2, $4  }
0x1b3: {  	[hbm4b:s10+s2] =	stream.linear.scatter [tilespmem:s19], [sflag:$0x2], $0x80, $0x38;
	[tilespmem:$0x4D80] =	vst v63  }
0x1b4: {  	_ =	swait.ge [sflag:s12], $0x80  }
0x1b5: {  	[sflag:s12] =	ssyncset.done $0x0  }
0x1b6: {  	[sflag:s12] =	ssyncadd.s32 $0xFFFFFF80  }
0x1b7: {  	_ =	sfence.sel $0x180000  }
0x1b8: {  	[bflag:$0x0] =	sbarrier.arrive $0xFFFF  }
0x1b9: {  	p0 =	sne.s32 s3, $0x0;
	_ =	strace $0x90000047  }
0x1ba: {  	s0 =	sadd.s32 @!p0 $0x100000, s0;
	[bflag:$0x2] =	sbarrier.arrive $0xFFFF  }
0x1bb: {  	[sflag:s0] =	ssyncadd.tile.s32 @!p0 $0x1;
	_ =	shalt  }
.Lfunc_end2:
_tile_overlayer_lowered:
.L_overlay_start_2:
0x1bc: {  	(tag) =	ssettag $0x2  }
0x1bd: {  	s0 =	rddreg [dreg:$0x0];
	s2 =	stileid.u32  }
0x1be: {  	s1 =	rddreg [dreg:$0x1];
	p0 =	sne.s32 s2, $0x0  }
0x1bf: {  	s3 =	rddreg [dreg:$0x2];
	[bflag:$0x3] =	sbarrier.arrive $0xFFFF;
	s2 =	simm.s32 @!p0 $0x1C02  }
0x1c0: {  	[timem:s3], [sflag:s2] =	dma.local @!p0 [hbm:s0], s1  }
0x1c1: {  	s0 =	simm.s32 @!p0 $0x2  }
0x1c2: {  	_ =	swait.ge @!p0 [sflag:s0], s1  }
0x1c3: {  	s1 =	ssub.s32 @!p0 $0x0, s1;
	[sflag:s0] =	ssyncset.done @!p0 $0x0  }
0x1c4: {  	[sflag:s0] =	ssyncadd.s32 @!p0 s1  }
0x1c5: {  	[bflag:$0x3] =	sbarrier.arrive $0xFFFF  }
0x1c6: {  	_ =	shalt  }

</sc_bundles>
